<compile_context>
chip_gen: v7x
topology: tpu7x:2x2x1
jax: 0.10.2.dev20260603
libtpu: 0.0.44.dev20260713+nightly
codegen_flags: <defaults>
</compile_context>

<pallas_src>
import functools

import jax
import jax.numpy as jnp
from jax import lax
from jax.experimental import pallas as pl
from jax.experimental.pallas import tpu as pltpu
from jax.experimental.pallas import tpu_sc as plsc

N_NODES = 10000
IN_DIM = 128
OUT_C = 64
HC = 128

NW = 32
HCH = 32
EPW = 10368
ET_PAD = NW * EPW
N_HALF = EPW // HCH
ACC_ROWS = 10240
DEN_ROWS = ACC_ROWS // 8


def _pre_body(x_ref, w_ref, as_ref, ad_ref, h_ref, asd_ref):
    xf = x_ref[...]
    xf = jnp.where(xf > 0, xf, jnp.exp(xf) - 1.0)
    h = jnp.dot(xf, w_ref[...], preferred_element_type=jnp.float32)
    h_ref[...] = h
    hs = h * as_ref[...]
    hd = h * ad_ref[...]
    a0 = jnp.sum(hs[:, :OUT_C], axis=1, keepdims=True)
    a1 = jnp.sum(hs[:, OUT_C:], axis=1, keepdims=True)
    b0 = jnp.sum(hd[:, :OUT_C], axis=1, keepdims=True)
    b1 = jnp.sum(hd[:, OUT_C:], axis=1, keepdims=True)
    z = jnp.zeros((h.shape[0], 124), jnp.float32)
    asd_ref[...] = jnp.concatenate([a0, a1, b0, b1, z], axis=1)


def _tc_pre(x, W, att_s, att_d):
    blk = 1000
    grid = N_NODES // blk
    return pl.pallas_call(
        _pre_body,
        grid=(grid,),
        in_specs=[
            pl.BlockSpec((blk, IN_DIM), lambda i: (i, 0)),
            pl.BlockSpec((IN_DIM, HC), lambda i: (0, 0)),
            pl.BlockSpec((1, HC), lambda i: (0, 0)),
            pl.BlockSpec((1, HC), lambda i: (0, 0)),
        ],
        out_specs=[
            pl.BlockSpec((blk, HC), lambda i: (i, 0)),
            pl.BlockSpec((blk, HC), lambda i: (i, 0)),
        ],
        out_shape=[
            jax.ShapeDtypeStruct((N_NODES, HC), jnp.float32),
            jax.ShapeDtypeStruct((N_NODES, HC), jnp.float32),
        ],
    )(x, W, att_s, att_d)


def _sc_body(h_hbm, asd_hbm, src_hbm, dst_hbm, accp_hbm, denp_hbm,
             rows0_v, rows1_v, as0_v, as1_v, ad0_v, ad1_v, wr0_v, wr1_v,
             src0_v, src1_v, dst0_v, dst1_v, d8_0_v, d8_1_v,
             w00_v, w01_v, w10_v, w11_v,
             acc_s, den_s, gsa0, gsa1, gsh0, gsh1, ss0, ss1):
    cid = lax.axis_index("c")
    sid = lax.axis_index("s")
    wid = sid * 2 + cid
    z16 = jnp.zeros((16,), jnp.float32)
    ramp = lax.iota(jnp.int32, 16)
    c0 = jnp.zeros((16,), jnp.int32)

    rows = (rows0_v, rows1_v)
    asb = (as0_v, as1_v)
    adb = (ad0_v, ad1_v)
    wrb = (wr0_v, wr1_v)
    srcb = (src0_v, src1_v)
    dstb = (dst0_v, dst1_v)
    d8b = (d8_0_v, d8_1_v)
    w0b = (w00_v, w01_v)
    w1b = (w10_v, w11_v)
    gsa = (gsa0, gsa1)
    gsh = (gsh0, gsh1)
    ssm = (ss0, ss1)

    def _zero(buf):
        def zr(e, _):
            for c in range(8):
                buf[e, pl.ds(c * 16, 16)] = z16
            return 0
        lax.fori_loop(0, HCH, zr, 0)

    _zero(rows0_v)
    _zero(wr0_v)
    _zero(wr1_v)

    abase = sid * (ACC_ROWS // 16)
    for i in range(20):
        pltpu.sync_copy(rows0_v, acc_s.at[pl.ds(abase + i * HCH, HCH)])
    dbase = sid * (DEN_ROWS // 16)
    for doff in (0, 24, 48):
        pltpu.sync_copy(wr0_v, den_s.at[pl.ds(dbase + doff, HCH)])
    plsc.subcore_barrier()

    ebase = wid * EPW
    last = ebase + (N_HALF - 1) * HCH

    def _stage(jn, b):
        base = jnp.minimum(ebase + jn * HCH, last)
        ca = pltpu.async_copy(src_hbm.at[pl.ds(base, HCH)], srcb[b], gsh[b])
        cb = pltpu.async_copy(dst_hbm.at[pl.ds(base, HCH)], dstb[b], gsh[b])
        ca.wait()
        cb.wait()
        pltpu.async_copy(asd_hbm.at[srcb[b]], asb[b], gsa[b])
        pltpu.async_copy(asd_hbm.at[dstb[b]], adb[b], gsa[b])
        pltpu.async_copy(h_hbm.at[srcb[b]], rows[b], gsh[b])

    def _compute(b, mid):
        pltpu.make_async_copy(asd_hbm.at[srcb[b]], asb[b], gsa[b]).wait()
        pltpu.make_async_copy(asd_hbm.at[dstb[b]], adb[b], gsa[b]).wait()
        for g in range(HCH // 16):
            eidx = ramp + g * 16
            d16 = dstb[b][pl.ds(g * 16, 16)]
            a0 = plsc.load_gather(asb[b], [eidx, c0]) + plsc.load_gather(adb[b], [eidx, c0 + 2])
            a1 = plsc.load_gather(asb[b], [eidx, c0 + 1]) + plsc.load_gather(adb[b], [eidx, c0 + 3])
            a0 = jnp.where(a0 > 0, a0, 0.2 * a0)
            a1 = jnp.where(a1 > 0, a1, 0.2 * a1)
            w0 = jnp.exp(a0)
            w1 = jnp.exp(a1)
            w0b[b][pl.ds(g * 16, 16)] = w0
            w1b[b][pl.ds(g * 16, 16)] = w1
            dmod = lax.rem(d16, 8)
            plsc.store_scatter(wrb[b], [eidx, dmod], w0)
            plsc.store_scatter(wrb[b], [eidx, dmod + OUT_C], w1)
            d8b[b][pl.ds(g * 16, 16)] = lax.div(d16, 8)

        mid()
        pltpu.make_async_copy(h_hbm.at[srcb[b]], rows[b], gsh[b]).wait()

        def _scale(e, _):
            e16 = jnp.full((16,), e, jnp.int32)
            w0 = plsc.load_gather(w0b[b], [e16])
            w1 = plsc.load_gather(w1b[b], [e16])
            for c in range(4):
                rows[b][e, pl.ds(c * 16, 16)] = rows[b][e, pl.ds(c * 16, 16)] * w0
            for c in range(4, 8):
                rows[b][e, pl.ds(c * 16, 16)] = rows[b][e, pl.ds(c * 16, 16)] * w1
            return 0
        lax.fori_loop(0, HCH, _scale, 0)

    def _issue_scatter(b):
        pltpu.async_copy(rows[b], acc_s.at[dstb[b]], ssm[b], add=True)
        pltpu.async_copy(wrb[b], den_s.at[d8b[b]], ssm[b], add=True)

    def _finish_scatter(b):
        pltpu.make_async_copy(rows[b], acc_s.at[dstb[b]], ssm[b]).wait()
        pltpu.make_async_copy(wrb[b], den_s.at[d8b[b]], ssm[b]).wait()
        for g in range(HCH // 16):
            eidx = ramp + g * 16
            dmod = lax.rem(dstb[b][pl.ds(g * 16, 16)], 8)
            plsc.store_scatter(wrb[b], [eidx, dmod], z16)
            plsc.store_scatter(wrb[b], [eidx, dmod + OUT_C], z16)

    _stage(0, 0)

    def _iter(i, _):
        def mid0():
            @pl.when(i > 0)
            def _():
                _finish_scatter(1)
            _stage(2 * i + 1, 1)

        _compute(0, mid0)
        _issue_scatter(0)

        def mid1():
            _finish_scatter(0)
            _stage(2 * i + 2, 0)

        _compute(1, mid1)
        _issue_scatter(1)
        return 0

    lax.fori_loop(0, N_HALF // 2, _iter, 0)
    _finish_scatter(1)
    pltpu.make_async_copy(asd_hbm.at[src0_v], as0_v, gsa0).wait()
    pltpu.make_async_copy(asd_hbm.at[dst0_v], ad0_v, gsa0).wait()
    pltpu.make_async_copy(h_hbm.at[src0_v], rows0_v, gsh0).wait()
    plsc.subcore_barrier()

    for i in range(20):
        off = abase + i * HCH
        pltpu.sync_copy(acc_s.at[pl.ds(off, HCH)], rows0_v)
        pltpu.sync_copy(rows0_v, accp_hbm.at[cid, pl.ds(off, HCH)])
    for doff in (0, 24, 48):
        pltpu.sync_copy(den_s.at[pl.ds(dbase + doff, HCH)], wr0_v)
        pltpu.sync_copy(wr0_v, denp_hbm.at[cid, pl.ds(dbase + doff, HCH)])


@jax.jit
def _sc_edge(h, asd, src, dst):
    mesh = plsc.VectorSubcoreMesh(core_axis_name="c", subcore_axis_name="s")
    k = pl.kernel(
        _sc_body,
        out_type=[
            jax.ShapeDtypeStruct((2, ACC_ROWS, HC), jnp.float32),
            jax.ShapeDtypeStruct((2, DEN_ROWS, HC), jnp.float32),
        ],
        mesh=mesh,
        compiler_params=pltpu.CompilerParams(needs_layout_passes=False),
        scratch_types=(
            [pltpu.VMEM((HCH, HC), jnp.float32)] * 8
            + [pltpu.VMEM((HCH,), jnp.int32)] * 6
            + [pltpu.VMEM((HCH,), jnp.float32)] * 4
            + [
                pltpu.VMEM_SHARED((ACC_ROWS, HC), jnp.float32),
                pltpu.VMEM_SHARED((DEN_ROWS, HC), jnp.float32),
            ]
            + [pltpu.SemaphoreType.DMA] * 6
        ),
    )
    return k(h, asd, src, dst)


def _post_body(accp_ref, dd_ref, bias_ref, out_ref):
    acc = accp_ref[0] + accp_ref[1]
    dd = dd_ref[...]
    d0 = dd[:, 0:1] + dd[:, 1:2]
    d1 = dd[:, 2:3] + dd[:, 3:4]
    dn = jnp.concatenate([
        jnp.broadcast_to(d0, (acc.shape[0], OUT_C)),
        jnp.broadcast_to(d1, (acc.shape[0], OUT_C)),
    ], axis=1)
    out_ref[...] = acc / (dn + 1e-16) + bias_ref[...]


def _tc_post(accp, dd, bias):
    blk = 1000
    grid = N_NODES // blk
    return pl.pallas_call(
        _post_body,
        grid=(grid,),
        in_specs=[
            pl.BlockSpec((2, blk, HC), lambda i: (0, i, 0)),
            pl.BlockSpec((blk, 4), lambda i: (i, 0)),
            pl.BlockSpec((1, HC), lambda i: (0, 0)),
        ],
        out_specs=pl.BlockSpec((blk, HC), lambda i: (i, 0)),
        out_shape=jax.ShapeDtypeStruct((N_NODES, HC), jnp.float32),
    )(accp, dd, bias)


def kernel(x, edge_index, W, att_src, att_dst, bias):
    h, asd = _tc_pre(x, W, att_src.reshape(1, HC), att_dst.reshape(1, HC))
    loops = jnp.arange(N_NODES, dtype=jnp.int32)
    pad = ET_PAD - (edge_index.shape[1] + N_NODES)
    src = jnp.concatenate(
        [edge_index[0].astype(jnp.int32), loops, jnp.zeros((pad,), jnp.int32)])
    dst = jnp.concatenate(
        [edge_index[1].astype(jnp.int32), loops,
         jnp.full((pad,), N_NODES, jnp.int32)])
    accp, denp = _sc_edge(h, asd, src, dst)
    dparts = []
    for s in range(2):
        for cbase in (0, OUT_C):
            dparts.append(
                denp[s, :DEN_ROWS, cbase:cbase + 8].reshape(-1)[:N_NODES, None])
    dd = jnp.concatenate([dparts[0], dparts[2], dparts[1], dparts[3]], axis=1)
    return _tc_post(accp[:, :N_NODES, :], dd, bias.reshape(1, HC))

# --- scband reference (transcript-rebuilt; emitter-appended) ---
"""Pipeline reference for scband-intra-graph-attention-12043088298418 (READ-ONLY COPY).

The authoritative reference and input builder live on the scoring server;
editing this copy changes nothing except your own understanding.
"""

import jax, jax.numpy as jnp
import numpy as np

N = 10000
E = 320000
IN_DIM = 128
HEADS = 2
OUT = 64


def setup_inputs(seed: int = 0) -> dict:
    key = jax.random.key(seed)
    k1, k2, k3, k4, k5 = jax.random.split(key, 5)
    x = jax.random.normal(k1, (N, IN_DIM), dtype=jnp.float32)
    edge_index = jax.random.randint(k2, (2, E), 0, N, dtype=jnp.int32)
    # GATConv learned parameters (PyG layout): lin weight [IN, H*C], att vectors [1, H, C], bias [H*C]
    W = jax.random.normal(k3, (IN_DIM, HEADS * OUT), dtype=jnp.float32) * 0.1
    att_src = jax.random.normal(k4, (1, HEADS, OUT), dtype=jnp.float32) * 0.1
    att_dst = jax.random.normal(k5, (1, HEADS, OUT), dtype=jnp.float32) * 0.1
    bias = jnp.zeros((HEADS * OUT,), dtype=jnp.float32)
    return {"x": x, "edge_index": edge_index, "W": W, "att_src": att_src, "att_dst": att_dst, "bias": bias}


def reference(x, edge_index, W, att_src, att_dst, bias):
    # IntraGraphAttention.forward: ELU on input features, then GATConv(IN, OUT, heads=2, concat=True)
    xf = jax.nn.elu(x)
    h = (xf @ W).reshape(N, HEADS, OUT)  # [N, H, C]
    # add self loops (GATConv default add_self_loops=True)
    loops = jnp.arange(N, dtype=edge_index.dtype)
    src = jnp.concatenate([edge_index[0], loops])
    dst = jnp.concatenate([edge_index[1], loops])
    # attention logits
    a_src = jnp.sum(h * att_src, axis=-1)  # [N, H]
    a_dst = jnp.sum(h * att_dst, axis=-1)  # [N, H]
    alpha = a_src[src] + a_dst[dst]        # [Et, H] (gather)
    alpha = jax.nn.leaky_relu(alpha, negative_slope=0.2)
    # segment softmax over incoming edges per destination node
    amax = jax.ops.segment_max(alpha, dst, num_segments=N)
    amax = jnp.where(jnp.isfinite(amax), amax, 0.0)
    amax = jax.lax.stop_gradient(amax)
    ex = jnp.exp(alpha - amax[dst])
    denom = jax.ops.segment_sum(ex, dst, num_segments=N)
    att = ex / (denom[dst] + 1e-16)        # [Et, H]
    # message passing: gather source features, weight, scatter-add to dst
    msg = h[src] * att[:, :, None]         # [Et, H, C]
    out = jax.ops.segment_sum(msg, dst, num_segments=N)  # [N, H, C]
    out = out.reshape(N, HEADS * OUT) + bias
    return out

if __name__ == "__main__":
    import jax
    _d = setup_inputs()
    print(jax.jit(kernel)(*tuple(_d.values())))

</pallas_src>

<mosaic_0001>
#map = affine_map<(d0, d1) -> (0, 0)>
#map1 = affine_map<(d0, d1) -> (0)>
#map2 = affine_map<(d0, d1) -> (0, 0, 0)>
module attributes {stable_mosaic.version = 14 : i64} {
  func.func @_sc_body(%arg0: i32, %arg1: i32, %arg2: memref<10000x128xf32, #tpu.memory_space<hbm>>, %arg3: memref<10000x128xf32, #tpu.memory_space<hbm>>, %arg4: memref<331776xi32, #tpu.memory_space<hbm>>, %arg5: memref<331776xi32, #tpu.memory_space<hbm>>, %arg6: memref<2x10240x128xf32, #tpu.memory_space<hbm>>, %arg7: memref<2x1280x128xf32, #tpu.memory_space<hbm>>, %arg8: memref<32x128xf32, #tpu.memory_space<vmem>>, %arg9: memref<32x128xf32, #tpu.memory_space<vmem>>, %arg10: memref<32x128xf32, #tpu.memory_space<vmem>>, %arg11: memref<32x128xf32, #tpu.memory_space<vmem>>, %arg12: memref<32x128xf32, #tpu.memory_space<vmem>>, %arg13: memref<32x128xf32, #tpu.memory_space<vmem>>, %arg14: memref<32x128xf32, #tpu.memory_space<vmem>>, %arg15: memref<32x128xf32, #tpu.memory_space<vmem>>, %arg16: memref<32xi32, #tpu.memory_space<vmem>>, %arg17: memref<32xi32, #tpu.memory_space<vmem>>, %arg18: memref<32xi32, #tpu.memory_space<vmem>>, %arg19: memref<32xi32, #tpu.memory_space<vmem>>, %arg20: memref<32xi32, #tpu.memory_space<vmem>>, %arg21: memref<32xi32, #tpu.memory_space<vmem>>, %arg22: memref<32xf32, #tpu.memory_space<vmem>>, %arg23: memref<32xf32, #tpu.memory_space<vmem>>, %arg24: memref<32xf32, #tpu.memory_space<vmem>>, %arg25: memref<32xf32, #tpu.memory_space<vmem>>, %arg26: memref<10240x128xf32, #tpu.memory_space<vmem_shared>>, %arg27: memref<1280x128xf32, #tpu.memory_space<vmem_shared>>, %arg28: memref<!tpu.dma_semaphore, #tpu.memory_space<semaphore_mem>>, %arg29: memref<!tpu.dma_semaphore, #tpu.memory_space<semaphore_mem>>, %arg30: memref<!tpu.dma_semaphore, #tpu.memory_space<semaphore_mem>>, %arg31: memref<!tpu.dma_semaphore, #tpu.memory_space<semaphore_mem>>, %arg32: memref<!tpu.dma_semaphore, #tpu.memory_space<semaphore_mem>>, %arg33: memref<!tpu.dma_semaphore, #tpu.memory_space<semaphore_mem>>) attributes {dimension_semantics = [#tpu.dimension_semantics<core_parallel>, #tpu.dimension_semantics<subcore_parallel>], iteration_bounds = array<i64: 2, 16>, scalar_prefetch = 0 : i64, scratch_operands = 26 : i64, tpu.core_type = #tpu.core_type<sc_vector_subcore>, window_params = [{transform_indices = #map}, {transform_indices = #map}, {transform_indices = #map1}, {transform_indices = #map1}, {transform_indices = #map2}, {transform_indices = #map2}]} {
    %mul3A = arith.constant 2 : i32
    %mul3A_0 = arith.muli %arg1, %mul3A : i32
    %add3A = arith.addi %mul3A_0, %arg0 : i32
    %broadcast_in_dim3A = arith.constant 0.000000e+00 : f32
    %broadcast_in_dim3A_1 = vector.broadcast %broadcast_in_dim3A : f32 to vector<16xf32>
    %iota3A = tpu.iota {dimensions = array<i32: 0>} : vector<16xi32>
    %broadcast_in_dim3A_2 = arith.constant 0 : i32
    %broadcast_in_dim3A_3 = vector.broadcast %broadcast_in_dim3A_2 : i32 to vector<16xi32>
    %scan3A = arith.constant 0 : i32
    %scan3A_4 = arith.constant 0 : i32
    %scan3A_5 = arith.constant 32 : i32
    %scan3A_6 = arith.addi %scan3A_4, %scan3A_5 : i32
    %scan3A_7 = arith.constant 1 : i32
    %scan3A_8 = scf.for %scan3A_190 = %scan3A_4 to %scan3A_6 step %scan3A_7 iter_args(%scan3A_191 = %scan3A) -> (i32)  : i32 {
      %swap3A = arith.index_cast %scan3A_190 : i32 to index
      %swap3A_192 = arith.constant 0 : index
      %swap3A_193 = tpu.vector_load %arg8[%swap3A, %swap3A_192] {strides = array<i32>} : memref<32x128xf32, #tpu.memory_space<vmem>>, vector<16xf32>,
      tpu.vector_store %arg8[%swap3A, %swap3A_192], %broadcast_in_dim3A_1 {strides = array<i32>} : memref<32x128xf32, #tpu.memory_space<vmem>>, vector<16xf32>,
      %swap3A_194 = arith.index_cast %scan3A_190 : i32 to index
      %swap3A_195 = arith.constant 16 : index
      %swap3A_196 = tpu.vector_load %arg8[%swap3A_194, %swap3A_195] {strides = array<i32>} : memref<32x128xf32, #tpu.memory_space<vmem>>, vector<16xf32>,
      tpu.vector_store %arg8[%swap3A_194, %swap3A_195], %broadcast_in_dim3A_1 {strides = array<i32>} : memref<32x128xf32, #tpu.memory_space<vmem>>, vector<16xf32>,
      %swap3A_197 = arith.index_cast %scan3A_190 : i32 to index
      %swap3A_198 = arith.constant 32 : index
      %swap3A_199 = tpu.vector_load %arg8[%swap3A_197, %swap3A_198] {strides = array<i32>} : memref<32x128xf32, #tpu.memory_space<vmem>>, vector<16xf32>,
      tpu.vector_store %arg8[%swap3A_197, %swap3A_198], %broadcast_in_dim3A_1 {strides = array<i32>} : memref<32x128xf32, #tpu.memory_space<vmem>>, vector<16xf32>,
      %swap3A_200 = arith.index_cast %scan3A_190 : i32 to index
      %swap3A_201 = arith.constant 48 : index
      %swap3A_202 = tpu.vector_load %arg8[%swap3A_200, %swap3A_201] {strides = array<i32>} : memref<32x128xf32, #tpu.memory_space<vmem>>, vector<16xf32>,
      tpu.vector_store %arg8[%swap3A_200, %swap3A_201], %broadcast_in_dim3A_1 {strides = array<i32>} : memref<32x128xf32, #tpu.memory_space<vmem>>, vector<16xf32>,
      %swap3A_203 = arith.index_cast %scan3A_190 : i32 to index
      %swap3A_204 = arith.constant 64 : index
      %swap3A_205 = tpu.vector_load %arg8[%swap3A_203, %swap3A_204] {strides = array<i32>} : memref<32x128xf32, #tpu.memory_space<vmem>>, vector<16xf32>,
      tpu.vector_store %arg8[%swap3A_203, %swap3A_204], %broadcast_in_dim3A_1 {strides = array<i32>} : memref<32x128xf32, #tpu.memory_space<vmem>>, vector<16xf32>,
      %swap3A_206 = arith.index_cast %scan3A_190 : i32 to index
      %swap3A_207 = arith.constant 80 : index
      %swap3A_208 = tpu.vector_load %arg8[%swap3A_206, %swap3A_207] {strides = array<i32>} : memref<32x128xf32, #tpu.memory_space<vmem>>, vector<16xf32>,
      tpu.vector_store %arg8[%swap3A_206, %swap3A_207], %broadcast_in_dim3A_1 {strides = array<i32>} : memref<32x128xf32, #tpu.memory_space<vmem>>, vector<16xf32>,
      %swap3A_209 = arith.index_cast %scan3A_190 : i32 to index
      %swap3A_210 = arith.constant 96 : index
      %swap3A_211 = tpu.vector_load %arg8[%swap3A_209, %swap3A_210] {strides = array<i32>} : memref<32x128xf32, #tpu.memory_space<vmem>>, vector<16xf32>,
      tpu.vector_store %arg8[%swap3A_209, %swap3A_210], %broadcast_in_dim3A_1 {strides = array<i32>} : memref<32x128xf32, #tpu.memory_space<vmem>>, vector<16xf32>,
      %swap3A_212 = arith.index_cast %scan3A_190 : i32 to index
      %swap3A_213 = arith.constant 112 : index
      %swap3A_214 = tpu.vector_load %arg8[%swap3A_212, %swap3A_213] {strides = array<i32>} : memref<32x128xf32, #tpu.memory_space<vmem>>, vector<16xf32>,
      tpu.vector_store %arg8[%swap3A_212, %swap3A_213], %broadcast_in_dim3A_1 {strides = array<i32>} : memref<32x128xf32, #tpu.memory_space<vmem>>, vector<16xf32>,
      %scan3A_215 = arith.constant 0 : i32
      scf.yield %scan3A_215 : i32
    }
    %scan3A_9 = arith.constant 32 : i32
    %scan3A_10 = arith.constant 0 : i32
    %scan3A_11 = arith.constant 0 : i32
    %scan3A_12 = arith.constant 32 : i32
    %scan3A_13 = arith.addi %scan3A_11, %scan3A_12 : i32
    %scan3A_14 = arith.constant 1 : i32
    %scan3A_15 = scf.for %scan3A_190 = %scan3A_11 to %scan3A_13 step %scan3A_14 iter_args(%scan3A_191 = %scan3A_10) -> (i32)  : i32 {
      %swap3A = arith.index_cast %scan3A_190 : i32 to index
      %swap3A_192 = arith.constant 0 : index
      %swap3A_193 = tpu.vector_load %arg14[%swap3A, %swap3A_192] {strides = array<i32>} : memref<32x128xf32, #tpu.memory_space<vmem>>, vector<16xf32>,
      tpu.vector_store %arg14[%swap3A, %swap3A_192], %broadcast_in_dim3A_1 {strides = array<i32>} : memref<32x128xf32, #tpu.memory_space<vmem>>, vector<16xf32>,
      %swap3A_194 = arith.index_cast %scan3A_190 : i32 to index
      %swap3A_195 = arith.constant 16 : index
      %swap3A_196 = tpu.vector_load %arg14[%swap3A_194, %swap3A_195] {strides = array<i32>} : memref<32x128xf32, #tpu.memory_space<vmem>>, vector<16xf32>,
      tpu.vector_store %arg14[%swap3A_194, %swap3A_195], %broadcast_in_dim3A_1 {strides = array<i32>} : memref<32x128xf32, #tpu.memory_space<vmem>>, vector<16xf32>,
      %swap3A_197 = arith.index_cast %scan3A_190 : i32 to index
      %swap3A_198 = arith.constant 32 : index
      %swap3A_199 = tpu.vector_load %arg14[%swap3A_197, %swap3A_198] {strides = array<i32>} : memref<32x128xf32, #tpu.memory_space<vmem>>, vector<16xf32>,
      tpu.vector_store %arg14[%swap3A_197, %swap3A_198], %broadcast_in_dim3A_1 {strides = array<i32>} : memref<32x128xf32, #tpu.memory_space<vmem>>, vector<16xf32>,
      %swap3A_200 = arith.index_cast %scan3A_190 : i32 to index
      %swap3A_201 = arith.constant 48 : index
      %swap3A_202 = tpu.vector_load %arg14[%swap3A_200, %swap3A_201] {strides = array<i32>} : memref<32x128xf32, #tpu.memory_space<vmem>>, vector<16xf32>,
      tpu.vector_store %arg14[%swap3A_200, %swap3A_201], %broadcast_in_dim3A_1 {strides = array<i32>} : memref<32x128xf32, #tpu.memory_space<vmem>>, vector<16xf32>,
      %swap3A_203 = arith.index_cast %scan3A_190 : i32 to index
      %swap3A_204 = arith.constant 64 : index
      %swap3A_205 = tpu.vector_load %arg14[%swap3A_203, %swap3A_204] {strides = array<i32>} : memref<32x128xf32, #tpu.memory_space<vmem>>, vector<16xf32>,
      tpu.vector_store %arg14[%swap3A_203, %swap3A_204], %broadcast_in_dim3A_1 {strides = array<i32>} : memref<32x128xf32, #tpu.memory_space<vmem>>, vector<16xf32>,
      %swap3A_206 = arith.index_cast %scan3A_190 : i32 to index
      %swap3A_207 = arith.constant 80 : index
      %swap3A_208 = tpu.vector_load %arg14[%swap3A_206, %swap3A_207] {strides = array<i32>} : memref<32x128xf32, #tpu.memory_space<vmem>>, vector<16xf32>,
      tpu.vector_store %arg14[%swap3A_206, %swap3A_207], %broadcast_in_dim3A_1 {strides = array<i32>} : memref<32x128xf32, #tpu.memory_space<vmem>>, vector<16xf32>,
      %swap3A_209 = arith.index_cast %scan3A_190 : i32 to index
      %swap3A_210 = arith.constant 96 : index
      %swap3A_211 = tpu.vector_load %arg14[%swap3A_209, %swap3A_210] {strides = array<i32>} : memref<32x128xf32, #tpu.memory_space<vmem>>, vector<16xf32>,
      tpu.vector_store %arg14[%swap3A_209, %swap3A_210], %broadcast_in_dim3A_1 {strides = array<i32>} : memref<32x128xf32, #tpu.memory_space<vmem>>, vector<16xf32>,
      %swap3A_212 = arith.index_cast %scan3A_190 : i32 to index
      %swap3A_213 = arith.constant 112 : index
      %swap3A_214 = tpu.vector_load %arg14[%swap3A_212, %swap3A_213] {strides = array<i32>} : memref<32x128xf32, #tpu.memory_space<vmem>>, vector<16xf32>,
      tpu.vector_store %arg14[%swap3A_212, %swap3A_213], %broadcast_in_dim3A_1 {strides = array<i32>} : memref<32x128xf32, #tpu.memory_space<vmem>>, vector<16xf32>,
      %scan3A_215 = arith.constant 0 : i32
      scf.yield %scan3A_215 : i32
    }
    %scan3A_16 = arith.constant 32 : i32
    %scan3A_17 = arith.constant 0 : i32
    %scan3A_18 = arith.constant 0 : i32
    %scan3A_19 = arith.constant 32 : i32
    %scan3A_20 = arith.addi %scan3A_18, %scan3A_19 : i32
    %scan3A_21 = arith.constant 1 : i32
    %scan3A_22 = scf.for %scan3A_190 = %scan3A_18 to %scan3A_20 step %scan3A_21 iter_args(%scan3A_191 = %scan3A_17) -> (i32)  : i32 {
      %swap3A = arith.index_cast %scan3A_190 : i32 to index
      %swap3A_192 = arith.constant 0 : index
      %swap3A_193 = tpu.vector_load %arg15[%swap3A, %swap3A_192] {strides = array<i32>} : memref<32x128xf32, #tpu.memory_space<vmem>>, vector<16xf32>,
      tpu.vector_store %arg15[%swap3A, %swap3A_192], %broadcast_in_dim3A_1 {strides = array<i32>} : memref<32x128xf32, #tpu.memory_space<vmem>>, vector<16xf32>,
      %swap3A_194 = arith.index_cast %scan3A_190 : i32 to index
      %swap3A_195 = arith.constant 16 : index
      %swap3A_196 = tpu.vector_load %arg15[%swap3A_194, %swap3A_195] {strides = array<i32>} : memref<32x128xf32, #tpu.memory_space<vmem>>, vector<16xf32>,
      tpu.vector_store %arg15[%swap3A_194, %swap3A_195], %broadcast_in_dim3A_1 {strides = array<i32>} : memref<32x128xf32, #tpu.memory_space<vmem>>, vector<16xf32>,
      %swap3A_197 = arith.index_cast %scan3A_190 : i32 to index
      %swap3A_198 = arith.constant 32 : index
      %swap3A_199 = tpu.vector_load %arg15[%swap3A_197, %swap3A_198] {strides = array<i32>} : memref<32x128xf32, #tpu.memory_space<vmem>>, vector<16xf32>,
      tpu.vector_store %arg15[%swap3A_197, %swap3A_198], %broadcast_in_dim3A_1 {strides = array<i32>} : memref<32x128xf32, #tpu.memory_space<vmem>>, vector<16xf32>,
      %swap3A_200 = arith.index_cast %scan3A_190 : i32 to index
      %swap3A_201 = arith.constant 48 : index
      %swap3A_202 = tpu.vector_load %arg15[%swap3A_200, %swap3A_201] {strides = array<i32>} : memref<32x128xf32, #tpu.memory_space<vmem>>, vector<16xf32>,
      tpu.vector_store %arg15[%swap3A_200, %swap3A_201], %broadcast_in_dim3A_1 {strides = array<i32>} : memref<32x128xf32, #tpu.memory_space<vmem>>, vector<16xf32>,
      %swap3A_203 = arith.index_cast %scan3A_190 : i32 to index
      %swap3A_204 = arith.constant 64 : index
      %swap3A_205 = tpu.vector_load %arg15[%swap3A_203, %swap3A_204] {strides = array<i32>} : memref<32x128xf32, #tpu.memory_space<vmem>>, vector<16xf32>,
      tpu.vector_store %arg15[%swap3A_203, %swap3A_204], %broadcast_in_dim3A_1 {strides = array<i32>} : memref<32x128xf32, #tpu.memory_space<vmem>>, vector<16xf32>,
      %swap3A_206 = arith.index_cast %scan3A_190 : i32 to index
      %swap3A_207 = arith.constant 80 : index
      %swap3A_208 = tpu.vector_load %arg15[%swap3A_206, %swap3A_207] {strides = array<i32>} : memref<32x128xf32, #tpu.memory_space<vmem>>, vector<16xf32>,
      tpu.vector_store %arg15[%swap3A_206, %swap3A_207], %broadcast_in_dim3A_1 {strides = array<i32>} : memref<32x128xf32, #tpu.memory_space<vmem>>, vector<16xf32>,
      %swap3A_209 = arith.index_cast %scan3A_190 : i32 to index
      %swap3A_210 = arith.constant 96 : index
      %swap3A_211 = tpu.vector_load %arg15[%swap3A_209, %swap3A_210] {strides = array<i32>} : memref<32x128xf32, #tpu.memory_space<vmem>>, vector<16xf32>,
      tpu.vector_store %arg15[%swap3A_209, %swap3A_210], %broadcast_in_dim3A_1 {strides = array<i32>} : memref<32x128xf32, #tpu.memory_space<vmem>>, vector<16xf32>,
      %swap3A_212 = arith.index_cast %scan3A_190 : i32 to index
      %swap3A_213 = arith.constant 112 : index
      %swap3A_214 = tpu.vector_load %arg15[%swap3A_212, %swap3A_213] {strides = array<i32>} : memref<32x128xf32, #tpu.memory_space<vmem>>, vector<16xf32>,
      tpu.vector_store %arg15[%swap3A_212, %swap3A_213], %broadcast_in_dim3A_1 {strides = array<i32>} : memref<32x128xf32, #tpu.memory_space<vmem>>, vector<16xf32>,
      %scan3A_215 = arith.constant 0 : i32
      scf.yield %scan3A_215 : i32
    }
    %scan3A_23 = arith.constant 32 : i32
    %mul3A_24 = arith.constant 640 : i32
    %mul3A_25 = arith.muli %arg1, %mul3A_24 : i32
    %add3A_26 = arith.constant 0 : i32
    %add3A_27 = arith.addi %mul3A_25, %add3A_26 : i32
    "tpu.region"() ({
      %run_scoped3A = tpu.sem_alloc : memref<!tpu.dma_semaphore, #tpu.memory_space<semaphore_mem>>
      %dma_start3A_190 = arith.constant 0 : i32
      %dma_start3A_191 = tpu.memref_slice %arg26[%add3A_27, %dma_start3A_190] : memref<10240x128xf32, #tpu.memory_space<vmem_shared>> -> memref<32x128xf32, #tpu.memory_space<vmem_shared>>
      %dma_start3A_192 = arith.constant 0 : i32
      %dma_start3A_193 = tpu.memref_slice %arg26[%add3A_27, %dma_start3A_192] : memref<10240x128xf32, #tpu.memory_space<vmem_shared>> -> memref<32x128xf32, #tpu.memory_space<vmem_shared>>
      tpu.enqueue_dma source(%arg8 : memref<32x128xf32, #tpu.memory_space<vmem>>) target(%dma_start3A_193 : memref<32x128xf32, #tpu.memory_space<vmem_shared>>) target_semaphore(%run_scoped3A : memref<!tpu.dma_semaphore, #tpu.memory_space<semaphore_mem>>)
      %dma_wait3A_194 = arith.constant 0 : i32
      %dma_wait3A_195 = tpu.memref_slice %arg26[%add3A_27, %dma_wait3A_194] : memref<10240x128xf32, #tpu.memory_space<vmem_shared>> -> memref<32x128xf32, #tpu.memory_space<vmem_shared>>
      %dma_wait3A_196 = arith.constant 0 : i32
      %dma_wait3A_197 = tpu.memref_slice %arg26[%add3A_27, %dma_wait3A_196] : memref<10240x128xf32, #tpu.memory_space<vmem_shared>> -> memref<32x128xf32, #tpu.memory_space<vmem_shared>>
      tpu.wait_dma2 semaphore(%run_scoped3A : memref<!tpu.dma_semaphore, #tpu.memory_space<semaphore_mem>>) src(%arg8 : memref<32x128xf32, #tpu.memory_space<vmem>>) dst(%dma_wait3A_197 : memref<32x128xf32, #tpu.memory_space<vmem_shared>>)
      tpu.yield
    }) : () -> ()
    %add3A_28 = arith.constant 32 : i32
    %add3A_29 = arith.addi %mul3A_25, %add3A_28 : i32
    "tpu.region"() ({
      %run_scoped3A = tpu.sem_alloc : memref<!tpu.dma_semaphore, #tpu.memory_space<semaphore_mem>>
      %dma_start3A_190 = arith.constant 0 : i32
      %dma_start3A_191 = tpu.memref_slice %arg26[%add3A_29, %dma_start3A_190] : memref<10240x128xf32, #tpu.memory_space<vmem_shared>> -> memref<32x128xf32, #tpu.memory_space<vmem_shared>>
      %dma_start3A_192 = arith.constant 0 : i32
      %dma_start3A_193 = tpu.memref_slice %arg26[%add3A_29, %dma_start3A_192] : memref<10240x128xf32, #tpu.memory_space<vmem_shared>> -> memref<32x128xf32, #tpu.memory_space<vmem_shared>>
      tpu.enqueue_dma source(%arg8 : memref<32x128xf32, #tpu.memory_space<vmem>>) target(%dma_start3A_193 : memref<32x128xf32, #tpu.memory_space<vmem_shared>>) target_semaphore(%run_scoped3A : memref<!tpu.dma_semaphore, #tpu.memory_space<semaphore_mem>>)
      %dma_wait3A_194 = arith.constant 0 : i32
      %dma_wait3A_195 = tpu.memref_slice %arg26[%add3A_29, %dma_wait3A_194] : memref<10240x128xf32, #tpu.memory_space<vmem_shared>> -> memref<32x128xf32, #tpu.memory_space<vmem_shared>>
      %dma_wait3A_196 = arith.constant 0 : i32
      %dma_wait3A_197 = tpu.memref_slice %arg26[%add3A_29, %dma_wait3A_196] : memref<10240x128xf32, #tpu.memory_space<vmem_shared>> -> memref<32x128xf32, #tpu.memory_space<vmem_shared>>
      tpu.wait_dma2 semaphore(%run_scoped3A : memref<!tpu.dma_semaphore, #tpu.memory_space<semaphore_mem>>) src(%arg8 : memref<32x128xf32, #tpu.memory_space<vmem>>) dst(%dma_wait3A_197 : memref<32x128xf32, #tpu.memory_space<vmem_shared>>)
      tpu.yield
    }) : () -> ()
    %add3A_30 = arith.constant 64 : i32
    %add3A_31 = arith.addi %mul3A_25, %add3A_30 : i32
    "tpu.region"() ({
      %run_scoped3A = tpu.sem_alloc : memref<!tpu.dma_semaphore, #tpu.memory_space<semaphore_mem>>
      %dma_start3A_190 = arith.constant 0 : i32
      %dma_start3A_191 = tpu.memref_slice %arg26[%add3A_31, %dma_start3A_190] : memref<10240x128xf32, #tpu.memory_space<vmem_shared>> -> memref<32x128xf32, #tpu.memory_space<vmem_shared>>
      %dma_start3A_192 = arith.constant 0 : i32
      %dma_start3A_193 = tpu.memref_slice %arg26[%add3A_31, %dma_start3A_192] : memref<10240x128xf32, #tpu.memory_space<vmem_shared>> -> memref<32x128xf32, #tpu.memory_space<vmem_shared>>
      tpu.enqueue_dma source(%arg8 : memref<32x128xf32, #tpu.memory_space<vmem>>) target(%dma_start3A_193 : memref<32x128xf32, #tpu.memory_space<vmem_shared>>) target_semaphore(%run_scoped3A : memref<!tpu.dma_semaphore, #tpu.memory_space<semaphore_mem>>)
      %dma_wait3A_194 = arith.constant 0 : i32
      %dma_wait3A_195 = tpu.memref_slice %arg26[%add3A_31, %dma_wait3A_194] : memref<10240x128xf32, #tpu.memory_space<vmem_shared>> -> memref<32x128xf32, #tpu.memory_space<vmem_shared>>
      %dma_wait3A_196 = arith.constant 0 : i32
      %dma_wait3A_197 = tpu.memref_slice %arg26[%add3A_31, %dma_wait3A_196] : memref<10240x128xf32, #tpu.memory_space<vmem_shared>> -> memref<32x128xf32, #tpu.memory_space<vmem_shared>>
      tpu.wait_dma2 semaphore(%run_scoped3A : memref<!tpu.dma_semaphore, #tpu.memory_space<semaphore_mem>>) src(%arg8 : memref<32x128xf32, #tpu.memory_space<vmem>>) dst(%dma_wait3A_197 : memref<32x128xf32, #tpu.memory_space<vmem_shared>>)
      tpu.yield
    }) : () -> ()
    %add3A_32 = arith.constant 96 : i32
    %add3A_33 = arith.addi %mul3A_25, %add3A_32 : i32
    "tpu.region"() ({
      %run_scoped3A = tpu.sem_alloc : memref<!tpu.dma_semaphore, #tpu.memory_space<semaphore_mem>>
      %dma_start3A_190 = arith.constant 0 : i32
      %dma_start3A_191 = tpu.memref_slice %arg26[%add3A_33, %dma_start3A_190] : memref<10240x128xf32, #tpu.memory_space<vmem_shared>> -> memref<32x128xf32, #tpu.memory_space<vmem_shared>>
      %dma_start3A_192 = arith.constant 0 : i32
      %dma_start3A_193 = tpu.memref_slice %arg26[%add3A_33, %dma_start3A_192] : memref<10240x128xf32, #tpu.memory_space<vmem_shared>> -> memref<32x128xf32, #tpu.memory_space<vmem_shared>>
      tpu.enqueue_dma source(%arg8 : memref<32x128xf32, #tpu.memory_space<vmem>>) target(%dma_start3A_193 : memref<32x128xf32, #tpu.memory_space<vmem_shared>>) target_semaphore(%run_scoped3A : memref<!tpu.dma_semaphore, #tpu.memory_space<semaphore_mem>>)
      %dma_wait3A_194 = arith.constant 0 : i32
      %dma_wait3A_195 = tpu.memref_slice %arg26[%add3A_33, %dma_wait3A_194] : memref<10240x128xf32, #tpu.memory_space<vmem_shared>> -> memref<32x128xf32, #tpu.memory_space<vmem_shared>>
      %dma_wait3A_196 = arith.constant 0 : i32
      %dma_wait3A_197 = tpu.memref_slice %arg26[%add3A_33, %dma_wait3A_196] : memref<10240x128xf32, #tpu.memory_space<vmem_shared>> -> memref<32x128xf32, #tpu.memory_space<vmem_shared>>
      tpu.wait_dma2 semaphore(%run_scoped3A : memref<!tpu.dma_semaphore, #tpu.memory_space<semaphore_mem>>) src(%arg8 : memref<32x128xf32, #tpu.memory_space<vmem>>) dst(%dma_wait3A_197 : memref<32x128xf32, #tpu.memory_space<vmem_shared>>)
      tpu.yield
    }) : () -> ()
    %add3A_34 = arith.constant 128 : i32
    %add3A_35 = arith.addi %mul3A_25, %add3A_34 : i32
    "tpu.region"() ({
      %run_scoped3A = tpu.sem_alloc : memref<!tpu.dma_semaphore, #tpu.memory_space<semaphore_mem>>
      %dma_start3A_190 = arith.constant 0 : i32
      %dma_start3A_191 = tpu.memref_slice %arg26[%add3A_35, %dma_start3A_190] : memref<10240x128xf32, #tpu.memory_space<vmem_shared>> -> memref<32x128xf32, #tpu.memory_space<vmem_shared>>
      %dma_start3A_192 = arith.constant 0 : i32
      %dma_start3A_193 = tpu.memref_slice %arg26[%add3A_35, %dma_start3A_192] : memref<10240x128xf32, #tpu.memory_space<vmem_shared>> -> memref<32x128xf32, #tpu.memory_space<vmem_shared>>
      tpu.enqueue_dma source(%arg8 : memref<32x128xf32, #tpu.memory_space<vmem>>) target(%dma_start3A_193 : memref<32x128xf32, #tpu.memory_space<vmem_shared>>) target_semaphore(%run_scoped3A : memref<!tpu.dma_semaphore, #tpu.memory_space<semaphore_mem>>)
      %dma_wait3A_194 = arith.constant 0 : i32
      %dma_wait3A_195 = tpu.memref_slice %arg26[%add3A_35, %dma_wait3A_194] : memref<10240x128xf32, #tpu.memory_space<vmem_shared>> -> memref<32x128xf32, #tpu.memory_space<vmem_shared>>
      %dma_wait3A_196 = arith.constant 0 : i32
      %dma_wait3A_197 = tpu.memref_slice %arg26[%add3A_35, %dma_wait3A_196] : memref<10240x128xf32, #tpu.memory_space<vmem_shared>> -> memref<32x128xf32, #tpu.memory_space<vmem_shared>>
      tpu.wait_dma2 semaphore(%run_scoped3A : memref<!tpu.dma_semaphore, #tpu.memory_space<semaphore_mem>>) src(%arg8 : memref<32x128xf32, #tpu.memory_space<vmem>>) dst(%dma_wait3A_197 : memref<32x128xf32, #tpu.memory_space<vmem_shared>>)
      tpu.yield
    }) : () -> ()
    %add3A_36 = arith.constant 160 : i32
    %add3A_37 = arith.addi %mul3A_25, %add3A_36 : i32
    "tpu.region"() ({
      %run_scoped3A = tpu.sem_alloc : memref<!tpu.dma_semaphore, #tpu.memory_space<semaphore_mem>>
      %dma_start3A_190 = arith.constant 0 : i32
      %dma_start3A_191 = tpu.memref_slice %arg26[%add3A_37, %dma_start3A_190] : memref<10240x128xf32, #tpu.memory_space<vmem_shared>> -> memref<32x128xf32, #tpu.memory_space<vmem_shared>>
      %dma_start3A_192 = arith.constant 0 : i32
      %dma_start3A_193 = tpu.memref_slice %arg26[%add3A_37, %dma_start3A_192] : memref<10240x128xf32, #tpu.memory_space<vmem_shared>> -> memref<32x128xf32, #tpu.memory_space<vmem_shared>>
      tpu.enqueue_dma source(%arg8 : memref<32x128xf32, #tpu.memory_space<vmem>>) target(%dma_start3A_193 : memref<32x128xf32, #tpu.memory_space<vmem_shared>>) target_semaphore(%run_scoped3A : memref<!tpu.dma_semaphore, #tpu.memory_space<semaphore_mem>>)
      %dma_wait3A_194 = arith.constant 0 : i32
      %dma_wait3A_195 = tpu.memref_slice %arg26[%add3A_37, %dma_wait3A_194] : memref<10240x128xf32, #tpu.memory_space<vmem_shared>> -> memref<32x128xf32, #tpu.memory_space<vmem_shared>>
      %dma_wait3A_196 = arith.constant 0 : i32
      %dma_wait3A_197 = tpu.memref_slice %arg26[%add3A_37, %dma_wait3A_196] : memref<10240x128xf32, #tpu.memory_space<vmem_shared>> -> memref<32x128xf32, #tpu.memory_space<vmem_shared>>
      tpu.wait_dma2 semaphore(%run_scoped3A : memref<!tpu.dma_semaphore, #tpu.memory_space<semaphore_mem>>) src(%arg8 : memref<32x128xf32, #tpu.memory_space<vmem>>) dst(%dma_wait3A_197 : memref<32x128xf32, #tpu.memory_space<vmem_shared>>)
      tpu.yield
    }) : () -> ()
    %add3A_38 = arith.constant 192 : i32
    %add3A_39 = arith.addi %mul3A_25, %add3A_38 : i32
    "tpu.region"() ({
      %run_scoped3A = tpu.sem_alloc : memref<!tpu.dma_semaphore, #tpu.memory_space<semaphore_mem>>
      %dma_start3A_190 = arith.constant 0 : i32
      %dma_start3A_191 = tpu.memref_slice %arg26[%add3A_39, %dma_start3A_190] : memref<10240x128xf32, #tpu.memory_space<vmem_shared>> -> memref<32x128xf32, #tpu.memory_space<vmem_shared>>
      %dma_start3A_192 = arith.constant 0 : i32
      %dma_start3A_193 = tpu.memref_slice %arg26[%add3A_39, %dma_start3A_192] : memref<10240x128xf32, #tpu.memory_space<vmem_shared>> -> memref<32x128xf32, #tpu.memory_space<vmem_shared>>
      tpu.enqueue_dma source(%arg8 : memref<32x128xf32, #tpu.memory_space<vmem>>) target(%dma_start3A_193 : memref<32x128xf32, #tpu.memory_space<vmem_shared>>) target_semaphore(%run_scoped3A : memref<!tpu.dma_semaphore, #tpu.memory_space<semaphore_mem>>)
      %dma_wait3A_194 = arith.constant 0 : i32
      %dma_wait3A_195 = tpu.memref_slice %arg26[%add3A_39, %dma_wait3A_194] : memref<10240x128xf32, #tpu.memory_space<vmem_shared>> -> memref<32x128xf32, #tpu.memory_space<vmem_shared>>
      %dma_wait3A_196 = arith.constant 0 : i32
      %dma_wait3A_197 = tpu.memref_slice %arg26[%add3A_39, %dma_wait3A_196] : memref<10240x128xf32, #tpu.memory_space<vmem_shared>> -> memref<32x128xf32, #tpu.memory_space<vmem_shared>>
      tpu.wait_dma2 semaphore(%run_scoped3A : memref<!tpu.dma_semaphore, #tpu.memory_space<semaphore_mem>>) src(%arg8 : memref<32x128xf32, #tpu.memory_space<vmem>>) dst(%dma_wait3A_197 : memref<32x128xf32, #tpu.memory_space<vmem_shared>>)
      tpu.yield
    }) : () -> ()
    %add3A_40 = arith.constant 224 : i32
    %add3A_41 = arith.addi %mul3A_25, %add3A_40 : i32
    "tpu.region"() ({
      %run_scoped3A = tpu.sem_alloc : memref<!tpu.dma_semaphore, #tpu.memory_space<semaphore_mem>>
      %dma_start3A_190 = arith.constant 0 : i32
      %dma_start3A_191 = tpu.memref_slice %arg26[%add3A_41, %dma_start3A_190] : memref<10240x128xf32, #tpu.memory_space<vmem_shared>> -> memref<32x128xf32, #tpu.memory_space<vmem_shared>>
      %dma_start3A_192 = arith.constant 0 : i32
      %dma_start3A_193 = tpu.memref_slice %arg26[%add3A_41, %dma_start3A_192] : memref<10240x128xf32, #tpu.memory_space<vmem_shared>> -> memref<32x128xf32, #tpu.memory_space<vmem_shared>>
      tpu.enqueue_dma source(%arg8 : memref<32x128xf32, #tpu.memory_space<vmem>>) target(%dma_start3A_193 : memref<32x128xf32, #tpu.memory_space<vmem_shared>>) target_semaphore(%run_scoped3A : memref<!tpu.dma_semaphore, #tpu.memory_space<semaphore_mem>>)
      %dma_wait3A_194 = arith.constant 0 : i32
      %dma_wait3A_195 = tpu.memref_slice %arg26[%add3A_41, %dma_wait3A_194] : memref<10240x128xf32, #tpu.memory_space<vmem_shared>> -> memref<32x128xf32, #tpu.memory_space<vmem_shared>>
      %dma_wait3A_196 = arith.constant 0 : i32
      %dma_wait3A_197 = tpu.memref_slice %arg26[%add3A_41, %dma_wait3A_196] : memref<10240x128xf32, #tpu.memory_space<vmem_shared>> -> memref<32x128xf32, #tpu.memory_space<vmem_shared>>
      tpu.wait_dma2 semaphore(%run_scoped3A : memref<!tpu.dma_semaphore, #tpu.memory_space<semaphore_mem>>) src(%arg8 : memref<32x128xf32, #tpu.memory_space<vmem>>) dst(%dma_wait3A_197 : memref<32x128xf32, #tpu.memory_space<vmem_shared>>)
      tpu.yield
    }) : () -> ()
    %add3A_42 = arith.constant 256 : i32
    %add3A_43 = arith.addi %mul3A_25, %add3A_42 : i32
    "tpu.region"() ({
      %run_scoped3A = tpu.sem_alloc : memref<!tpu.dma_semaphore, #tpu.memory_space<semaphore_mem>>
      %dma_start3A_190 = arith.constant 0 : i32
      %dma_start3A_191 = tpu.memref_slice %arg26[%add3A_43, %dma_start3A_190] : memref<10240x128xf32, #tpu.memory_space<vmem_shared>> -> memref<32x128xf32, #tpu.memory_space<vmem_shared>>
      %dma_start3A_192 = arith.constant 0 : i32
      %dma_start3A_193 = tpu.memref_slice %arg26[%add3A_43, %dma_start3A_192] : memref<10240x128xf32, #tpu.memory_space<vmem_shared>> -> memref<32x128xf32, #tpu.memory_space<vmem_shared>>
      tpu.enqueue_dma source(%arg8 : memref<32x128xf32, #tpu.memory_space<vmem>>) target(%dma_start3A_193 : memref<32x128xf32, #tpu.memory_space<vmem_shared>>) target_semaphore(%run_scoped3A : memref<!tpu.dma_semaphore, #tpu.memory_space<semaphore_mem>>)
      %dma_wait3A_194 = arith.constant 0 : i32
      %dma_wait3A_195 = tpu.memref_slice %arg26[%add3A_43, %dma_wait3A_194] : memref<10240x128xf32, #tpu.memory_space<vmem_shared>> -> memref<32x128xf32, #tpu.memory_space<vmem_shared>>
      %dma_wait3A_196 = arith.constant 0 : i32
      %dma_wait3A_197 = tpu.memref_slice %arg26[%add3A_43, %dma_wait3A_196] : memref<10240x128xf32, #tpu.memory_space<vmem_shared>> -> memref<32x128xf32, #tpu.memory_space<vmem_shared>>
      tpu.wait_dma2 semaphore(%run_scoped3A : memref<!tpu.dma_semaphore, #tpu.memory_space<semaphore_mem>>) src(%arg8 : memref<32x128xf32, #tpu.memory_space<vmem>>) dst(%dma_wait3A_197 : memref<32x128xf32, #tpu.memory_space<vmem_shared>>)
      tpu.yield
    }) : () -> ()
    %add3A_44 = arith.constant 288 : i32
    %add3A_45 = arith.addi %mul3A_25, %add3A_44 : i32
    "tpu.region"() ({
      %run_scoped3A = tpu.sem_alloc : memref<!tpu.dma_semaphore, #tpu.memory_space<semaphore_mem>>
      %dma_start3A_190 = arith.constant 0 : i32
      %dma_start3A_191 = tpu.memref_slice %arg26[%add3A_45, %dma_start3A_190] : memref<10240x128xf32, #tpu.memory_space<vmem_shared>> -> memref<32x128xf32, #tpu.memory_space<vmem_shared>>
      %dma_start3A_192 = arith.constant 0 : i32
      %dma_start3A_193 = tpu.memref_slice %arg26[%add3A_45, %dma_start3A_192] : memref<10240x128xf32, #tpu.memory_space<vmem_shared>> -> memref<32x128xf32, #tpu.memory_space<vmem_shared>>
      tpu.enqueue_dma source(%arg8 : memref<32x128xf32, #tpu.memory_space<vmem>>) target(%dma_start3A_193 : memref<32x128xf32, #tpu.memory_space<vmem_shared>>) target_semaphore(%run_scoped3A : memref<!tpu.dma_semaphore, #tpu.memory_space<semaphore_mem>>)
      %dma_wait3A_194 = arith.constant 0 : i32
      %dma_wait3A_195 = tpu.memref_slice %arg26[%add3A_45, %dma_wait3A_194] : memref<10240x128xf32, #tpu.memory_space<vmem_shared>> -> memref<32x128xf32, #tpu.memory_space<vmem_shared>>
      %dma_wait3A_196 = arith.constant 0 : i32
      %dma_wait3A_197 = tpu.memref_slice %arg26[%add3A_45, %dma_wait3A_196] : memref<10240x128xf32, #tpu.memory_space<vmem_shared>> -> memref<32x128xf32, #tpu.memory_space<vmem_shared>>
      tpu.wait_dma2 semaphore(%run_scoped3A : memref<!tpu.dma_semaphore, #tpu.memory_space<semaphore_mem>>) src(%arg8 : memref<32x128xf32, #tpu.memory_space<vmem>>) dst(%dma_wait3A_197 : memref<32x128xf32, #tpu.memory_space<vmem_shared>>)
      tpu.yield
    }) : () -> ()
    %add3A_46 = arith.constant 320 : i32
    %add3A_47 = arith.addi %mul3A_25, %add3A_46 : i32
    "tpu.region"() ({
      %run_scoped3A = tpu.sem_alloc : memref<!tpu.dma_semaphore, #tpu.memory_space<semaphore_mem>>
      %dma_start3A_190 = arith.constant 0 : i32
      %dma_start3A_191 = tpu.memref_slice %arg26[%add3A_47, %dma_start3A_190] : memref<10240x128xf32, #tpu.memory_space<vmem_shared>> -> memref<32x128xf32, #tpu.memory_space<vmem_shared>>
      %dma_start3A_192 = arith.constant 0 : i32
      %dma_start3A_193 = tpu.memref_slice %arg26[%add3A_47, %dma_start3A_192] : memref<10240x128xf32, #tpu.memory_space<vmem_shared>> -> memref<32x128xf32, #tpu.memory_space<vmem_shared>>
      tpu.enqueue_dma source(%arg8 : memref<32x128xf32, #tpu.memory_space<vmem>>) target(%dma_start3A_193 : memref<32x128xf32, #tpu.memory_space<vmem_shared>>) target_semaphore(%run_scoped3A : memref<!tpu.dma_semaphore, #tpu.memory_space<semaphore_mem>>)
      %dma_wait3A_194 = arith.constant 0 : i32
      %dma_wait3A_195 = tpu.memref_slice %arg26[%add3A_47, %dma_wait3A_194] : memref<10240x128xf32, #tpu.memory_space<vmem_shared>> -> memref<32x128xf32, #tpu.memory_space<vmem_shared>>
      %dma_wait3A_196 = arith.constant 0 : i32
      %dma_wait3A_197 = tpu.memref_slice %arg26[%add3A_47, %dma_wait3A_196] : memref<10240x128xf32, #tpu.memory_space<vmem_shared>> -> memref<32x128xf32, #tpu.memory_space<vmem_shared>>
      tpu.wait_dma2 semaphore(%run_scoped3A : memref<!tpu.dma_semaphore, #tpu.memory_space<semaphore_mem>>) src(%arg8 : memref<32x128xf32, #tpu.memory_space<vmem>>) dst(%dma_wait3A_197 : memref<32x128xf32, #tpu.memory_space<vmem_shared>>)
      tpu.yield
    }) : () -> ()
    %add3A_48 = arith.constant 352 : i32
    %add3A_49 = arith.addi %mul3A_25, %add3A_48 : i32
    "tpu.region"() ({
      %run_scoped3A = tpu.sem_alloc : memref<!tpu.dma_semaphore, #tpu.memory_space<semaphore_mem>>
      %dma_start3A_190 = arith.constant 0 : i32
      %dma_start3A_191 = tpu.memref_slice %arg26[%add3A_49, %dma_start3A_190] : memref<10240x128xf32, #tpu.memory_space<vmem_shared>> -> memref<32x128xf32, #tpu.memory_space<vmem_shared>>
      %dma_start3A_192 = arith.constant 0 : i32
      %dma_start3A_193 = tpu.memref_slice %arg26[%add3A_49, %dma_start3A_192] : memref<10240x128xf32, #tpu.memory_space<vmem_shared>> -> memref<32x128xf32, #tpu.memory_space<vmem_shared>>
      tpu.enqueue_dma source(%arg8 : memref<32x128xf32, #tpu.memory_space<vmem>>) target(%dma_start3A_193 : memref<32x128xf32, #tpu.memory_space<vmem_shared>>) target_semaphore(%run_scoped3A : memref<!tpu.dma_semaphore, #tpu.memory_space<semaphore_mem>>)
      %dma_wait3A_194 = arith.constant 0 : i32
      %dma_wait3A_195 = tpu.memref_slice %arg26[%add3A_49, %dma_wait3A_194] : memref<10240x128xf32, #tpu.memory_space<vmem_shared>> -> memref<32x128xf32, #tpu.memory_space<vmem_shared>>
      %dma_wait3A_196 = arith.constant 0 : i32
      %dma_wait3A_197 = tpu.memref_slice %arg26[%add3A_49, %dma_wait3A_196] : memref<10240x128xf32, #tpu.memory_space<vmem_shared>> -> memref<32x128xf32, #tpu.memory_space<vmem_shared>>
      tpu.wait_dma2 semaphore(%run_scoped3A : memref<!tpu.dma_semaphore, #tpu.memory_space<semaphore_mem>>) src(%arg8 : memref<32x128xf32, #tpu.memory_space<vmem>>) dst(%dma_wait3A_197 : memref<32x128xf32, #tpu.memory_space<vmem_shared>>)
      tpu.yield
    }) : () -> ()
    %add3A_50 = arith.constant 384 : i32
    %add3A_51 = arith.addi %mul3A_25, %add3A_50 : i32
    "tpu.region"() ({
      %run_scoped3A = tpu.sem_alloc : memref<!tpu.dma_semaphore, #tpu.memory_space<semaphore_mem>>
      %dma_start3A_190 = arith.constant 0 : i32
      %dma_start3A_191 = tpu.memref_slice %arg26[%add3A_51, %dma_start3A_190] : memref<10240x128xf32, #tpu.memory_space<vmem_shared>> -> memref<32x128xf32, #tpu.memory_space<vmem_shared>>
      %dma_start3A_192 = arith.constant 0 : i32
      %dma_start3A_193 = tpu.memref_slice %arg26[%add3A_51, %dma_start3A_192] : memref<10240x128xf32, #tpu.memory_space<vmem_shared>> -> memref<32x128xf32, #tpu.memory_space<vmem_shared>>
      tpu.enqueue_dma source(%arg8 : memref<32x128xf32, #tpu.memory_space<vmem>>) target(%dma_start3A_193 : memref<32x128xf32, #tpu.memory_space<vmem_shared>>) target_semaphore(%run_scoped3A : memref<!tpu.dma_semaphore, #tpu.memory_space<semaphore_mem>>)
      %dma_wait3A_194 = arith.constant 0 : i32
      %dma_wait3A_195 = tpu.memref_slice %arg26[%add3A_51, %dma_wait3A_194] : memref<10240x128xf32, #tpu.memory_space<vmem_shared>> -> memref<32x128xf32, #tpu.memory_space<vmem_shared>>
      %dma_wait3A_196 = arith.constant 0 : i32
      %dma_wait3A_197 = tpu.memref_slice %arg26[%add3A_51, %dma_wait3A_196] : memref<10240x128xf32, #tpu.memory_space<vmem_shared>> -> memref<32x128xf32, #tpu.memory_space<vmem_shared>>
      tpu.wait_dma2 semaphore(%run_scoped3A : memref<!tpu.dma_semaphore, #tpu.memory_space<semaphore_mem>>) src(%arg8 : memref<32x128xf32, #tpu.memory_space<vmem>>) dst(%dma_wait3A_197 : memref<32x128xf32, #tpu.memory_space<vmem_shared>>)
      tpu.yield
    }) : () -> ()
    %add3A_52 = arith.constant 416 : i32
    %add3A_53 = arith.addi %mul3A_25, %add3A_52 : i32
    "tpu.region"() ({
      %run_scoped3A = tpu.sem_alloc : memref<!tpu.dma_semaphore, #tpu.memory_space<semaphore_mem>>
      %dma_start3A_190 = arith.constant 0 : i32
      %dma_start3A_191 = tpu.memref_slice %arg26[%add3A_53, %dma_start3A_190] : memref<10240x128xf32, #tpu.memory_space<vmem_shared>> -> memref<32x128xf32, #tpu.memory_space<vmem_shared>>
      %dma_start3A_192 = arith.constant 0 : i32
      %dma_start3A_193 = tpu.memref_slice %arg26[%add3A_53, %dma_start3A_192] : memref<10240x128xf32, #tpu.memory_space<vmem_shared>> -> memref<32x128xf32, #tpu.memory_space<vmem_shared>>
      tpu.enqueue_dma source(%arg8 : memref<32x128xf32, #tpu.memory_space<vmem>>) target(%dma_start3A_193 : memref<32x128xf32, #tpu.memory_space<vmem_shared>>) target_semaphore(%run_scoped3A : memref<!tpu.dma_semaphore, #tpu.memory_space<semaphore_mem>>)
      %dma_wait3A_194 = arith.constant 0 : i32
      %dma_wait3A_195 = tpu.memref_slice %arg26[%add3A_53, %dma_wait3A_194] : memref<10240x128xf32, #tpu.memory_space<vmem_shared>> -> memref<32x128xf32, #tpu.memory_space<vmem_shared>>
      %dma_wait3A_196 = arith.constant 0 : i32
      %dma_wait3A_197 = tpu.memref_slice %arg26[%add3A_53, %dma_wait3A_196] : memref<10240x128xf32, #tpu.memory_space<vmem_shared>> -> memref<32x128xf32, #tpu.memory_space<vmem_shared>>
      tpu.wait_dma2 semaphore(%run_scoped3A : memref<!tpu.dma_semaphore, #tpu.memory_space<semaphore_mem>>) src(%arg8 : memref<32x128xf32, #tpu.memory_space<vmem>>) dst(%dma_wait3A_197 : memref<32x128xf32, #tpu.memory_space<vmem_shared>>)
      tpu.yield
    }) : () -> ()
    %add3A_54 = arith.constant 448 : i32
    %add3A_55 = arith.addi %mul3A_25, %add3A_54 : i32
    "tpu.region"() ({
      %run_scoped3A = tpu.sem_alloc : memref<!tpu.dma_semaphore, #tpu.memory_space<semaphore_mem>>
      %dma_start3A_190 = arith.constant 0 : i32
      %dma_start3A_191 = tpu.memref_slice %arg26[%add3A_55, %dma_start3A_190] : memref<10240x128xf32, #tpu.memory_space<vmem_shared>> -> memref<32x128xf32, #tpu.memory_space<vmem_shared>>
      %dma_start3A_192 = arith.constant 0 : i32
      %dma_start3A_193 = tpu.memref_slice %arg26[%add3A_55, %dma_start3A_192] : memref<10240x128xf32, #tpu.memory_space<vmem_shared>> -> memref<32x128xf32, #tpu.memory_space<vmem_shared>>
      tpu.enqueue_dma source(%arg8 : memref<32x128xf32, #tpu.memory_space<vmem>>) target(%dma_start3A_193 : memref<32x128xf32, #tpu.memory_space<vmem_shared>>) target_semaphore(%run_scoped3A : memref<!tpu.dma_semaphore, #tpu.memory_space<semaphore_mem>>)
      %dma_wait3A_194 = arith.constant 0 : i32
      %dma_wait3A_195 = tpu.memref_slice %arg26[%add3A_55, %dma_wait3A_194] : memref<10240x128xf32, #tpu.memory_space<vmem_shared>> -> memref<32x128xf32, #tpu.memory_space<vmem_shared>>
      %dma_wait3A_196 = arith.constant 0 : i32
      %dma_wait3A_197 = tpu.memref_slice %arg26[%add3A_55, %dma_wait3A_196] : memref<10240x128xf32, #tpu.memory_space<vmem_shared>> -> memref<32x128xf32, #tpu.memory_space<vmem_shared>>
      tpu.wait_dma2 semaphore(%run_scoped3A : memref<!tpu.dma_semaphore, #tpu.memory_space<semaphore_mem>>) src(%arg8 : memref<32x128xf32, #tpu.memory_space<vmem>>) dst(%dma_wait3A_197 : memref<32x128xf32, #tpu.memory_space<vmem_shared>>)
      tpu.yield
    }) : () -> ()
    %add3A_56 = arith.constant 480 : i32
    %add3A_57 = arith.addi %mul3A_25, %add3A_56 : i32
    "tpu.region"() ({
      %run_scoped3A = tpu.sem_alloc : memref<!tpu.dma_semaphore, #tpu.memory_space<semaphore_mem>>
      %dma_start3A_190 = arith.constant 0 : i32
      %dma_start3A_191 = tpu.memref_slice %arg26[%add3A_57, %dma_start3A_190] : memref<10240x128xf32, #tpu.memory_space<vmem_shared>> -> memref<32x128xf32, #tpu.memory_space<vmem_shared>>
      %dma_start3A_192 = arith.constant 0 : i32
      %dma_start3A_193 = tpu.memref_slice %arg26[%add3A_57, %dma_start3A_192] : memref<10240x128xf32, #tpu.memory_space<vmem_shared>> -> memref<32x128xf32, #tpu.memory_space<vmem_shared>>
      tpu.enqueue_dma source(%arg8 : memref<32x128xf32, #tpu.memory_space<vmem>>) target(%dma_start3A_193 : memref<32x128xf32, #tpu.memory_space<vmem_shared>>) target_semaphore(%run_scoped3A : memref<!tpu.dma_semaphore, #tpu.memory_space<semaphore_mem>>)
      %dma_wait3A_194 = arith.constant 0 : i32
      %dma_wait3A_195 = tpu.memref_slice %arg26[%add3A_57, %dma_wait3A_194] : memref<10240x128xf32, #tpu.memory_space<vmem_shared>> -> memref<32x128xf32, #tpu.memory_space<vmem_shared>>
      %dma_wait3A_196 = arith.constant 0 : i32
      %dma_wait3A_197 = tpu.memref_slice %arg26[%add3A_57, %dma_wait3A_196] : memref<10240x128xf32, #tpu.memory_space<vmem_shared>> -> memref<32x128xf32, #tpu.memory_space<vmem_shared>>
      tpu.wait_dma2 semaphore(%run_scoped3A : memref<!tpu.dma_semaphore, #tpu.memory_space<semaphore_mem>>) src(%arg8 : memref<32x128xf32, #tpu.memory_space<vmem>>) dst(%dma_wait3A_197 : memref<32x128xf32, #tpu.memory_space<vmem_shared>>)
      tpu.yield
    }) : () -> ()
    %add3A_58 = arith.constant 512 : i32
    %add3A_59 = arith.addi %mul3A_25, %add3A_58 : i32
    "tpu.region"() ({
      %run_scoped3A = tpu.sem_alloc : memref<!tpu.dma_semaphore, #tpu.memory_space<semaphore_mem>>
      %dma_start3A_190 = arith.constant 0 : i32
      %dma_start3A_191 = tpu.memref_slice %arg26[%add3A_59, %dma_start3A_190] : memref<10240x128xf32, #tpu.memory_space<vmem_shared>> -> memref<32x128xf32, #tpu.memory_space<vmem_shared>>
      %dma_start3A_192 = arith.constant 0 : i32
      %dma_start3A_193 = tpu.memref_slice %arg26[%add3A_59, %dma_start3A_192] : memref<10240x128xf32, #tpu.memory_space<vmem_shared>> -> memref<32x128xf32, #tpu.memory_space<vmem_shared>>
      tpu.enqueue_dma source(%arg8 : memref<32x128xf32, #tpu.memory_space<vmem>>) target(%dma_start3A_193 : memref<32x128xf32, #tpu.memory_space<vmem_shared>>) target_semaphore(%run_scoped3A : memref<!tpu.dma_semaphore, #tpu.memory_space<semaphore_mem>>)
      %dma_wait3A_194 = arith.constant 0 : i32
      %dma_wait3A_195 = tpu.memref_slice %arg26[%add3A_59, %dma_wait3A_194] : memref<10240x128xf32, #tpu.memory_space<vmem_shared>> -> memref<32x128xf32, #tpu.memory_space<vmem_shared>>
      %dma_wait3A_196 = arith.constant 0 : i32
      %dma_wait3A_197 = tpu.memref_slice %arg26[%add3A_59, %dma_wait3A_196] : memref<10240x128xf32, #tpu.memory_space<vmem_shared>> -> memref<32x128xf32, #tpu.memory_space<vmem_shared>>
      tpu.wait_dma2 semaphore(%run_scoped3A : memref<!tpu.dma_semaphore, #tpu.memory_space<semaphore_mem>>) src(%arg8 : memref<32x128xf32, #tpu.memory_space<vmem>>) dst(%dma_wait3A_197 : memref<32x128xf32, #tpu.memory_space<vmem_shared>>)
      tpu.yield
    }) : () -> ()
    %add3A_60 = arith.constant 544 : i32
    %add3A_61 = arith.addi %mul3A_25, %add3A_60 : i32
    "tpu.region"() ({
      %run_scoped3A = tpu.sem_alloc : memref<!tpu.dma_semaphore, #tpu.memory_space<semaphore_mem>>
      %dma_start3A_190 = arith.constant 0 : i32
      %dma_start3A_191 = tpu.memref_slice %arg26[%add3A_61, %dma_start3A_190] : memref<10240x128xf32, #tpu.memory_space<vmem_shared>> -> memref<32x128xf32, #tpu.memory_space<vmem_shared>>
      %dma_start3A_192 = arith.constant 0 : i32
      %dma_start3A_193 = tpu.memref_slice %arg26[%add3A_61, %dma_start3A_192] : memref<10240x128xf32, #tpu.memory_space<vmem_shared>> -> memref<32x128xf32, #tpu.memory_space<vmem_shared>>
      tpu.enqueue_dma source(%arg8 : memref<32x128xf32, #tpu.memory_space<vmem>>) target(%dma_start3A_193 : memref<32x128xf32, #tpu.memory_space<vmem_shared>>) target_semaphore(%run_scoped3A : memref<!tpu.dma_semaphore, #tpu.memory_space<semaphore_mem>>)
      %dma_wait3A_194 = arith.constant 0 : i32
      %dma_wait3A_195 = tpu.memref_slice %arg26[%add3A_61, %dma_wait3A_194] : memref<10240x128xf32, #tpu.memory_space<vmem_shared>> -> memref<32x128xf32, #tpu.memory_space<vmem_shared>>
      %dma_wait3A_196 = arith.constant 0 : i32
      %dma_wait3A_197 = tpu.memref_slice %arg26[%add3A_61, %dma_wait3A_196] : memref<10240x128xf32, #tpu.memory_space<vmem_shared>> -> memref<32x128xf32, #tpu.memory_space<vmem_shared>>
      tpu.wait_dma2 semaphore(%run_scoped3A : memref<!tpu.dma_semaphore, #tpu.memory_space<semaphore_mem>>) src(%arg8 : memref<32x128xf32, #tpu.memory_space<vmem>>) dst(%dma_wait3A_197 : memref<32x128xf32, #tpu.memory_space<vmem_shared>>)
      tpu.yield
    }) : () -> ()
    %add3A_62 = arith.constant 576 : i32
    %add3A_63 = arith.addi %mul3A_25, %add3A_62 : i32
    "tpu.region"() ({
      %run_scoped3A = tpu.sem_alloc : memref<!tpu.dma_semaphore, #tpu.memory_space<semaphore_mem>>
      %dma_start3A_190 = arith.constant 0 : i32
      %dma_start3A_191 = tpu.memref_slice %arg26[%add3A_63, %dma_start3A_190] : memref<10240x128xf32, #tpu.memory_space<vmem_shared>> -> memref<32x128xf32, #tpu.memory_space<vmem_shared>>
      %dma_start3A_192 = arith.constant 0 : i32
      %dma_start3A_193 = tpu.memref_slice %arg26[%add3A_63, %dma_start3A_192] : memref<10240x128xf32, #tpu.memory_space<vmem_shared>> -> memref<32x128xf32, #tpu.memory_space<vmem_shared>>
      tpu.enqueue_dma source(%arg8 : memref<32x128xf32, #tpu.memory_space<vmem>>) target(%dma_start3A_193 : memref<32x128xf32, #tpu.memory_space<vmem_shared>>) target_semaphore(%run_scoped3A : memref<!tpu.dma_semaphore, #tpu.memory_space<semaphore_mem>>)
      %dma_wait3A_194 = arith.constant 0 : i32
      %dma_wait3A_195 = tpu.memref_slice %arg26[%add3A_63, %dma_wait3A_194] : memref<10240x128xf32, #tpu.memory_space<vmem_shared>> -> memref<32x128xf32, #tpu.memory_space<vmem_shared>>
      %dma_wait3A_196 = arith.constant 0 : i32
      %dma_wait3A_197 = tpu.memref_slice %arg26[%add3A_63, %dma_wait3A_196] : memref<10240x128xf32, #tpu.memory_space<vmem_shared>> -> memref<32x128xf32, #tpu.memory_space<vmem_shared>>
      tpu.wait_dma2 semaphore(%run_scoped3A : memref<!tpu.dma_semaphore, #tpu.memory_space<semaphore_mem>>) src(%arg8 : memref<32x128xf32, #tpu.memory_space<vmem>>) dst(%dma_wait3A_197 : memref<32x128xf32, #tpu.memory_space<vmem_shared>>)
      tpu.yield
    }) : () -> ()
    %add3A_64 = arith.constant 608 : i32
    %add3A_65 = arith.addi %mul3A_25, %add3A_64 : i32
    "tpu.region"() ({
      %run_scoped3A = tpu.sem_alloc : memref<!tpu.dma_semaphore, #tpu.memory_space<semaphore_mem>>
      %dma_start3A_190 = arith.constant 0 : i32
      %dma_start3A_191 = tpu.memref_slice %arg26[%add3A_65, %dma_start3A_190] : memref<10240x128xf32, #tpu.memory_space<vmem_shared>> -> memref<32x128xf32, #tpu.memory_space<vmem_shared>>
      %dma_start3A_192 = arith.constant 0 : i32
      %dma_start3A_193 = tpu.memref_slice %arg26[%add3A_65, %dma_start3A_192] : memref<10240x128xf32, #tpu.memory_space<vmem_shared>> -> memref<32x128xf32, #tpu.memory_space<vmem_shared>>
      tpu.enqueue_dma source(%arg8 : memref<32x128xf32, #tpu.memory_space<vmem>>) target(%dma_start3A_193 : memref<32x128xf32, #tpu.memory_space<vmem_shared>>) target_semaphore(%run_scoped3A : memref<!tpu.dma_semaphore, #tpu.memory_space<semaphore_mem>>)
      %dma_wait3A_194 = arith.constant 0 : i32
      %dma_wait3A_195 = tpu.memref_slice %arg26[%add3A_65, %dma_wait3A_194] : memref<10240x128xf32, #tpu.memory_space<vmem_shared>> -> memref<32x128xf32, #tpu.memory_space<vmem_shared>>
      %dma_wait3A_196 = arith.constant 0 : i32
      %dma_wait3A_197 = tpu.memref_slice %arg26[%add3A_65, %dma_wait3A_196] : memref<10240x128xf32, #tpu.memory_space<vmem_shared>> -> memref<32x128xf32, #tpu.memory_space<vmem_shared>>
      tpu.wait_dma2 semaphore(%run_scoped3A : memref<!tpu.dma_semaphore, #tpu.memory_space<semaphore_mem>>) src(%arg8 : memref<32x128xf32, #tpu.memory_space<vmem>>) dst(%dma_wait3A_197 : memref<32x128xf32, #tpu.memory_space<vmem_shared>>)
      tpu.yield
    }) : () -> ()
    %mul3A_66 = arith.constant 80 : i32
    %mul3A_67 = arith.muli %arg1, %mul3A_66 : i32
    %add3A_68 = arith.constant 0 : i32
    %add3A_69 = arith.addi %mul3A_67, %add3A_68 : i32
    "tpu.region"() ({
      %run_scoped3A = tpu.sem_alloc : memref<!tpu.dma_semaphore, #tpu.memory_space<semaphore_mem>>
      %dma_start3A_190 = arith.constant 0 : i32
      %dma_start3A_191 = tpu.memref_slice %arg27[%add3A_69, %dma_start3A_190] : memref<1280x128xf32, #tpu.memory_space<vmem_shared>> -> memref<32x128xf32, #tpu.memory_space<vmem_shared>>
      %dma_start3A_192 = arith.constant 0 : i32
      %dma_start3A_193 = tpu.memref_slice %arg27[%add3A_69, %dma_start3A_192] : memref<1280x128xf32, #tpu.memory_space<vmem_shared>> -> memref<32x128xf32, #tpu.memory_space<vmem_shared>>
      tpu.enqueue_dma source(%arg14 : memref<32x128xf32, #tpu.memory_space<vmem>>) target(%dma_start3A_193 : memref<32x128xf32, #tpu.memory_space<vmem_shared>>) target_semaphore(%run_scoped3A : memref<!tpu.dma_semaphore, #tpu.memory_space<semaphore_mem>>)
      %dma_wait3A_194 = arith.constant 0 : i32
      %dma_wait3A_195 = tpu.memref_slice %arg27[%add3A_69, %dma_wait3A_194] : memref<1280x128xf32, #tpu.memory_space<vmem_shared>> -> memref<32x128xf32, #tpu.memory_space<vmem_shared>>
      %dma_wait3A_196 = arith.constant 0 : i32
      %dma_wait3A_197 = tpu.memref_slice %arg27[%add3A_69, %dma_wait3A_196] : memref<1280x128xf32, #tpu.memory_space<vmem_shared>> -> memref<32x128xf32, #tpu.memory_space<vmem_shared>>
      tpu.wait_dma2 semaphore(%run_scoped3A : memref<!tpu.dma_semaphore, #tpu.memory_space<semaphore_mem>>) src(%arg14 : memref<32x128xf32, #tpu.memory_space<vmem>>) dst(%dma_wait3A_197 : memref<32x128xf32, #tpu.memory_space<vmem_shared>>)
      tpu.yield
    }) : () -> ()
    %add3A_70 = arith.constant 24 : i32
    %add3A_71 = arith.addi %mul3A_67, %add3A_70 : i32
    "tpu.region"() ({
      %run_scoped3A = tpu.sem_alloc : memref<!tpu.dma_semaphore, #tpu.memory_space<semaphore_mem>>
      %dma_start3A_190 = arith.constant 0 : i32
      %dma_start3A_191 = tpu.memref_slice %arg27[%add3A_71, %dma_start3A_190] : memref<1280x128xf32, #tpu.memory_space<vmem_shared>> -> memref<32x128xf32, #tpu.memory_space<vmem_shared>>
      %dma_start3A_192 = arith.constant 0 : i32
      %dma_start3A_193 = tpu.memref_slice %arg27[%add3A_71, %dma_start3A_192] : memref<1280x128xf32, #tpu.memory_space<vmem_shared>> -> memref<32x128xf32, #tpu.memory_space<vmem_shared>>
      tpu.enqueue_dma source(%arg14 : memref<32x128xf32, #tpu.memory_space<vmem>>) target(%dma_start3A_193 : memref<32x128xf32, #tpu.memory_space<vmem_shared>>) target_semaphore(%run_scoped3A : memref<!tpu.dma_semaphore, #tpu.memory_space<semaphore_mem>>)
      %dma_wait3A_194 = arith.constant 0 : i32
      %dma_wait3A_195 = tpu.memref_slice %arg27[%add3A_71, %dma_wait3A_194] : memref<1280x128xf32, #tpu.memory_space<vmem_shared>> -> memref<32x128xf32, #tpu.memory_space<vmem_shared>>
      %dma_wait3A_196 = arith.constant 0 : i32
      %dma_wait3A_197 = tpu.memref_slice %arg27[%add3A_71, %dma_wait3A_196] : memref<1280x128xf32, #tpu.memory_space<vmem_shared>> -> memref<32x128xf32, #tpu.memory_space<vmem_shared>>
      tpu.wait_dma2 semaphore(%run_scoped3A : memref<!tpu.dma_semaphore, #tpu.memory_space<semaphore_mem>>) src(%arg14 : memref<32x128xf32, #tpu.memory_space<vmem>>) dst(%dma_wait3A_197 : memref<32x128xf32, #tpu.memory_space<vmem_shared>>)
      tpu.yield
    }) : () -> ()
    %add3A_72 = arith.constant 48 : i32
    %add3A_73 = arith.addi %mul3A_67, %add3A_72 : i32
    "tpu.region"() ({
      %run_scoped3A = tpu.sem_alloc : memref<!tpu.dma_semaphore, #tpu.memory_space<semaphore_mem>>
      %dma_start3A_190 = arith.constant 0 : i32
      %dma_start3A_191 = tpu.memref_slice %arg27[%add3A_73, %dma_start3A_190] : memref<1280x128xf32, #tpu.memory_space<vmem_shared>> -> memref<32x128xf32, #tpu.memory_space<vmem_shared>>
      %dma_start3A_192 = arith.constant 0 : i32
      %dma_start3A_193 = tpu.memref_slice %arg27[%add3A_73, %dma_start3A_192] : memref<1280x128xf32, #tpu.memory_space<vmem_shared>> -> memref<32x128xf32, #tpu.memory_space<vmem_shared>>
      tpu.enqueue_dma source(%arg14 : memref<32x128xf32, #tpu.memory_space<vmem>>) target(%dma_start3A_193 : memref<32x128xf32, #tpu.memory_space<vmem_shared>>) target_semaphore(%run_scoped3A : memref<!tpu.dma_semaphore, #tpu.memory_space<semaphore_mem>>)
      %dma_wait3A_194 = arith.constant 0 : i32
      %dma_wait3A_195 = tpu.memref_slice %arg27[%add3A_73, %dma_wait3A_194] : memref<1280x128xf32, #tpu.memory_space<vmem_shared>> -> memref<32x128xf32, #tpu.memory_space<vmem_shared>>
      %dma_wait3A_196 = arith.constant 0 : i32
      %dma_wait3A_197 = tpu.memref_slice %arg27[%add3A_73, %dma_wait3A_196] : memref<1280x128xf32, #tpu.memory_space<vmem_shared>> -> memref<32x128xf32, #tpu.memory_space<vmem_shared>>
      tpu.wait_dma2 semaphore(%run_scoped3A : memref<!tpu.dma_semaphore, #tpu.memory_space<semaphore_mem>>) src(%arg14 : memref<32x128xf32, #tpu.memory_space<vmem>>) dst(%dma_wait3A_197 : memref<32x128xf32, #tpu.memory_space<vmem_shared>>)
      tpu.yield
    }) : () -> ()
    %barrier3A = arith.constant 0 : index
    tpu.barrier barrier_id(%barrier3A)
    %mul3A_74 = arith.constant 10368 : i32
    %mul3A_75 = arith.muli %add3A, %mul3A_74 : i32
    %add3A_76 = arith.constant 10336 : i32
    %add3A_77 = arith.addi %mul3A_75, %add3A_76 : i32
    %add3A_78 = arith.constant 0 : i32
    %add3A_79 = arith.addi %mul3A_75, %add3A_78 : i32
    %min3A = arith.minsi %add3A_79, %add3A_77 : i32
    %dma_start3A = tpu.memref_slice %arg4[%min3A] : memref<331776xi32, #tpu.memory_space<hbm>> -> memref<32xi32, #tpu.memory_space<hbm>>
    %dma_start3A_80 = tpu.memref_slice %arg4[%min3A] : memref<331776xi32, #tpu.memory_space<hbm>> -> memref<32xi32, #tpu.memory_space<hbm>>
    tpu.enqueue_dma source(%dma_start3A_80 : memref<32xi32, #tpu.memory_space<hbm>>) target(%arg16 : memref<32xi32, #tpu.memory_space<vmem>>) target_semaphore(%arg30 : memref<!tpu.dma_semaphore, #tpu.memory_space<semaphore_mem>>)
    %dma_start3A_81 = tpu.memref_slice %arg5[%min3A] : memref<331776xi32, #tpu.memory_space<hbm>> -> memref<32xi32, #tpu.memory_space<hbm>>
    %dma_start3A_82 = tpu.memref_slice %arg5[%min3A] : memref<331776xi32, #tpu.memory_space<hbm>> -> memref<32xi32, #tpu.memory_space<hbm>>
    tpu.enqueue_dma source(%dma_start3A_82 : memref<32xi32, #tpu.memory_space<hbm>>) target(%arg18 : memref<32xi32, #tpu.memory_space<vmem>>) target_semaphore(%arg30 : memref<!tpu.dma_semaphore, #tpu.memory_space<semaphore_mem>>)
    %dma_wait3A = tpu.memref_slice %arg4[%min3A] : memref<331776xi32, #tpu.memory_space<hbm>> -> memref<32xi32, #tpu.memory_space<hbm>>
    %dma_wait3A_83 = tpu.memref_slice %arg4[%min3A] : memref<331776xi32, #tpu.memory_space<hbm>> -> memref<32xi32, #tpu.memory_space<hbm>>
    tpu.wait_dma2 semaphore(%arg30 : memref<!tpu.dma_semaphore, #tpu.memory_space<semaphore_mem>>) src(%dma_wait3A_83 : memref<32xi32, #tpu.memory_space<hbm>>) dst(%arg16 : memref<32xi32, #tpu.memory_space<vmem>>)
    %dma_wait3A_84 = tpu.memref_slice %arg5[%min3A] : memref<331776xi32, #tpu.memory_space<hbm>> -> memref<32xi32, #tpu.memory_space<hbm>>
    %dma_wait3A_85 = tpu.memref_slice %arg5[%min3A] : memref<331776xi32, #tpu.memory_space<hbm>> -> memref<32xi32, #tpu.memory_space<hbm>>
    tpu.wait_dma2 semaphore(%arg30 : memref<!tpu.dma_semaphore, #tpu.memory_space<semaphore_mem>>) src(%dma_wait3A_85 : memref<32xi32, #tpu.memory_space<hbm>>) dst(%arg18 : memref<32xi32, #tpu.memory_space<vmem>>)
    %dma_start3A_86 = arith.constant 0 : i32
    %dma_start3A_87 = arith.constant 0 : i32
    %dma_start3A_88 = tpu.memref_slice %arg3[%dma_start3A_86, %dma_start3A_87] : memref<10000x128xf32, #tpu.memory_space<hbm>> -> memref<10000x128xf32, #tpu.memory_space<hbm>>
    tpu.enqueue_indirect_dma source(%dma_start3A_88 : memref<10000x128xf32, #tpu.memory_space<hbm>>) target(%arg10 : memref<32x128xf32, #tpu.memory_space<vmem>>) offsets(%arg16 : memref<32xi32, #tpu.memory_space<vmem>>) semaphore(%arg28 : memref<!tpu.dma_semaphore, #tpu.memory_space<semaphore_mem>>)
    %dma_start3A_89 = arith.constant 0 : i32
    %dma_start3A_90 = arith.constant 0 : i32
    %dma_start3A_91 = tpu.memref_slice %arg3[%dma_start3A_89, %dma_start3A_90] : memref<10000x128xf32, #tpu.memory_space<hbm>> -> memref<10000x128xf32, #tpu.memory_space<hbm>>
    tpu.enqueue_indirect_dma source(%dma_start3A_91 : memref<10000x128xf32, #tpu.memory_space<hbm>>) target(%arg12 : memref<32x128xf32, #tpu.memory_space<vmem>>) offsets(%arg18 : memref<32xi32, #tpu.memory_space<vmem>>) semaphore(%arg28 : memref<!tpu.dma_semaphore, #tpu.memory_space<semaphore_mem>>)
    %dma_start3A_92 = arith.constant 0 : i32
    %dma_start3A_93 = arith.constant 0 : i32
    %dma_start3A_94 = tpu.memref_slice %arg2[%dma_start3A_92, %dma_start3A_93] : memref<10000x128xf32, #tpu.memory_space<hbm>> -> memref<10000x128xf32, #tpu.memory_space<hbm>>
    tpu.enqueue_indirect_dma source(%dma_start3A_94 : memref<10000x128xf32, #tpu.memory_space<hbm>>) target(%arg8 : memref<32x128xf32, #tpu.memory_space<vmem>>) offsets(%arg16 : memref<32xi32, #tpu.memory_space<vmem>>) semaphore(%arg30 : memref<!tpu.dma_semaphore, #tpu.memory_space<semaphore_mem>>)
    %scan3A_95 = arith.constant 0 : i32
    %scan3A_96 = arith.constant 0 : i32
    %scan3A_97 = arith.constant 162 : i32
    %scan3A_98 = arith.addi %scan3A_96, %scan3A_97 : i32
    %scan3A_99 = arith.constant 1 : i32
    %scan3A_100 = scf.for %scan3A_190 = %scan3A_96 to %scan3A_98 step %scan3A_99 iter_args(%scan3A_191 = %scan3A_95) -> (i32)  : i32 {
      %dma_wait3A_192 = arith.constant 0 : i32
      %dma_wait3A_193 = arith.constant 0 : i32
      %dma_wait3A_194 = tpu.memref_slice %arg3[%dma_wait3A_192, %dma_wait3A_193] : memref<10000x128xf32, #tpu.memory_space<hbm>> -> memref<10000x128xf32, #tpu.memory_space<hbm>>
      tpu.wait_indirect_dma semaphore(%arg28 : memref<!tpu.dma_semaphore, #tpu.memory_space<semaphore_mem>>) src(%dma_wait3A_194 : memref<10000x128xf32, #tpu.memory_space<hbm>>) dst(%arg10 : memref<32x128xf32, #tpu.memory_space<vmem>>)
      %dma_wait3A_195 = arith.constant 0 : i32
      %dma_wait3A_196 = arith.constant 0 : i32
      %dma_wait3A_197 = tpu.memref_slice %arg3[%dma_wait3A_195, %dma_wait3A_196] : memref<10000x128xf32, #tpu.memory_space<hbm>> -> memref<10000x128xf32, #tpu.memory_space<hbm>>
      tpu.wait_indirect_dma semaphore(%arg28 : memref<!tpu.dma_semaphore, #tpu.memory_space<semaphore_mem>>) src(%dma_wait3A_197 : memref<10000x128xf32, #tpu.memory_space<hbm>>) dst(%arg12 : memref<32x128xf32, #tpu.memory_space<vmem>>)
      %add3A_198 = arith.constant 0 : i32
      %add3A_199 = vector.broadcast %add3A_198 : i32 to vector<16xi32>
      %add3A_200 = arith.addi %iota3A, %add3A_199 : vector<16xi32>
      %get3A_201 = arith.constant 0 : index
      %get3A_202 = tpu.vector_load %arg18[%get3A_201] {strides = array<i32>} : memref<32xi32, #tpu.memory_space<vmem>>, vector<16xi32>,
      %gather3A = tpu.vector_load_idx %arg10[%add3A_200, %broadcast_in_dim3A_3] : memref<32x128xf32, #tpu.memory_space<vmem>>[vector<16xi32>, vector<16xi32>], vector<16xf32>,
      %add3A_203 = arith.constant 2 : i32
      %add3A_204 = vector.broadcast %add3A_203 : i32 to vector<16xi32>
      %add3A_205 = arith.addi %broadcast_in_dim3A_3, %add3A_204 : vector<16xi32>
      %gather3A_206 = tpu.vector_load_idx %arg12[%add3A_200, %add3A_205] : memref<32x128xf32, #tpu.memory_space<vmem>>[vector<16xi32>, vector<16xi32>], vector<16xf32>,
      %add3A_207 = arith.addf %gather3A, %gather3A_206 : vector<16xf32>
      %add3A_208 = arith.constant 1 : i32
      %add3A_209 = vector.broadcast %add3A_208 : i32 to vector<16xi32>
      %add3A_210 = arith.addi %broadcast_in_dim3A_3, %add3A_209 : vector<16xi32>
      %gather3A_211 = tpu.vector_load_idx %arg10[%add3A_200, %add3A_210] : memref<32x128xf32, #tpu.memory_space<vmem>>[vector<16xi32>, vector<16xi32>], vector<16xf32>,
      %add3A_212 = arith.constant 3 : i32
      %add3A_213 = vector.broadcast %add3A_212 : i32 to vector<16xi32>
      %add3A_214 = arith.addi %broadcast_in_dim3A_3, %add3A_213 : vector<16xi32>
      %gather3A_215 = tpu.vector_load_idx %arg12[%add3A_200, %add3A_214] : memref<32x128xf32, #tpu.memory_space<vmem>>[vector<16xi32>, vector<16xi32>], vector<16xf32>,
      %add3A_216 = arith.addf %gather3A_211, %gather3A_215 : vector<16xf32>
      %gt3A = arith.constant 0.000000e+00 : f32
      %gt3A_217 = vector.broadcast %gt3A : f32 to vector<16xf32>
      %gt3A_218 = arith.cmpf ogt, %add3A_207, %gt3A_217 : vector<16xf32>
      %mul3A_219 = arith.constant 2.000000e-01 : f32
      %mul3A_220 = vector.broadcast %mul3A_219 : f32 to vector<16xf32>
      %mul3A_221 = arith.mulf %mul3A_220, %add3A_207 : vector<16xf32>
      %select_n3A = arith.select %gt3A_218, %add3A_207, %mul3A_221 : vector<16xi1>, vector<16xf32>
      %gt3A_222 = arith.constant 0.000000e+00 : f32
      %gt3A_223 = vector.broadcast %gt3A_222 : f32 to vector<16xf32>
      %gt3A_224 = arith.cmpf ogt, %add3A_216, %gt3A_223 : vector<16xf32>
      %mul3A_225 = arith.constant 2.000000e-01 : f32
      %mul3A_226 = vector.broadcast %mul3A_225 : f32 to vector<16xf32>
      %mul3A_227 = arith.mulf %mul3A_226, %add3A_216 : vector<16xf32>
      %select_n3A_228 = arith.select %gt3A_224, %add3A_216, %mul3A_227 : vector<16xi1>, vector<16xf32>
      %exp3A = math.exp %select_n3A : vector<16xf32>
      %exp3A_229 = math.exp %select_n3A_228 : vector<16xf32>
      %swap3A = arith.constant 0 : index
      %swap3A_230 = tpu.vector_load %arg22[%swap3A] {strides = array<i32>} : memref<32xf32, #tpu.memory_space<vmem>>, vector<16xf32>,
      tpu.vector_store %arg22[%swap3A], %exp3A {strides = array<i32>} : memref<32xf32, #tpu.memory_space<vmem>>, vector<16xf32>,
      %swap3A_231 = arith.constant 0 : index
      %swap3A_232 = tpu.vector_load %arg24[%swap3A_231] {strides = array<i32>} : memref<32xf32, #tpu.memory_space<vmem>>, vector<16xf32>,
      tpu.vector_store %arg24[%swap3A_231], %exp3A_229 {strides = array<i32>} : memref<32xf32, #tpu.memory_space<vmem>>, vector<16xf32>,
      %rem3A_233 = arith.constant 8 : i32
      %rem3A_234 = vector.broadcast %rem3A_233 : i32 to vector<16xi32>
      %rem3A_235 = arith.remsi %get3A_202, %rem3A_234 : vector<16xi32>
      tpu.vector_store_idx %arg14[%add3A_200, %rem3A_235], %exp3A : memref<32x128xf32, #tpu.memory_space<vmem>>[vector<16xi32>, vector<16xi32>], vector<16xf32>,
      %add3A_236 = arith.constant 64 : i32
      %add3A_237 = vector.broadcast %add3A_236 : i32 to vector<16xi32>
      %add3A_238 = arith.addi %rem3A_235, %add3A_237 : vector<16xi32>
      tpu.vector_store_idx %arg14[%add3A_200, %add3A_238], %exp3A_229 : memref<32x128xf32, #tpu.memory_space<vmem>>[vector<16xi32>, vector<16xi32>], vector<16xf32>,
      %div3A = arith.constant 8 : i32
      %div3A_239 = vector.broadcast %div3A : i32 to vector<16xi32>
      %div3A_240 = arith.divsi %get3A_202, %div3A_239 : vector<16xi32>
      %swap3A_241 = arith.constant 0 : index
      %swap3A_242 = tpu.vector_load %arg20[%swap3A_241] {strides = array<i32>} : memref<32xi32, #tpu.memory_space<vmem>>, vector<16xi32>,
      tpu.vector_store %arg20[%swap3A_241], %div3A_240 {strides = array<i32>} : memref<32xi32, #tpu.memory_space<vmem>>, vector<16xi32>,
      %add3A_243 = arith.constant 16 : i32
      %add3A_244 = vector.broadcast %add3A_243 : i32 to vector<16xi32>
      %add3A_245 = arith.addi %iota3A, %add3A_244 : vector<16xi32>
      %get3A_246 = arith.constant 16 : index
      %get3A_247 = tpu.vector_load %arg18[%get3A_246] {strides = array<i32>} : memref<32xi32, #tpu.memory_space<vmem>>, vector<16xi32>,
      %gather3A_248 = tpu.vector_load_idx %arg10[%add3A_245, %broadcast_in_dim3A_3] : memref<32x128xf32, #tpu.memory_space<vmem>>[vector<16xi32>, vector<16xi32>], vector<16xf32>,
      %add3A_249 = arith.constant 2 : i32
      %add3A_250 = vector.broadcast %add3A_249 : i32 to vector<16xi32>
      %add3A_251 = arith.addi %broadcast_in_dim3A_3, %add3A_250 : vector<16xi32>
      %gather3A_252 = tpu.vector_load_idx %arg12[%add3A_245, %add3A_251] : memref<32x128xf32, #tpu.memory_space<vmem>>[vector<16xi32>, vector<16xi32>], vector<16xf32>,
      %add3A_253 = arith.addf %gather3A_248, %gather3A_252 : vector<16xf32>
      %add3A_254 = arith.constant 1 : i32
      %add3A_255 = vector.broadcast %add3A_254 : i32 to vector<16xi32>
      %add3A_256 = arith.addi %broadcast_in_dim3A_3, %add3A_255 : vector<16xi32>
      %gather3A_257 = tpu.vector_load_idx %arg10[%add3A_245, %add3A_256] : memref<32x128xf32, #tpu.memory_space<vmem>>[vector<16xi32>, vector<16xi32>], vector<16xf32>,
      %add3A_258 = arith.constant 3 : i32
      %add3A_259 = vector.broadcast %add3A_258 : i32 to vector<16xi32>
      %add3A_260 = arith.addi %broadcast_in_dim3A_3, %add3A_259 : vector<16xi32>
      %gather3A_261 = tpu.vector_load_idx %arg12[%add3A_245, %add3A_260] : memref<32x128xf32, #tpu.memory_space<vmem>>[vector<16xi32>, vector<16xi32>], vector<16xf32>,
      %add3A_262 = arith.addf %gather3A_257, %gather3A_261 : vector<16xf32>
      %gt3A_263 = arith.constant 0.000000e+00 : f32
      %gt3A_264 = vector.broadcast %gt3A_263 : f32 to vector<16xf32>
      %gt3A_265 = arith.cmpf ogt, %add3A_253, %gt3A_264 : vector<16xf32>
      %mul3A_266 = arith.constant 2.000000e-01 : f32
      %mul3A_267 = vector.broadcast %mul3A_266 : f32 to vector<16xf32>
      %mul3A_268 = arith.mulf %mul3A_267, %add3A_253 : vector<16xf32>
      %select_n3A_269 = arith.select %gt3A_265, %add3A_253, %mul3A_268 : vector<16xi1>, vector<16xf32>
      %gt3A_270 = arith.constant 0.000000e+00 : f32
      %gt3A_271 = vector.broadcast %gt3A_270 : f32 to vector<16xf32>
      %gt3A_272 = arith.cmpf ogt, %add3A_262, %gt3A_271 : vector<16xf32>
      %mul3A_273 = arith.constant 2.000000e-01 : f32
      %mul3A_274 = vector.broadcast %mul3A_273 : f32 to vector<16xf32>
      %mul3A_275 = arith.mulf %mul3A_274, %add3A_262 : vector<16xf32>
      %select_n3A_276 = arith.select %gt3A_272, %add3A_262, %mul3A_275 : vector<16xi1>, vector<16xf32>
      %exp3A_277 = math.exp %select_n3A_269 : vector<16xf32>
      %exp3A_278 = math.exp %select_n3A_276 : vector<16xf32>
      %swap3A_279 = arith.constant 16 : index
      %swap3A_280 = tpu.vector_load %arg22[%swap3A_279] {strides = array<i32>} : memref<32xf32, #tpu.memory_space<vmem>>, vector<16xf32>,
      tpu.vector_store %arg22[%swap3A_279], %exp3A_277 {strides = array<i32>} : memref<32xf32, #tpu.memory_space<vmem>>, vector<16xf32>,
      %swap3A_281 = arith.constant 16 : index
      %swap3A_282 = tpu.vector_load %arg24[%swap3A_281] {strides = array<i32>} : memref<32xf32, #tpu.memory_space<vmem>>, vector<16xf32>,
      tpu.vector_store %arg24[%swap3A_281], %exp3A_278 {strides = array<i32>} : memref<32xf32, #tpu.memory_space<vmem>>, vector<16xf32>,
      %rem3A_283 = arith.constant 8 : i32
      %rem3A_284 = vector.broadcast %rem3A_283 : i32 to vector<16xi32>
      %rem3A_285 = arith.remsi %get3A_247, %rem3A_284 : vector<16xi32>
      tpu.vector_store_idx %arg14[%add3A_245, %rem3A_285], %exp3A_277 : memref<32x128xf32, #tpu.memory_space<vmem>>[vector<16xi32>, vector<16xi32>], vector<16xf32>,
      %add3A_286 = arith.constant 64 : i32
      %add3A_287 = vector.broadcast %add3A_286 : i32 to vector<16xi32>
      %add3A_288 = arith.addi %rem3A_285, %add3A_287 : vector<16xi32>
      tpu.vector_store_idx %arg14[%add3A_245, %add3A_288], %exp3A_278 : memref<32x128xf32, #tpu.memory_space<vmem>>[vector<16xi32>, vector<16xi32>], vector<16xf32>,
      %div3A_289 = arith.constant 8 : i32
      %div3A_290 = vector.broadcast %div3A_289 : i32 to vector<16xi32>
      %div3A_291 = arith.divsi %get3A_247, %div3A_290 : vector<16xi32>
      %swap3A_292 = arith.constant 16 : index
      %swap3A_293 = tpu.vector_load %arg20[%swap3A_292] {strides = array<i32>} : memref<32xi32, #tpu.memory_space<vmem>>, vector<16xi32>,
      tpu.vector_store %arg20[%swap3A_292], %div3A_291 {strides = array<i32>} : memref<32xi32, #tpu.memory_space<vmem>>, vector<16xi32>,
      %gt3A_294 = arith.constant 0 : i32
      %gt3A_295 = arith.cmpi sgt, %scan3A_190, %gt3A_294 : i32
      %convert_element_type3A = arith.extui %gt3A_295 : i1 to i32
      %cond3A = arith.constant 0 : i32
      %cond3A_296 = arith.cmpi ne, %convert_element_type3A, %cond3A : i32
      scf.if %cond3A_296 {
        %dma_wait3A_516 = arith.constant 0 : i32
        %dma_wait3A_517 = arith.constant 0 : i32
        %dma_wait3A_518 = tpu.memref_slice %arg26[%dma_wait3A_516, %dma_wait3A_517] : memref<10240x128xf32, #tpu.memory_space<vmem_shared>> -> memref<10240x128xf32, #tpu.memory_space<vmem_shared>>
        tpu.wait_indirect_dma semaphore(%arg33 : memref<!tpu.dma_semaphore, #tpu.memory_space<semaphore_mem>>) src(%arg9 : memref<32x128xf32, #tpu.memory_space<vmem>>) dst(%dma_wait3A_518 : memref<10240x128xf32, #tpu.memory_space<vmem_shared>>)
        %dma_wait3A_519 = arith.constant 0 : i32
        %dma_wait3A_520 = arith.constant 0 : i32
        %dma_wait3A_521 = tpu.memref_slice %arg27[%dma_wait3A_519, %dma_wait3A_520] : memref<1280x128xf32, #tpu.memory_space<vmem_shared>> -> memref<1280x128xf32, #tpu.memory_space<vmem_shared>>
        tpu.wait_indirect_dma semaphore(%arg33 : memref<!tpu.dma_semaphore, #tpu.memory_space<semaphore_mem>>) src(%arg15 : memref<32x128xf32, #tpu.memory_space<vmem>>) dst(%dma_wait3A_521 : memref<1280x128xf32, #tpu.memory_space<vmem_shared>>)
        %add3A_522 = arith.constant 0 : i32
        %add3A_523 = vector.broadcast %add3A_522 : i32 to vector<16xi32>
        %add3A_524 = arith.addi %iota3A, %add3A_523 : vector<16xi32>
        %get3A_525 = arith.constant 0 : index
        %get3A_526 = tpu.vector_load %arg19[%get3A_525] {strides = array<i32>} : memref<32xi32, #tpu.memory_space<vmem>>, vector<16xi32>,
        %rem3A_527 = arith.constant 8 : i32
        %rem3A_528 = vector.broadcast %rem3A_527 : i32 to vector<16xi32>
        %rem3A_529 = arith.remsi %get3A_526, %rem3A_528 : vector<16xi32>
        tpu.vector_store_idx %arg15[%add3A_524, %rem3A_529], %broadcast_in_dim3A_1 : memref<32x128xf32, #tpu.memory_space<vmem>>[vector<16xi32>, vector<16xi32>], vector<16xf32>,
        %add3A_530 = arith.constant 64 : i32
        %add3A_531 = vector.broadcast %add3A_530 : i32 to vector<16xi32>
        %add3A_532 = arith.addi %rem3A_529, %add3A_531 : vector<16xi32>
        tpu.vector_store_idx %arg15[%add3A_524, %add3A_532], %broadcast_in_dim3A_1 : memref<32x128xf32, #tpu.memory_space<vmem>>[vector<16xi32>, vector<16xi32>], vector<16xf32>,
        %add3A_533 = arith.constant 16 : i32
        %add3A_534 = vector.broadcast %add3A_533 : i32 to vector<16xi32>
        %add3A_535 = arith.addi %iota3A, %add3A_534 : vector<16xi32>
        %get3A_536 = arith.constant 16 : index
        %get3A_537 = tpu.vector_load %arg19[%get3A_536] {strides = array<i32>} : memref<32xi32, #tpu.memory_space<vmem>>, vector<16xi32>,
        %rem3A_538 = arith.constant 8 : i32
        %rem3A_539 = vector.broadcast %rem3A_538 : i32 to vector<16xi32>
        %rem3A_540 = arith.remsi %get3A_537, %rem3A_539 : vector<16xi32>
        tpu.vector_store_idx %arg15[%add3A_535, %rem3A_540], %broadcast_in_dim3A_1 : memref<32x128xf32, #tpu.memory_space<vmem>>[vector<16xi32>, vector<16xi32>], vector<16xf32>,
        %add3A_541 = arith.constant 64 : i32
        %add3A_542 = vector.broadcast %add3A_541 : i32 to vector<16xi32>
        %add3A_543 = arith.addi %rem3A_540, %add3A_542 : vector<16xi32>
        tpu.vector_store_idx %arg15[%add3A_535, %add3A_543], %broadcast_in_dim3A_1 : memref<32x128xf32, #tpu.memory_space<vmem>>[vector<16xi32>, vector<16xi32>], vector<16xf32>,
      } else {
      }
      %mul3A_297 = arith.constant 2 : i32
      %mul3A_298 = arith.muli %mul3A_297, %scan3A_190 : i32
      %add3A_299 = arith.constant 1 : i32
      %add3A_300 = arith.addi %mul3A_298, %add3A_299 : i32
      %mul3A_301 = arith.constant 32 : i32
      %mul3A_302 = arith.muli %add3A_300, %mul3A_301 : i32
      %add3A_303 = arith.addi %mul3A_75, %mul3A_302 : i32
      %min3A_304 = arith.minsi %add3A_303, %add3A_77 : i32
      %dma_start3A_305 = tpu.memref_slice %arg4[%min3A_304] : memref<331776xi32, #tpu.memory_space<hbm>> -> memref<32xi32, #tpu.memory_space<hbm>>
      %dma_start3A_306 = tpu.memref_slice %arg4[%min3A_304] : memref<331776xi32, #tpu.memory_space<hbm>> -> memref<32xi32, #tpu.memory_space<hbm>>
      tpu.enqueue_dma source(%dma_start3A_306 : memref<32xi32, #tpu.memory_space<hbm>>) target(%arg17 : memref<32xi32, #tpu.memory_space<vmem>>) target_semaphore(%arg31 : memref<!tpu.dma_semaphore, #tpu.memory_space<semaphore_mem>>)
      %dma_start3A_307 = tpu.memref_slice %arg5[%min3A_304] : memref<331776xi32, #tpu.memory_space<hbm>> -> memref<32xi32, #tpu.memory_space<hbm>>
      %dma_start3A_308 = tpu.memref_slice %arg5[%min3A_304] : memref<331776xi32, #tpu.memory_space<hbm>> -> memref<32xi32, #tpu.memory_space<hbm>>
      tpu.enqueue_dma source(%dma_start3A_308 : memref<32xi32, #tpu.memory_space<hbm>>) target(%arg19 : memref<32xi32, #tpu.memory_space<vmem>>) target_semaphore(%arg31 : memref<!tpu.dma_semaphore, #tpu.memory_space<semaphore_mem>>)
      %dma_wait3A_309 = tpu.memref_slice %arg4[%min3A_304] : memref<331776xi32, #tpu.memory_space<hbm>> -> memref<32xi32, #tpu.memory_space<hbm>>
      %dma_wait3A_310 = tpu.memref_slice %arg4[%min3A_304] : memref<331776xi32, #tpu.memory_space<hbm>> -> memref<32xi32, #tpu.memory_space<hbm>>
      tpu.wait_dma2 semaphore(%arg31 : memref<!tpu.dma_semaphore, #tpu.memory_space<semaphore_mem>>) src(%dma_wait3A_310 : memref<32xi32, #tpu.memory_space<hbm>>) dst(%arg17 : memref<32xi32, #tpu.memory_space<vmem>>)
      %dma_wait3A_311 = tpu.memref_slice %arg5[%min3A_304] : memref<331776xi32, #tpu.memory_space<hbm>> -> memref<32xi32, #tpu.memory_space<hbm>>
      %dma_wait3A_312 = tpu.memref_slice %arg5[%min3A_304] : memref<331776xi32, #tpu.memory_space<hbm>> -> memref<32xi32, #tpu.memory_space<hbm>>
      tpu.wait_dma2 semaphore(%arg31 : memref<!tpu.dma_semaphore, #tpu.memory_space<semaphore_mem>>) src(%dma_wait3A_312 : memref<32xi32, #tpu.memory_space<hbm>>) dst(%arg19 : memref<32xi32, #tpu.memory_space<vmem>>)
      %dma_start3A_313 = arith.constant 0 : i32
      %dma_start3A_314 = arith.constant 0 : i32
      %dma_start3A_315 = tpu.memref_slice %arg3[%dma_start3A_313, %dma_start3A_314] : memref<10000x128xf32, #tpu.memory_space<hbm>> -> memref<10000x128xf32, #tpu.memory_space<hbm>>
      tpu.enqueue_indirect_dma source(%dma_start3A_315 : memref<10000x128xf32, #tpu.memory_space<hbm>>) target(%arg11 : memref<32x128xf32, #tpu.memory_space<vmem>>) offsets(%arg17 : memref<32xi32, #tpu.memory_space<vmem>>) semaphore(%arg29 : memref<!tpu.dma_semaphore, #tpu.memory_space<semaphore_mem>>)
      %dma_start3A_316 = arith.constant 0 : i32
      %dma_start3A_317 = arith.constant 0 : i32
      %dma_start3A_318 = tpu.memref_slice %arg3[%dma_start3A_316, %dma_start3A_317] : memref<10000x128xf32, #tpu.memory_space<hbm>> -> memref<10000x128xf32, #tpu.memory_space<hbm>>
      tpu.enqueue_indirect_dma source(%dma_start3A_318 : memref<10000x128xf32, #tpu.memory_space<hbm>>) target(%arg13 : memref<32x128xf32, #tpu.memory_space<vmem>>) offsets(%arg19 : memref<32xi32, #tpu.memory_space<vmem>>) semaphore(%arg29 : memref<!tpu.dma_semaphore, #tpu.memory_space<semaphore_mem>>)
      %dma_start3A_319 = arith.constant 0 : i32
      %dma_start3A_320 = arith.constant 0 : i32
      %dma_start3A_321 = tpu.memref_slice %arg2[%dma_start3A_319, %dma_start3A_320] : memref<10000x128xf32, #tpu.memory_space<hbm>> -> memref<10000x128xf32, #tpu.memory_space<hbm>>
      tpu.enqueue_indirect_dma source(%dma_start3A_321 : memref<10000x128xf32, #tpu.memory_space<hbm>>) target(%arg9 : memref<32x128xf32, #tpu.memory_space<vmem>>) offsets(%arg17 : memref<32xi32, #tpu.memory_space<vmem>>) semaphore(%arg31 : memref<!tpu.dma_semaphore, #tpu.memory_space<semaphore_mem>>)
      %dma_wait3A_322 = arith.constant 0 : i32
      %dma_wait3A_323 = arith.constant 0 : i32
      %dma_wait3A_324 = tpu.memref_slice %arg2[%dma_wait3A_322, %dma_wait3A_323] : memref<10000x128xf32, #tpu.memory_space<hbm>> -> memref<10000x128xf32, #tpu.memory_space<hbm>>
      tpu.wait_indirect_dma semaphore(%arg30 : memref<!tpu.dma_semaphore, #tpu.memory_space<semaphore_mem>>) src(%dma_wait3A_324 : memref<10000x128xf32, #tpu.memory_space<hbm>>) dst(%arg8 : memref<32x128xf32, #tpu.memory_space<vmem>>)
      %scan3A_325 = arith.constant 0 : i32
      %scan3A_326 = arith.constant 0 : i32
      %scan3A_327 = arith.constant 32 : i32
      %scan3A_328 = arith.addi %scan3A_326, %scan3A_327 : i32
      %scan3A_329 = arith.constant 1 : i32
      %scan3A_330 = scf.for %scan3A_516 = %scan3A_326 to %scan3A_328 step %scan3A_329 iter_args(%scan3A_517 = %scan3A_325) -> (i32)  : i32 {
        %broadcast_in_dim3A_518 = vector.broadcast %scan3A_516 : i32 to vector<16xi32>
        %gather3A_519 = tpu.vector_load_idx %arg22[%broadcast_in_dim3A_518] : memref<32xf32, #tpu.memory_space<vmem>>[vector<16xi32>], vector<16xf32>,
        %gather3A_520 = tpu.vector_load_idx %arg24[%broadcast_in_dim3A_518] : memref<32xf32, #tpu.memory_space<vmem>>[vector<16xi32>], vector<16xf32>,
        %get3A_521 = arith.index_cast %scan3A_516 : i32 to index
        %get3A_522 = arith.constant 0 : index
        %get3A_523 = tpu.vector_load %arg8[%get3A_521, %get3A_522] {strides = array<i32>} : memref<32x128xf32, #tpu.memory_space<vmem>>, vector<16xf32>,
        %mul3A_524 = arith.mulf %get3A_523, %gather3A_519 : vector<16xf32>
        %swap3A_525 = arith.index_cast %scan3A_516 : i32 to index
        %swap3A_526 = arith.constant 0 : index
        %swap3A_527 = tpu.vector_load %arg8[%swap3A_525, %swap3A_526] {strides = array<i32>} : memref<32x128xf32, #tpu.memory_space<vmem>>, vector<16xf32>,
        tpu.vector_store %arg8[%swap3A_525, %swap3A_526], %mul3A_524 {strides = array<i32>} : memref<32x128xf32, #tpu.memory_space<vmem>>, vector<16xf32>,
        %get3A_528 = arith.index_cast %scan3A_516 : i32 to index
        %get3A_529 = arith.constant 16 : index
        %get3A_530 = tpu.vector_load %arg8[%get3A_528, %get3A_529] {strides = array<i32>} : memref<32x128xf32, #tpu.memory_space<vmem>>, vector<16xf32>,
        %mul3A_531 = arith.mulf %get3A_530, %gather3A_519 : vector<16xf32>
        %swap3A_532 = arith.index_cast %scan3A_516 : i32 to index
        %swap3A_533 = arith.constant 16 : index
        %swap3A_534 = tpu.vector_load %arg8[%swap3A_532, %swap3A_533] {strides = array<i32>} : memref<32x128xf32, #tpu.memory_space<vmem>>, vector<16xf32>,
        tpu.vector_store %arg8[%swap3A_532, %swap3A_533], %mul3A_531 {strides = array<i32>} : memref<32x128xf32, #tpu.memory_space<vmem>>, vector<16xf32>,
        %get3A_535 = arith.index_cast %scan3A_516 : i32 to index
        %get3A_536 = arith.constant 32 : index
        %get3A_537 = tpu.vector_load %arg8[%get3A_535, %get3A_536] {strides = array<i32>} : memref<32x128xf32, #tpu.memory_space<vmem>>, vector<16xf32>,
        %mul3A_538 = arith.mulf %get3A_537, %gather3A_519 : vector<16xf32>
        %swap3A_539 = arith.index_cast %scan3A_516 : i32 to index
        %swap3A_540 = arith.constant 32 : index
        %swap3A_541 = tpu.vector_load %arg8[%swap3A_539, %swap3A_540] {strides = array<i32>} : memref<32x128xf32, #tpu.memory_space<vmem>>, vector<16xf32>,
        tpu.vector_store %arg8[%swap3A_539, %swap3A_540], %mul3A_538 {strides = array<i32>} : memref<32x128xf32, #tpu.memory_space<vmem>>, vector<16xf32>,
        %get3A_542 = arith.index_cast %scan3A_516 : i32 to index
        %get3A_543 = arith.constant 48 : index
        %get3A_544 = tpu.vector_load %arg8[%get3A_542, %get3A_543] {strides = array<i32>} : memref<32x128xf32, #tpu.memory_space<vmem>>, vector<16xf32>,
        %mul3A_545 = arith.mulf %get3A_544, %gather3A_519 : vector<16xf32>
        %swap3A_546 = arith.index_cast %scan3A_516 : i32 to index
        %swap3A_547 = arith.constant 48 : index
        %swap3A_548 = tpu.vector_load %arg8[%swap3A_546, %swap3A_547] {strides = array<i32>} : memref<32x128xf32, #tpu.memory_space<vmem>>, vector<16xf32>,
        tpu.vector_store %arg8[%swap3A_546, %swap3A_547], %mul3A_545 {strides = array<i32>} : memref<32x128xf32, #tpu.memory_space<vmem>>, vector<16xf32>,
        %get3A_549 = arith.index_cast %scan3A_516 : i32 to index
        %get3A_550 = arith.constant 64 : index
        %get3A_551 = tpu.vector_load %arg8[%get3A_549, %get3A_550] {strides = array<i32>} : memref<32x128xf32, #tpu.memory_space<vmem>>, vector<16xf32>,
        %mul3A_552 = arith.mulf %get3A_551, %gather3A_520 : vector<16xf32>
        %swap3A_553 = arith.index_cast %scan3A_516 : i32 to index
        %swap3A_554 = arith.constant 64 : index
        %swap3A_555 = tpu.vector_load %arg8[%swap3A_553, %swap3A_554] {strides = array<i32>} : memref<32x128xf32, #tpu.memory_space<vmem>>, vector<16xf32>,
        tpu.vector_store %arg8[%swap3A_553, %swap3A_554], %mul3A_552 {strides = array<i32>} : memref<32x128xf32, #tpu.memory_space<vmem>>, vector<16xf32>,
        %get3A_556 = arith.index_cast %scan3A_516 : i32 to index
        %get3A_557 = arith.constant 80 : index
        %get3A_558 = tpu.vector_load %arg8[%get3A_556, %get3A_557] {strides = array<i32>} : memref<32x128xf32, #tpu.memory_space<vmem>>, vector<16xf32>,
        %mul3A_559 = arith.mulf %get3A_558, %gather3A_520 : vector<16xf32>
        %swap3A_560 = arith.index_cast %scan3A_516 : i32 to index
        %swap3A_561 = arith.constant 80 : index
        %swap3A_562 = tpu.vector_load %arg8[%swap3A_560, %swap3A_561] {strides = array<i32>} : memref<32x128xf32, #tpu.memory_space<vmem>>, vector<16xf32>,
        tpu.vector_store %arg8[%swap3A_560, %swap3A_561], %mul3A_559 {strides = array<i32>} : memref<32x128xf32, #tpu.memory_space<vmem>>, vector<16xf32>,
        %get3A_563 = arith.index_cast %scan3A_516 : i32 to index
        %get3A_564 = arith.constant 96 : index
        %get3A_565 = tpu.vector_load %arg8[%get3A_563, %get3A_564] {strides = array<i32>} : memref<32x128xf32, #tpu.memory_space<vmem>>, vector<16xf32>,
        %mul3A_566 = arith.mulf %get3A_565, %gather3A_520 : vector<16xf32>
        %swap3A_567 = arith.index_cast %scan3A_516 : i32 to index
        %swap3A_568 = arith.constant 96 : index
        %swap3A_569 = tpu.vector_load %arg8[%swap3A_567, %swap3A_568] {strides = array<i32>} : memref<32x128xf32, #tpu.memory_space<vmem>>, vector<16xf32>,
        tpu.vector_store %arg8[%swap3A_567, %swap3A_568], %mul3A_566 {strides = array<i32>} : memref<32x128xf32, #tpu.memory_space<vmem>>, vector<16xf32>,
        %get3A_570 = arith.index_cast %scan3A_516 : i32 to index
        %get3A_571 = arith.constant 112 : index
        %get3A_572 = tpu.vector_load %arg8[%get3A_570, %get3A_571] {strides = array<i32>} : memref<32x128xf32, #tpu.memory_space<vmem>>, vector<16xf32>,
        %mul3A_573 = arith.mulf %get3A_572, %gather3A_520 : vector<16xf32>
        %swap3A_574 = arith.index_cast %scan3A_516 : i32 to index
        %swap3A_575 = arith.constant 112 : index
        %swap3A_576 = tpu.vector_load %arg8[%swap3A_574, %swap3A_575] {strides = array<i32>} : memref<32x128xf32, #tpu.memory_space<vmem>>, vector<16xf32>,
        tpu.vector_store %arg8[%swap3A_574, %swap3A_575], %mul3A_573 {strides = array<i32>} : memref<32x128xf32, #tpu.memory_space<vmem>>, vector<16xf32>,
        %scan3A_577 = arith.constant 0 : i32
        scf.yield %scan3A_577 : i32
      }
      %scan3A_331 = arith.constant 32 : i32
      %dma_start3A_332 = arith.constant 0 : i32
      %dma_start3A_333 = arith.constant 0 : i32
      %dma_start3A_334 = tpu.memref_slice %arg26[%dma_start3A_332, %dma_start3A_333] : memref<10240x128xf32, #tpu.memory_space<vmem_shared>> -> memref<10240x128xf32, #tpu.memory_space<vmem_shared>>
      tpu.enqueue_indirect_dma source(%arg8 : memref<32x128xf32, #tpu.memory_space<vmem>>) target(%dma_start3A_334 : memref<10240x128xf32, #tpu.memory_space<vmem_shared>>) offsets(%arg18 : memref<32xi32, #tpu.memory_space<vmem>>) semaphore(%arg32 : memref<!tpu.dma_semaphore, #tpu.memory_space<semaphore_mem>>) {add = true}
      %dma_start3A_335 = arith.constant 0 : i32
      %dma_start3A_336 = arith.constant 0 : i32
      %dma_start3A_337 = tpu.memref_slice %arg27[%dma_start3A_335, %dma_start3A_336] : memref<1280x128xf32, #tpu.memory_space<vmem_shared>> -> memref<1280x128xf32, #tpu.memory_space<vmem_shared>>
      tpu.enqueue_indirect_dma source(%arg14 : memref<32x128xf32, #tpu.memory_space<vmem>>) target(%dma_start3A_337 : memref<1280x128xf32, #tpu.memory_space<vmem_shared>>) offsets(%arg20 : memref<32xi32, #tpu.memory_space<vmem>>) semaphore(%arg32 : memref<!tpu.dma_semaphore, #tpu.memory_space<semaphore_mem>>) {add = true}
      %dma_wait3A_338 = arith.constant 0 : i32
      %dma_wait3A_339 = arith.constant 0 : i32
      %dma_wait3A_340 = tpu.memref_slice %arg3[%dma_wait3A_338, %dma_wait3A_339] : memref<10000x128xf32, #tpu.memory_space<hbm>> -> memref<10000x128xf32, #tpu.memory_space<hbm>>
      tpu.wait_indirect_dma semaphore(%arg29 : memref<!tpu.dma_semaphore, #tpu.memory_space<semaphore_mem>>) src(%dma_wait3A_340 : memref<10000x128xf32, #tpu.memory_space<hbm>>) dst(%arg11 : memref<32x128xf32, #tpu.memory_space<vmem>>)
      %dma_wait3A_341 = arith.constant 0 : i32
      %dma_wait3A_342 = arith.constant 0 : i32
      %dma_wait3A_343 = tpu.memref_slice %arg3[%dma_wait3A_341, %dma_wait3A_342] : memref<10000x128xf32, #tpu.memory_space<hbm>> -> memref<10000x128xf32, #tpu.memory_space<hbm>>
      tpu.wait_indirect_dma semaphore(%arg29 : memref<!tpu.dma_semaphore, #tpu.memory_space<semaphore_mem>>) src(%dma_wait3A_343 : memref<10000x128xf32, #tpu.memory_space<hbm>>) dst(%arg13 : memref<32x128xf32, #tpu.memory_space<vmem>>)
      %add3A_344 = arith.constant 0 : i32
      %add3A_345 = vector.broadcast %add3A_344 : i32 to vector<16xi32>
      %add3A_346 = arith.addi %iota3A, %add3A_345 : vector<16xi32>
      %get3A_347 = arith.constant 0 : index
      %get3A_348 = tpu.vector_load %arg19[%get3A_347] {strides = array<i32>} : memref<32xi32, #tpu.memory_space<vmem>>, vector<16xi32>,
      %gather3A_349 = tpu.vector_load_idx %arg11[%add3A_346, %broadcast_in_dim3A_3] : memref<32x128xf32, #tpu.memory_space<vmem>>[vector<16xi32>, vector<16xi32>], vector<16xf32>,
      %add3A_350 = arith.constant 2 : i32
      %add3A_351 = vector.broadcast %add3A_350 : i32 to vector<16xi32>
      %add3A_352 = arith.addi %broadcast_in_dim3A_3, %add3A_351 : vector<16xi32>
      %gather3A_353 = tpu.vector_load_idx %arg13[%add3A_346, %add3A_352] : memref<32x128xf32, #tpu.memory_space<vmem>>[vector<16xi32>, vector<16xi32>], vector<16xf32>,
      %add3A_354 = arith.addf %gather3A_349, %gather3A_353 : vector<16xf32>
      %add3A_355 = arith.constant 1 : i32
      %add3A_356 = vector.broadcast %add3A_355 : i32 to vector<16xi32>
      %add3A_357 = arith.addi %broadcast_in_dim3A_3, %add3A_356 : vector<16xi32>
      %gather3A_358 = tpu.vector_load_idx %arg11[%add3A_346, %add3A_357] : memref<32x128xf32, #tpu.memory_space<vmem>>[vector<16xi32>, vector<16xi32>], vector<16xf32>,
      %add3A_359 = arith.constant 3 : i32
      %add3A_360 = vector.broadcast %add3A_359 : i32 to vector<16xi32>
      %add3A_361 = arith.addi %broadcast_in_dim3A_3, %add3A_360 : vector<16xi32>
      %gather3A_362 = tpu.vector_load_idx %arg13[%add3A_346, %add3A_361] : memref<32x128xf32, #tpu.memory_space<vmem>>[vector<16xi32>, vector<16xi32>], vector<16xf32>,
      %add3A_363 = arith.addf %gather3A_358, %gather3A_362 : vector<16xf32>
      %gt3A_364 = arith.constant 0.000000e+00 : f32
      %gt3A_365 = vector.broadcast %gt3A_364 : f32 to vector<16xf32>
      %gt3A_366 = arith.cmpf ogt, %add3A_354, %gt3A_365 : vector<16xf32>
      %mul3A_367 = arith.constant 2.000000e-01 : f32
      %mul3A_368 = vector.broadcast %mul3A_367 : f32 to vector<16xf32>
      %mul3A_369 = arith.mulf %mul3A_368, %add3A_354 : vector<16xf32>
      %select_n3A_370 = arith.select %gt3A_366, %add3A_354, %mul3A_369 : vector<16xi1>, vector<16xf32>
      %gt3A_371 = arith.constant 0.000000e+00 : f32
      %gt3A_372 = vector.broadcast %gt3A_371 : f32 to vector<16xf32>
      %gt3A_373 = arith.cmpf ogt, %add3A_363, %gt3A_372 : vector<16xf32>
      %mul3A_374 = arith.constant 2.000000e-01 : f32
      %mul3A_375 = vector.broadcast %mul3A_374 : f32 to vector<16xf32>
      %mul3A_376 = arith.mulf %mul3A_375, %add3A_363 : vector<16xf32>
      %select_n3A_377 = arith.select %gt3A_373, %add3A_363, %mul3A_376 : vector<16xi1>, vector<16xf32>
      %exp3A_378 = math.exp %select_n3A_370 : vector<16xf32>
      %exp3A_379 = math.exp %select_n3A_377 : vector<16xf32>
      %swap3A_380 = arith.constant 0 : index
      %swap3A_381 = tpu.vector_load %arg23[%swap3A_380] {strides = array<i32>} : memref<32xf32, #tpu.memory_space<vmem>>, vector<16xf32>,
      tpu.vector_store %arg23[%swap3A_380], %exp3A_378 {strides = array<i32>} : memref<32xf32, #tpu.memory_space<vmem>>, vector<16xf32>,
      %swap3A_382 = arith.constant 0 : index
      %swap3A_383 = tpu.vector_load %arg25[%swap3A_382] {strides = array<i32>} : memref<32xf32, #tpu.memory_space<vmem>>, vector<16xf32>,
      tpu.vector_store %arg25[%swap3A_382], %exp3A_379 {strides = array<i32>} : memref<32xf32, #tpu.memory_space<vmem>>, vector<16xf32>,
      %rem3A_384 = arith.constant 8 : i32
      %rem3A_385 = vector.broadcast %rem3A_384 : i32 to vector<16xi32>
      %rem3A_386 = arith.remsi %get3A_348, %rem3A_385 : vector<16xi32>
      tpu.vector_store_idx %arg15[%add3A_346, %rem3A_386], %exp3A_378 : memref<32x128xf32, #tpu.memory_space<vmem>>[vector<16xi32>, vector<16xi32>], vector<16xf32>,
      %add3A_387 = arith.constant 64 : i32
      %add3A_388 = vector.broadcast %add3A_387 : i32 to vector<16xi32>
      %add3A_389 = arith.addi %rem3A_386, %add3A_388 : vector<16xi32>
      tpu.vector_store_idx %arg15[%add3A_346, %add3A_389], %exp3A_379 : memref<32x128xf32, #tpu.memory_space<vmem>>[vector<16xi32>, vector<16xi32>], vector<16xf32>,
      %div3A_390 = arith.constant 8 : i32
      %div3A_391 = vector.broadcast %div3A_390 : i32 to vector<16xi32>
      %div3A_392 = arith.divsi %get3A_348, %div3A_391 : vector<16xi32>
      %swap3A_393 = arith.constant 0 : index
      %swap3A_394 = tpu.vector_load %arg21[%swap3A_393] {strides = array<i32>} : memref<32xi32, #tpu.memory_space<vmem>>, vector<16xi32>,
      tpu.vector_store %arg21[%swap3A_393], %div3A_392 {strides = array<i32>} : memref<32xi32, #tpu.memory_space<vmem>>, vector<16xi32>,
      %add3A_395 = arith.constant 16 : i32
      %add3A_396 = vector.broadcast %add3A_395 : i32 to vector<16xi32>
      %add3A_397 = arith.addi %iota3A, %add3A_396 : vector<16xi32>
      %get3A_398 = arith.constant 16 : index
      %get3A_399 = tpu.vector_load %arg19[%get3A_398] {strides = array<i32>} : memref<32xi32, #tpu.memory_space<vmem>>, vector<16xi32>,
      %gather3A_400 = tpu.vector_load_idx %arg11[%add3A_397, %broadcast_in_dim3A_3] : memref<32x128xf32, #tpu.memory_space<vmem>>[vector<16xi32>, vector<16xi32>], vector<16xf32>,
      %add3A_401 = arith.constant 2 : i32
      %add3A_402 = vector.broadcast %add3A_401 : i32 to vector<16xi32>
      %add3A_403 = arith.addi %broadcast_in_dim3A_3, %add3A_402 : vector<16xi32>
      %gather3A_404 = tpu.vector_load_idx %arg13[%add3A_397, %add3A_403] : memref<32x128xf32, #tpu.memory_space<vmem>>[vector<16xi32>, vector<16xi32>], vector<16xf32>,
      %add3A_405 = arith.addf %gather3A_400, %gather3A_404 : vector<16xf32>
      %add3A_406 = arith.constant 1 : i32
      %add3A_407 = vector.broadcast %add3A_406 : i32 to vector<16xi32>
      %add3A_408 = arith.addi %broadcast_in_dim3A_3, %add3A_407 : vector<16xi32>
      %gather3A_409 = tpu.vector_load_idx %arg11[%add3A_397, %add3A_408] : memref<32x128xf32, #tpu.memory_space<vmem>>[vector<16xi32>, vector<16xi32>], vector<16xf32>,
      %add3A_410 = arith.constant 3 : i32
      %add3A_411 = vector.broadcast %add3A_410 : i32 to vector<16xi32>
      %add3A_412 = arith.addi %broadcast_in_dim3A_3, %add3A_411 : vector<16xi32>
      %gather3A_413 = tpu.vector_load_idx %arg13[%add3A_397, %add3A_412] : memref<32x128xf32, #tpu.memory_space<vmem>>[vector<16xi32>, vector<16xi32>], vector<16xf32>,
      %add3A_414 = arith.addf %gather3A_409, %gather3A_413 : vector<16xf32>
      %gt3A_415 = arith.constant 0.000000e+00 : f32
      %gt3A_416 = vector.broadcast %gt3A_415 : f32 to vector<16xf32>
      %gt3A_417 = arith.cmpf ogt, %add3A_405, %gt3A_416 : vector<16xf32>
      %mul3A_418 = arith.constant 2.000000e-01 : f32
      %mul3A_419 = vector.broadcast %mul3A_418 : f32 to vector<16xf32>
      %mul3A_420 = arith.mulf %mul3A_419, %add3A_405 : vector<16xf32>
      %select_n3A_421 = arith.select %gt3A_417, %add3A_405, %mul3A_420 : vector<16xi1>, vector<16xf32>
      %gt3A_422 = arith.constant 0.000000e+00 : f32
      %gt3A_423 = vector.broadcast %gt3A_422 : f32 to vector<16xf32>
      %gt3A_424 = arith.cmpf ogt, %add3A_414, %gt3A_423 : vector<16xf32>
      %mul3A_425 = arith.constant 2.000000e-01 : f32
      %mul3A_426 = vector.broadcast %mul3A_425 : f32 to vector<16xf32>
      %mul3A_427 = arith.mulf %mul3A_426, %add3A_414 : vector<16xf32>
      %select_n3A_428 = arith.select %gt3A_424, %add3A_414, %mul3A_427 : vector<16xi1>, vector<16xf32>
      %exp3A_429 = math.exp %select_n3A_421 : vector<16xf32>
      %exp3A_430 = math.exp %select_n3A_428 : vector<16xf32>
      %swap3A_431 = arith.constant 16 : index
      %swap3A_432 = tpu.vector_load %arg23[%swap3A_431] {strides = array<i32>} : memref<32xf32, #tpu.memory_space<vmem>>, vector<16xf32>,
      tpu.vector_store %arg23[%swap3A_431], %exp3A_429 {strides = array<i32>} : memref<32xf32, #tpu.memory_space<vmem>>, vector<16xf32>,
      %swap3A_433 = arith.constant 16 : index
      %swap3A_434 = tpu.vector_load %arg25[%swap3A_433] {strides = array<i32>} : memref<32xf32, #tpu.memory_space<vmem>>, vector<16xf32>,
      tpu.vector_store %arg25[%swap3A_433], %exp3A_430 {strides = array<i32>} : memref<32xf32, #tpu.memory_space<vmem>>, vector<16xf32>,
      %rem3A_435 = arith.constant 8 : i32
      %rem3A_436 = vector.broadcast %rem3A_435 : i32 to vector<16xi32>
      %rem3A_437 = arith.remsi %get3A_399, %rem3A_436 : vector<16xi32>
      tpu.vector_store_idx %arg15[%add3A_397, %rem3A_437], %exp3A_429 : memref<32x128xf32, #tpu.memory_space<vmem>>[vector<16xi32>, vector<16xi32>], vector<16xf32>,
      %add3A_438 = arith.constant 64 : i32
      %add3A_439 = vector.broadcast %add3A_438 : i32 to vector<16xi32>
      %add3A_440 = arith.addi %rem3A_437, %add3A_439 : vector<16xi32>
      tpu.vector_store_idx %arg15[%add3A_397, %add3A_440], %exp3A_430 : memref<32x128xf32, #tpu.memory_space<vmem>>[vector<16xi32>, vector<16xi32>], vector<16xf32>,
      %div3A_441 = arith.constant 8 : i32
      %div3A_442 = vector.broadcast %div3A_441 : i32 to vector<16xi32>
      %div3A_443 = arith.divsi %get3A_399, %div3A_442 : vector<16xi32>
      %swap3A_444 = arith.constant 16 : index
      %swap3A_445 = tpu.vector_load %arg21[%swap3A_444] {strides = array<i32>} : memref<32xi32, #tpu.memory_space<vmem>>, vector<16xi32>,
      tpu.vector_store %arg21[%swap3A_444], %div3A_443 {strides = array<i32>} : memref<32xi32, #tpu.memory_space<vmem>>, vector<16xi32>,
      %dma_wait3A_446 = arith.constant 0 : i32
      %dma_wait3A_447 = arith.constant 0 : i32
      %dma_wait3A_448 = tpu.memref_slice %arg26[%dma_wait3A_446, %dma_wait3A_447] : memref<10240x128xf32, #tpu.memory_space<vmem_shared>> -> memref<10240x128xf32, #tpu.memory_space<vmem_shared>>
      tpu.wait_indirect_dma semaphore(%arg32 : memref<!tpu.dma_semaphore, #tpu.memory_space<semaphore_mem>>) src(%arg8 : memref<32x128xf32, #tpu.memory_space<vmem>>) dst(%dma_wait3A_448 : memref<10240x128xf32, #tpu.memory_space<vmem_shared>>)
      %dma_wait3A_449 = arith.constant 0 : i32
      %dma_wait3A_450 = arith.constant 0 : i32
      %dma_wait3A_451 = tpu.memref_slice %arg27[%dma_wait3A_449, %dma_wait3A_450] : memref<1280x128xf32, #tpu.memory_space<vmem_shared>> -> memref<1280x128xf32, #tpu.memory_space<vmem_shared>>
      tpu.wait_indirect_dma semaphore(%arg32 : memref<!tpu.dma_semaphore, #tpu.memory_space<semaphore_mem>>) src(%arg14 : memref<32x128xf32, #tpu.memory_space<vmem>>) dst(%dma_wait3A_451 : memref<1280x128xf32, #tpu.memory_space<vmem_shared>>)
      %add3A_452 = arith.constant 0 : i32
      %add3A_453 = vector.broadcast %add3A_452 : i32 to vector<16xi32>
      %add3A_454 = arith.addi %iota3A, %add3A_453 : vector<16xi32>
      %get3A_455 = arith.constant 0 : index
      %get3A_456 = tpu.vector_load %arg18[%get3A_455] {strides = array<i32>} : memref<32xi32, #tpu.memory_space<vmem>>, vector<16xi32>,
      %rem3A_457 = arith.constant 8 : i32
      %rem3A_458 = vector.broadcast %rem3A_457 : i32 to vector<16xi32>
      %rem3A_459 = arith.remsi %get3A_456, %rem3A_458 : vector<16xi32>
      tpu.vector_store_idx %arg14[%add3A_454, %rem3A_459], %broadcast_in_dim3A_1 : memref<32x128xf32, #tpu.memory_space<vmem>>[vector<16xi32>, vector<16xi32>], vector<16xf32>,
      %add3A_460 = arith.constant 64 : i32
      %add3A_461 = vector.broadcast %add3A_460 : i32 to vector<16xi32>
      %add3A_462 = arith.addi %rem3A_459, %add3A_461 : vector<16xi32>
      tpu.vector_store_idx %arg14[%add3A_454, %add3A_462], %broadcast_in_dim3A_1 : memref<32x128xf32, #tpu.memory_space<vmem>>[vector<16xi32>, vector<16xi32>], vector<16xf32>,
      %add3A_463 = arith.constant 16 : i32
      %add3A_464 = vector.broadcast %add3A_463 : i32 to vector<16xi32>
      %add3A_465 = arith.addi %iota3A, %add3A_464 : vector<16xi32>
      %get3A_466 = arith.constant 16 : index
      %get3A_467 = tpu.vector_load %arg18[%get3A_466] {strides = array<i32>} : memref<32xi32, #tpu.memory_space<vmem>>, vector<16xi32>,
      %rem3A_468 = arith.constant 8 : i32
      %rem3A_469 = vector.broadcast %rem3A_468 : i32 to vector<16xi32>
      %rem3A_470 = arith.remsi %get3A_467, %rem3A_469 : vector<16xi32>
      tpu.vector_store_idx %arg14[%add3A_465, %rem3A_470], %broadcast_in_dim3A_1 : memref<32x128xf32, #tpu.memory_space<vmem>>[vector<16xi32>, vector<16xi32>], vector<16xf32>,
      %add3A_471 = arith.constant 64 : i32
      %add3A_472 = vector.broadcast %add3A_471 : i32 to vector<16xi32>
      %add3A_473 = arith.addi %rem3A_470, %add3A_472 : vector<16xi32>
      tpu.vector_store_idx %arg14[%add3A_465, %add3A_473], %broadcast_in_dim3A_1 : memref<32x128xf32, #tpu.memory_space<vmem>>[vector<16xi32>, vector<16xi32>], vector<16xf32>,
      %mul3A_474 = arith.constant 2 : i32
      %mul3A_475 = arith.muli %mul3A_474, %scan3A_190 : i32
      %add3A_476 = arith.constant 2 : i32
      %add3A_477 = arith.addi %mul3A_475, %add3A_476 : i32
      %mul3A_478 = arith.constant 32 : i32
      %mul3A_479 = arith.muli %add3A_477, %mul3A_478 : i32
      %add3A_480 = arith.addi %mul3A_75, %mul3A_479 : i32
      %min3A_481 = arith.minsi %add3A_480, %add3A_77 : i32
      %dma_start3A_482 = tpu.memref_slice %arg4[%min3A_481] : memref<331776xi32, #tpu.memory_space<hbm>> -> memref<32xi32, #tpu.memory_space<hbm>>
      %dma_start3A_483 = tpu.memref_slice %arg4[%min3A_481] : memref<331776xi32, #tpu.memory_space<hbm>> -> memref<32xi32, #tpu.memory_space<hbm>>
      tpu.enqueue_dma source(%dma_start3A_483 : memref<32xi32, #tpu.memory_space<hbm>>) target(%arg16 : memref<32xi32, #tpu.memory_space<vmem>>) target_semaphore(%arg30 : memref<!tpu.dma_semaphore, #tpu.memory_space<semaphore_mem>>)
      %dma_start3A_484 = tpu.memref_slice %arg5[%min3A_481] : memref<331776xi32, #tpu.memory_space<hbm>> -> memref<32xi32, #tpu.memory_space<hbm>>
      %dma_start3A_485 = tpu.memref_slice %arg5[%min3A_481] : memref<331776xi32, #tpu.memory_space<hbm>> -> memref<32xi32, #tpu.memory_space<hbm>>
      tpu.enqueue_dma source(%dma_start3A_485 : memref<32xi32, #tpu.memory_space<hbm>>) target(%arg18 : memref<32xi32, #tpu.memory_space<vmem>>) target_semaphore(%arg30 : memref<!tpu.dma_semaphore, #tpu.memory_space<semaphore_mem>>)
      %dma_wait3A_486 = tpu.memref_slice %arg4[%min3A_481] : memref<331776xi32, #tpu.memory_space<hbm>> -> memref<32xi32, #tpu.memory_space<hbm>>
      %dma_wait3A_487 = tpu.memref_slice %arg4[%min3A_481] : memref<331776xi32, #tpu.memory_space<hbm>> -> memref<32xi32, #tpu.memory_space<hbm>>
      tpu.wait_dma2 semaphore(%arg30 : memref<!tpu.dma_semaphore, #tpu.memory_space<semaphore_mem>>) src(%dma_wait3A_487 : memref<32xi32, #tpu.memory_space<hbm>>) dst(%arg16 : memref<32xi32, #tpu.memory_space<vmem>>)
      %dma_wait3A_488 = tpu.memref_slice %arg5[%min3A_481] : memref<331776xi32, #tpu.memory_space<hbm>> -> memref<32xi32, #tpu.memory_space<hbm>>
      %dma_wait3A_489 = tpu.memref_slice %arg5[%min3A_481] : memref<331776xi32, #tpu.memory_space<hbm>> -> memref<32xi32, #tpu.memory_space<hbm>>
      tpu.wait_dma2 semaphore(%arg30 : memref<!tpu.dma_semaphore, #tpu.memory_space<semaphore_mem>>) src(%dma_wait3A_489 : memref<32xi32, #tpu.memory_space<hbm>>) dst(%arg18 : memref<32xi32, #tpu.memory_space<vmem>>)
      %dma_start3A_490 = arith.constant 0 : i32
      %dma_start3A_491 = arith.constant 0 : i32
      %dma_start3A_492 = tpu.memref_slice %arg3[%dma_start3A_490, %dma_start3A_491] : memref<10000x128xf32, #tpu.memory_space<hbm>> -> memref<10000x128xf32, #tpu.memory_space<hbm>>
      tpu.enqueue_indirect_dma source(%dma_start3A_492 : memref<10000x128xf32, #tpu.memory_space<hbm>>) target(%arg10 : memref<32x128xf32, #tpu.memory_space<vmem>>) offsets(%arg16 : memref<32xi32, #tpu.memory_space<vmem>>) semaphore(%arg28 : memref<!tpu.dma_semaphore, #tpu.memory_space<semaphore_mem>>)
      %dma_start3A_493 = arith.constant 0 : i32
      %dma_start3A_494 = arith.constant 0 : i32
      %dma_start3A_495 = tpu.memref_slice %arg3[%dma_start3A_493, %dma_start3A_494] : memref<10000x128xf32, #tpu.memory_space<hbm>> -> memref<10000x128xf32, #tpu.memory_space<hbm>>
      tpu.enqueue_indirect_dma source(%dma_start3A_495 : memref<10000x128xf32, #tpu.memory_space<hbm>>) target(%arg12 : memref<32x128xf32, #tpu.memory_space<vmem>>) offsets(%arg18 : memref<32xi32, #tpu.memory_space<vmem>>) semaphore(%arg28 : memref<!tpu.dma_semaphore, #tpu.memory_space<semaphore_mem>>)
      %dma_start3A_496 = arith.constant 0 : i32
      %dma_start3A_497 = arith.constant 0 : i32
      %dma_start3A_498 = tpu.memref_slice %arg2[%dma_start3A_496, %dma_start3A_497] : memref<10000x128xf32, #tpu.memory_space<hbm>> -> memref<10000x128xf32, #tpu.memory_space<hbm>>
      tpu.enqueue_indirect_dma source(%dma_start3A_498 : memref<10000x128xf32, #tpu.memory_space<hbm>>) target(%arg8 : memref<32x128xf32, #tpu.memory_space<vmem>>) offsets(%arg16 : memref<32xi32, #tpu.memory_space<vmem>>) semaphore(%arg30 : memref<!tpu.dma_semaphore, #tpu.memory_space<semaphore_mem>>)
      %dma_wait3A_499 = arith.constant 0 : i32
      %dma_wait3A_500 = arith.constant 0 : i32
      %dma_wait3A_501 = tpu.memref_slice %arg2[%dma_wait3A_499, %dma_wait3A_500] : memref<10000x128xf32, #tpu.memory_space<hbm>> -> memref<10000x128xf32, #tpu.memory_space<hbm>>
      tpu.wait_indirect_dma semaphore(%arg31 : memref<!tpu.dma_semaphore, #tpu.memory_space<semaphore_mem>>) src(%dma_wait3A_501 : memref<10000x128xf32, #tpu.memory_space<hbm>>) dst(%arg9 : memref<32x128xf32, #tpu.memory_space<vmem>>)
      %scan3A_502 = arith.constant 0 : i32
      %scan3A_503 = arith.constant 0 : i32
      %scan3A_504 = arith.constant 32 : i32
      %scan3A_505 = arith.addi %scan3A_503, %scan3A_504 : i32
      %scan3A_506 = arith.constant 1 : i32
      %scan3A_507 = scf.for %scan3A_516 = %scan3A_503 to %scan3A_505 step %scan3A_506 iter_args(%scan3A_517 = %scan3A_502) -> (i32)  : i32 {
        %broadcast_in_dim3A_518 = vector.broadcast %scan3A_516 : i32 to vector<16xi32>
        %gather3A_519 = tpu.vector_load_idx %arg23[%broadcast_in_dim3A_518] : memref<32xf32, #tpu.memory_space<vmem>>[vector<16xi32>], vector<16xf32>,
        %gather3A_520 = tpu.vector_load_idx %arg25[%broadcast_in_dim3A_518] : memref<32xf32, #tpu.memory_space<vmem>>[vector<16xi32>], vector<16xf32>,
        %get3A_521 = arith.index_cast %scan3A_516 : i32 to index
        %get3A_522 = arith.constant 0 : index
        %get3A_523 = tpu.vector_load %arg9[%get3A_521, %get3A_522] {strides = array<i32>} : memref<32x128xf32, #tpu.memory_space<vmem>>, vector<16xf32>,
        %mul3A_524 = arith.mulf %get3A_523, %gather3A_519 : vector<16xf32>
        %swap3A_525 = arith.index_cast %scan3A_516 : i32 to index
        %swap3A_526 = arith.constant 0 : index
        %swap3A_527 = tpu.vector_load %arg9[%swap3A_525, %swap3A_526] {strides = array<i32>} : memref<32x128xf32, #tpu.memory_space<vmem>>, vector<16xf32>,
        tpu.vector_store %arg9[%swap3A_525, %swap3A_526], %mul3A_524 {strides = array<i32>} : memref<32x128xf32, #tpu.memory_space<vmem>>, vector<16xf32>,
        %get3A_528 = arith.index_cast %scan3A_516 : i32 to index
        %get3A_529 = arith.constant 16 : index
        %get3A_530 = tpu.vector_load %arg9[%get3A_528, %get3A_529] {strides = array<i32>} : memref<32x128xf32, #tpu.memory_space<vmem>>, vector<16xf32>,
        %mul3A_531 = arith.mulf %get3A_530, %gather3A_519 : vector<16xf32>
        %swap3A_532 = arith.index_cast %scan3A_516 : i32 to index
        %swap3A_533 = arith.constant 16 : index
        %swap3A_534 = tpu.vector_load %arg9[%swap3A_532, %swap3A_533] {strides = array<i32>} : memref<32x128xf32, #tpu.memory_space<vmem>>, vector<16xf32>,
        tpu.vector_store %arg9[%swap3A_532, %swap3A_533], %mul3A_531 {strides = array<i32>} : memref<32x128xf32, #tpu.memory_space<vmem>>, vector<16xf32>,
        %get3A_535 = arith.index_cast %scan3A_516 : i32 to index
        %get3A_536 = arith.constant 32 : index
        %get3A_537 = tpu.vector_load %arg9[%get3A_535, %get3A_536] {strides = array<i32>} : memref<32x128xf32, #tpu.memory_space<vmem>>, vector<16xf32>,
        %mul3A_538 = arith.mulf %get3A_537, %gather3A_519 : vector<16xf32>
        %swap3A_539 = arith.index_cast %scan3A_516 : i32 to index
        %swap3A_540 = arith.constant 32 : index
        %swap3A_541 = tpu.vector_load %arg9[%swap3A_539, %swap3A_540] {strides = array<i32>} : memref<32x128xf32, #tpu.memory_space<vmem>>, vector<16xf32>,
        tpu.vector_store %arg9[%swap3A_539, %swap3A_540], %mul3A_538 {strides = array<i32>} : memref<32x128xf32, #tpu.memory_space<vmem>>, vector<16xf32>,
        %get3A_542 = arith.index_cast %scan3A_516 : i32 to index
        %get3A_543 = arith.constant 48 : index
        %get3A_544 = tpu.vector_load %arg9[%get3A_542, %get3A_543] {strides = array<i32>} : memref<32x128xf32, #tpu.memory_space<vmem>>, vector<16xf32>,
        %mul3A_545 = arith.mulf %get3A_544, %gather3A_519 : vector<16xf32>
        %swap3A_546 = arith.index_cast %scan3A_516 : i32 to index
        %swap3A_547 = arith.constant 48 : index
        %swap3A_548 = tpu.vector_load %arg9[%swap3A_546, %swap3A_547] {strides = array<i32>} : memref<32x128xf32, #tpu.memory_space<vmem>>, vector<16xf32>,
        tpu.vector_store %arg9[%swap3A_546, %swap3A_547], %mul3A_545 {strides = array<i32>} : memref<32x128xf32, #tpu.memory_space<vmem>>, vector<16xf32>,
        %get3A_549 = arith.index_cast %scan3A_516 : i32 to index
        %get3A_550 = arith.constant 64 : index
        %get3A_551 = tpu.vector_load %arg9[%get3A_549, %get3A_550] {strides = array<i32>} : memref<32x128xf32, #tpu.memory_space<vmem>>, vector<16xf32>,
        %mul3A_552 = arith.mulf %get3A_551, %gather3A_520 : vector<16xf32>
        %swap3A_553 = arith.index_cast %scan3A_516 : i32 to index
        %swap3A_554 = arith.constant 64 : index
        %swap3A_555 = tpu.vector_load %arg9[%swap3A_553, %swap3A_554] {strides = array<i32>} : memref<32x128xf32, #tpu.memory_space<vmem>>, vector<16xf32>,
        tpu.vector_store %arg9[%swap3A_553, %swap3A_554], %mul3A_552 {strides = array<i32>} : memref<32x128xf32, #tpu.memory_space<vmem>>, vector<16xf32>,
        %get3A_556 = arith.index_cast %scan3A_516 : i32 to index
        %get3A_557 = arith.constant 80 : index
        %get3A_558 = tpu.vector_load %arg9[%get3A_556, %get3A_557] {strides = array<i32>} : memref<32x128xf32, #tpu.memory_space<vmem>>, vector<16xf32>,
        %mul3A_559 = arith.mulf %get3A_558, %gather3A_520 : vector<16xf32>
        %swap3A_560 = arith.index_cast %scan3A_516 : i32 to index
        %swap3A_561 = arith.constant 80 : index
        %swap3A_562 = tpu.vector_load %arg9[%swap3A_560, %swap3A_561] {strides = array<i32>} : memref<32x128xf32, #tpu.memory_space<vmem>>, vector<16xf32>,
        tpu.vector_store %arg9[%swap3A_560, %swap3A_561], %mul3A_559 {strides = array<i32>} : memref<32x128xf32, #tpu.memory_space<vmem>>, vector<16xf32>,
        %get3A_563 = arith.index_cast %scan3A_516 : i32 to index
        %get3A_564 = arith.constant 96 : index
        %get3A_565 = tpu.vector_load %arg9[%get3A_563, %get3A_564] {strides = array<i32>} : memref<32x128xf32, #tpu.memory_space<vmem>>, vector<16xf32>,
        %mul3A_566 = arith.mulf %get3A_565, %gather3A_520 : vector<16xf32>
        %swap3A_567 = arith.index_cast %scan3A_516 : i32 to index
        %swap3A_568 = arith.constant 96 : index
        %swap3A_569 = tpu.vector_load %arg9[%swap3A_567, %swap3A_568] {strides = array<i32>} : memref<32x128xf32, #tpu.memory_space<vmem>>, vector<16xf32>,
        tpu.vector_store %arg9[%swap3A_567, %swap3A_568], %mul3A_566 {strides = array<i32>} : memref<32x128xf32, #tpu.memory_space<vmem>>, vector<16xf32>,
        %get3A_570 = arith.index_cast %scan3A_516 : i32 to index
        %get3A_571 = arith.constant 112 : index
        %get3A_572 = tpu.vector_load %arg9[%get3A_570, %get3A_571] {strides = array<i32>} : memref<32x128xf32, #tpu.memory_space<vmem>>, vector<16xf32>,
        %mul3A_573 = arith.mulf %get3A_572, %gather3A_520 : vector<16xf32>
        %swap3A_574 = arith.index_cast %scan3A_516 : i32 to index
        %swap3A_575 = arith.constant 112 : index
        %swap3A_576 = tpu.vector_load %arg9[%swap3A_574, %swap3A_575] {strides = array<i32>} : memref<32x128xf32, #tpu.memory_space<vmem>>, vector<16xf32>,
        tpu.vector_store %arg9[%swap3A_574, %swap3A_575], %mul3A_573 {strides = array<i32>} : memref<32x128xf32, #tpu.memory_space<vmem>>, vector<16xf32>,
        %scan3A_577 = arith.constant 0 : i32
        scf.yield %scan3A_577 : i32
      }
      %scan3A_508 = arith.constant 32 : i32
      %dma_start3A_509 = arith.constant 0 : i32
      %dma_start3A_510 = arith.constant 0 : i32
      %dma_start3A_511 = tpu.memref_slice %arg26[%dma_start3A_509, %dma_start3A_510] : memref<10240x128xf32, #tpu.memory_space<vmem_shared>> -> memref<10240x128xf32, #tpu.memory_space<vmem_shared>>
      tpu.enqueue_indirect_dma source(%arg9 : memref<32x128xf32, #tpu.memory_space<vmem>>) target(%dma_start3A_511 : memref<10240x128xf32, #tpu.memory_space<vmem_shared>>) offsets(%arg19 : memref<32xi32, #tpu.memory_space<vmem>>) semaphore(%arg33 : memref<!tpu.dma_semaphore, #tpu.memory_space<semaphore_mem>>) {add = true}
      %dma_start3A_512 = arith.constant 0 : i32
      %dma_start3A_513 = arith.constant 0 : i32
      %dma_start3A_514 = tpu.memref_slice %arg27[%dma_start3A_512, %dma_start3A_513] : memref<1280x128xf32, #tpu.memory_space<vmem_shared>> -> memref<1280x128xf32, #tpu.memory_space<vmem_shared>>
      tpu.enqueue_indirect_dma source(%arg15 : memref<32x128xf32, #tpu.memory_space<vmem>>) target(%dma_start3A_514 : memref<1280x128xf32, #tpu.memory_space<vmem_shared>>) offsets(%arg21 : memref<32xi32, #tpu.memory_space<vmem>>) semaphore(%arg33 : memref<!tpu.dma_semaphore, #tpu.memory_space<semaphore_mem>>) {add = true}
      %scan3A_515 = arith.constant 0 : i32
      scf.yield %scan3A_515 : i32
    }
    %scan3A_101 = arith.constant 162 : i32
    %dma_wait3A_102 = arith.constant 0 : i32
    %dma_wait3A_103 = arith.constant 0 : i32
    %dma_wait3A_104 = tpu.memref_slice %arg26[%dma_wait3A_102, %dma_wait3A_103] : memref<10240x128xf32, #tpu.memory_space<vmem_shared>> -> memref<10240x128xf32, #tpu.memory_space<vmem_shared>>
    tpu.wait_indirect_dma semaphore(%arg33 : memref<!tpu.dma_semaphore, #tpu.memory_space<semaphore_mem>>) src(%arg9 : memref<32x128xf32, #tpu.memory_space<vmem>>) dst(%dma_wait3A_104 : memref<10240x128xf32, #tpu.memory_space<vmem_shared>>)
    %dma_wait3A_105 = arith.constant 0 : i32
    %dma_wait3A_106 = arith.constant 0 : i32
    %dma_wait3A_107 = tpu.memref_slice %arg27[%dma_wait3A_105, %dma_wait3A_106] : memref<1280x128xf32, #tpu.memory_space<vmem_shared>> -> memref<1280x128xf32, #tpu.memory_space<vmem_shared>>
    tpu.wait_indirect_dma semaphore(%arg33 : memref<!tpu.dma_semaphore, #tpu.memory_space<semaphore_mem>>) src(%arg15 : memref<32x128xf32, #tpu.memory_space<vmem>>) dst(%dma_wait3A_107 : memref<1280x128xf32, #tpu.memory_space<vmem_shared>>)
    %add3A_108 = arith.constant 0 : i32
    %add3A_109 = vector.broadcast %add3A_108 : i32 to vector<16xi32>
    %add3A_110 = arith.addi %iota3A, %add3A_109 : vector<16xi32>
    %get3A = arith.constant 0 : index
    %get3A_111 = tpu.vector_load %arg19[%get3A] {strides = array<i32>} : memref<32xi32, #tpu.memory_space<vmem>>, vector<16xi32>,
    %rem3A = arith.constant 8 : i32
    %rem3A_112 = vector.broadcast %rem3A : i32 to vector<16xi32>
    %rem3A_113 = arith.remsi %get3A_111, %rem3A_112 : vector<16xi32>
    tpu.vector_store_idx %arg15[%add3A_110, %rem3A_113], %broadcast_in_dim3A_1 : memref<32x128xf32, #tpu.memory_space<vmem>>[vector<16xi32>, vector<16xi32>], vector<16xf32>,
    %add3A_114 = arith.constant 64 : i32
    %add3A_115 = vector.broadcast %add3A_114 : i32 to vector<16xi32>
    %add3A_116 = arith.addi %rem3A_113, %add3A_115 : vector<16xi32>
    tpu.vector_store_idx %arg15[%add3A_110, %add3A_116], %broadcast_in_dim3A_1 : memref<32x128xf32, #tpu.memory_space<vmem>>[vector<16xi32>, vector<16xi32>], vector<16xf32>,
    %add3A_117 = arith.constant 16 : i32
    %add3A_118 = vector.broadcast %add3A_117 : i32 to vector<16xi32>
    %add3A_119 = arith.addi %iota3A, %add3A_118 : vector<16xi32>
    %get3A_120 = arith.constant 16 : index
    %get3A_121 = tpu.vector_load %arg19[%get3A_120] {strides = array<i32>} : memref<32xi32, #tpu.memory_space<vmem>>, vector<16xi32>,
    %rem3A_122 = arith.constant 8 : i32
    %rem3A_123 = vector.broadcast %rem3A_122 : i32 to vector<16xi32>
    %rem3A_124 = arith.remsi %get3A_121, %rem3A_123 : vector<16xi32>
    tpu.vector_store_idx %arg15[%add3A_119, %rem3A_124], %broadcast_in_dim3A_1 : memref<32x128xf32, #tpu.memory_space<vmem>>[vector<16xi32>, vector<16xi32>], vector<16xf32>,
    %add3A_125 = arith.constant 64 : i32
    %add3A_126 = vector.broadcast %add3A_125 : i32 to vector<16xi32>
    %add3A_127 = arith.addi %rem3A_124, %add3A_126 : vector<16xi32>
    tpu.vector_store_idx %arg15[%add3A_119, %add3A_127], %broadcast_in_dim3A_1 : memref<32x128xf32, #tpu.memory_space<vmem>>[vector<16xi32>, vector<16xi32>], vector<16xf32>,
    %dma_wait3A_128 = arith.constant 0 : i32
    %dma_wait3A_129 = arith.constant 0 : i32
    %dma_wait3A_130 = tpu.memref_slice %arg3[%dma_wait3A_128, %dma_wait3A_129] : memref<10000x128xf32, #tpu.memory_space<hbm>> -> memref<10000x128xf32, #tpu.memory_space<hbm>>
    tpu.wait_indirect_dma semaphore(%arg28 : memref<!tpu.dma_semaphore, #tpu.memory_space<semaphore_mem>>) src(%dma_wait3A_130 : memref<10000x128xf32, #tpu.memory_space<hbm>>) dst(%arg10 : memref<32x128xf32, #tpu.memory_space<vmem>>)
    %dma_wait3A_131 = arith.constant 0 : i32
    %dma_wait3A_132 = arith.constant 0 : i32
    %dma_wait3A_133 = tpu.memref_slice %arg3[%dma_wait3A_131, %dma_wait3A_132] : memref<10000x128xf32, #tpu.memory_space<hbm>> -> memref<10000x128xf32, #tpu.memory_space<hbm>>
    tpu.wait_indirect_dma semaphore(%arg28 : memref<!tpu.dma_semaphore, #tpu.memory_space<semaphore_mem>>) src(%dma_wait3A_133 : memref<10000x128xf32, #tpu.memory_space<hbm>>) dst(%arg12 : memref<32x128xf32, #tpu.memory_space<vmem>>)
    %dma_wait3A_134 = arith.constant 0 : i32
    %dma_wait3A_135 = arith.constant 0 : i32
    %dma_wait3A_136 = tpu.memref_slice %arg2[%dma_wait3A_134, %dma_wait3A_135] : memref<10000x128xf32, #tpu.memory_space<hbm>> -> memref<10000x128xf32, #tpu.memory_space<hbm>>
    tpu.wait_indirect_dma semaphore(%arg30 : memref<!tpu.dma_semaphore, #tpu.memory_space<semaphore_mem>>) src(%dma_wait3A_136 : memref<10000x128xf32, #tpu.memory_space<hbm>>) dst(%arg8 : memref<32x128xf32, #tpu.memory_space<vmem>>)
    %barrier3A_137 = arith.constant 0 : index
    tpu.barrier barrier_id(%barrier3A_137)
    %add3A_138 = arith.constant 0 : i32
    %add3A_139 = arith.addi %mul3A_25, %add3A_138 : i32
    "tpu.region"() ({
      %run_scoped3A = tpu.sem_alloc : memref<!tpu.dma_semaphore, #tpu.memory_space<semaphore_mem>>
      %dma_start3A_190 = arith.constant 0 : i32
      %dma_start3A_191 = tpu.memref_slice %arg26[%add3A_139, %dma_start3A_190] : memref<10240x128xf32, #tpu.memory_space<vmem_shared>> -> memref<32x128xf32, #tpu.memory_space<vmem_shared>>
      %dma_start3A_192 = arith.constant 0 : i32
      %dma_start3A_193 = tpu.memref_slice %arg26[%add3A_139, %dma_start3A_192] : memref<10240x128xf32, #tpu.memory_space<vmem_shared>> -> memref<32x128xf32, #tpu.memory_space<vmem_shared>>
      tpu.enqueue_dma source(%dma_start3A_193 : memref<32x128xf32, #tpu.memory_space<vmem_shared>>) target(%arg8 : memref<32x128xf32, #tpu.memory_space<vmem>>) target_semaphore(%run_scoped3A : memref<!tpu.dma_semaphore, #tpu.memory_space<semaphore_mem>>)
      %dma_wait3A_194 = arith.constant 0 : i32
      %dma_wait3A_195 = tpu.memref_slice %arg26[%add3A_139, %dma_wait3A_194] : memref<10240x128xf32, #tpu.memory_space<vmem_shared>> -> memref<32x128xf32, #tpu.memory_space<vmem_shared>>
      %dma_wait3A_196 = arith.constant 0 : i32
      %dma_wait3A_197 = tpu.memref_slice %arg26[%add3A_139, %dma_wait3A_196] : memref<10240x128xf32, #tpu.memory_space<vmem_shared>> -> memref<32x128xf32, #tpu.memory_space<vmem_shared>>
      tpu.wait_dma2 semaphore(%run_scoped3A : memref<!tpu.dma_semaphore, #tpu.memory_space<semaphore_mem>>) src(%dma_wait3A_197 : memref<32x128xf32, #tpu.memory_space<vmem_shared>>) dst(%arg8 : memref<32x128xf32, #tpu.memory_space<vmem>>)
      tpu.yield
    }) : () -> ()
    "tpu.region"() ({
      %run_scoped3A = tpu.sem_alloc : memref<!tpu.dma_semaphore, #tpu.memory_space<semaphore_mem>>
      %dma_start3A_190 = arith.constant 0 : i32
      %dma_start3A_191 = tpu.memref_slice %arg6[%arg0, %add3A_139, %dma_start3A_190] : memref<2x10240x128xf32, #tpu.memory_space<hbm>> -> memref<1x32x128xf32, #tpu.memory_space<hbm>>
      %dma_start3A_192 = tpu.memref_squeeze %dma_start3A_191 : memref<1x32x128xf32, #tpu.memory_space<hbm>> -> memref<32x128xf32, #tpu.memory_space<hbm>>
      %dma_start3A_193 = arith.constant 0 : i32
      %dma_start3A_194 = tpu.memref_slice %arg6[%arg0, %add3A_139, %dma_start3A_193] : memref<2x10240x128xf32, #tpu.memory_space<hbm>> -> memref<1x32x128xf32, #tpu.memory_space<hbm>>
      %dma_start3A_195 = tpu.memref_squeeze %dma_start3A_194 : memref<1x32x128xf32, #tpu.memory_space<hbm>> -> memref<32x128xf32, #tpu.memory_space<hbm>>
      tpu.enqueue_dma source(%arg8 : memref<32x128xf32, #tpu.memory_space<vmem>>) target(%dma_start3A_195 : memref<32x128xf32, #tpu.memory_space<hbm>>) target_semaphore(%run_scoped3A : memref<!tpu.dma_semaphore, #tpu.memory_space<semaphore_mem>>)
      %dma_wait3A_196 = arith.constant 0 : i32
      %dma_wait3A_197 = tpu.memref_slice %arg6[%arg0, %add3A_139, %dma_wait3A_196] : memref<2x10240x128xf32, #tpu.memory_space<hbm>> -> memref<1x32x128xf32, #tpu.memory_space<hbm>>
      %dma_wait3A_198 = tpu.memref_squeeze %dma_wait3A_197 : memref<1x32x128xf32, #tpu.memory_space<hbm>> -> memref<32x128xf32, #tpu.memory_space<hbm>>
      %dma_wait3A_199 = arith.constant 0 : i32
      %dma_wait3A_200 = tpu.memref_slice %arg6[%arg0, %add3A_139, %dma_wait3A_199] : memref<2x10240x128xf32, #tpu.memory_space<hbm>> -> memref<1x32x128xf32, #tpu.memory_space<hbm>>
      %dma_wait3A_201 = tpu.memref_squeeze %dma_wait3A_200 : memref<1x32x128xf32, #tpu.memory_space<hbm>> -> memref<32x128xf32, #tpu.memory_space<hbm>>
      tpu.wait_dma2 semaphore(%run_scoped3A : memref<!tpu.dma_semaphore, #tpu.memory_space<semaphore_mem>>) src(%arg8 : memref<32x128xf32, #tpu.memory_space<vmem>>) dst(%dma_wait3A_201 : memref<32x128xf32, #tpu.memory_space<hbm>>)
      tpu.yield
    }) : () -> ()
    %add3A_140 = arith.constant 32 : i32
    %add3A_141 = arith.addi %mul3A_25, %add3A_140 : i32
    "tpu.region"() ({
      %run_scoped3A = tpu.sem_alloc : memref<!tpu.dma_semaphore, #tpu.memory_space<semaphore_mem>>
      %dma_start3A_190 = arith.constant 0 : i32
      %dma_start3A_191 = tpu.memref_slice %arg26[%add3A_141, %dma_start3A_190] : memref<10240x128xf32, #tpu.memory_space<vmem_shared>> -> memref<32x128xf32, #tpu.memory_space<vmem_shared>>
      %dma_start3A_192 = arith.constant 0 : i32
      %dma_start3A_193 = tpu.memref_slice %arg26[%add3A_141, %dma_start3A_192] : memref<10240x128xf32, #tpu.memory_space<vmem_shared>> -> memref<32x128xf32, #tpu.memory_space<vmem_shared>>
      tpu.enqueue_dma source(%dma_start3A_193 : memref<32x128xf32, #tpu.memory_space<vmem_shared>>) target(%arg8 : memref<32x128xf32, #tpu.memory_space<vmem>>) target_semaphore(%run_scoped3A : memref<!tpu.dma_semaphore, #tpu.memory_space<semaphore_mem>>)
      %dma_wait3A_194 = arith.constant 0 : i32
      %dma_wait3A_195 = tpu.memref_slice %arg26[%add3A_141, %dma_wait3A_194] : memref<10240x128xf32, #tpu.memory_space<vmem_shared>> -> memref<32x128xf32, #tpu.memory_space<vmem_shared>>
      %dma_wait3A_196 = arith.constant 0 : i32
      %dma_wait3A_197 = tpu.memref_slice %arg26[%add3A_141, %dma_wait3A_196] : memref<10240x128xf32, #tpu.memory_space<vmem_shared>> -> memref<32x128xf32, #tpu.memory_space<vmem_shared>>
      tpu.wait_dma2 semaphore(%run_scoped3A : memref<!tpu.dma_semaphore, #tpu.memory_space<semaphore_mem>>) src(%dma_wait3A_197 : memref<32x128xf32, #tpu.memory_space<vmem_shared>>) dst(%arg8 : memref<32x128xf32, #tpu.memory_space<vmem>>)
      tpu.yield
    }) : () -> ()
    "tpu.region"() ({
      %run_scoped3A = tpu.sem_alloc : memref<!tpu.dma_semaphore, #tpu.memory_space<semaphore_mem>>
      %dma_start3A_190 = arith.constant 0 : i32
      %dma_start3A_191 = tpu.memref_slice %arg6[%arg0, %add3A_141, %dma_start3A_190] : memref<2x10240x128xf32, #tpu.memory_space<hbm>> -> memref<1x32x128xf32, #tpu.memory_space<hbm>>
      %dma_start3A_192 = tpu.memref_squeeze %dma_start3A_191 : memref<1x32x128xf32, #tpu.memory_space<hbm>> -> memref<32x128xf32, #tpu.memory_space<hbm>>
      %dma_start3A_193 = arith.constant 0 : i32
      %dma_start3A_194 = tpu.memref_slice %arg6[%arg0, %add3A_141, %dma_start3A_193] : memref<2x10240x128xf32, #tpu.memory_space<hbm>> -> memref<1x32x128xf32, #tpu.memory_space<hbm>>
      %dma_start3A_195 = tpu.memref_squeeze %dma_start3A_194 : memref<1x32x128xf32, #tpu.memory_space<hbm>> -> memref<32x128xf32, #tpu.memory_space<hbm>>
      tpu.enqueue_dma source(%arg8 : memref<32x128xf32, #tpu.memory_space<vmem>>) target(%dma_start3A_195 : memref<32x128xf32, #tpu.memory_space<hbm>>) target_semaphore(%run_scoped3A : memref<!tpu.dma_semaphore, #tpu.memory_space<semaphore_mem>>)
      %dma_wait3A_196 = arith.constant 0 : i32
      %dma_wait3A_197 = tpu.memref_slice %arg6[%arg0, %add3A_141, %dma_wait3A_196] : memref<2x10240x128xf32, #tpu.memory_space<hbm>> -> memref<1x32x128xf32, #tpu.memory_space<hbm>>
      %dma_wait3A_198 = tpu.memref_squeeze %dma_wait3A_197 : memref<1x32x128xf32, #tpu.memory_space<hbm>> -> memref<32x128xf32, #tpu.memory_space<hbm>>
      %dma_wait3A_199 = arith.constant 0 : i32
      %dma_wait3A_200 = tpu.memref_slice %arg6[%arg0, %add3A_141, %dma_wait3A_199] : memref<2x10240x128xf32, #tpu.memory_space<hbm>> -> memref<1x32x128xf32, #tpu.memory_space<hbm>>
      %dma_wait3A_201 = tpu.memref_squeeze %dma_wait3A_200 : memref<1x32x128xf32, #tpu.memory_space<hbm>> -> memref<32x128xf32, #tpu.memory_space<hbm>>
      tpu.wait_dma2 semaphore(%run_scoped3A : memref<!tpu.dma_semaphore, #tpu.memory_space<semaphore_mem>>) src(%arg8 : memref<32x128xf32, #tpu.memory_space<vmem>>) dst(%dma_wait3A_201 : memref<32x128xf32, #tpu.memory_space<hbm>>)
      tpu.yield
    }) : () -> ()
    %add3A_142 = arith.constant 64 : i32
    %add3A_143 = arith.addi %mul3A_25, %add3A_142 : i32
    "tpu.region"() ({
      %run_scoped3A = tpu.sem_alloc : memref<!tpu.dma_semaphore, #tpu.memory_space<semaphore_mem>>
      %dma_start3A_190 = arith.constant 0 : i32
      %dma_start3A_191 = tpu.memref_slice %arg26[%add3A_143, %dma_start3A_190] : memref<10240x128xf32, #tpu.memory_space<vmem_shared>> -> memref<32x128xf32, #tpu.memory_space<vmem_shared>>
      %dma_start3A_192 = arith.constant 0 : i32
      %dma_start3A_193 = tpu.memref_slice %arg26[%add3A_143, %dma_start3A_192] : memref<10240x128xf32, #tpu.memory_space<vmem_shared>> -> memref<32x128xf32, #tpu.memory_space<vmem_shared>>
      tpu.enqueue_dma source(%dma_start3A_193 : memref<32x128xf32, #tpu.memory_space<vmem_shared>>) target(%arg8 : memref<32x128xf32, #tpu.memory_space<vmem>>) target_semaphore(%run_scoped3A : memref<!tpu.dma_semaphore, #tpu.memory_space<semaphore_mem>>)
      %dma_wait3A_194 = arith.constant 0 : i32
      %dma_wait3A_195 = tpu.memref_slice %arg26[%add3A_143, %dma_wait3A_194] : memref<10240x128xf32, #tpu.memory_space<vmem_shared>> -> memref<32x128xf32, #tpu.memory_space<vmem_shared>>
      %dma_wait3A_196 = arith.constant 0 : i32
      %dma_wait3A_197 = tpu.memref_slice %arg26[%add3A_143, %dma_wait3A_196] : memref<10240x128xf32, #tpu.memory_space<vmem_shared>> -> memref<32x128xf32, #tpu.memory_space<vmem_shared>>
      tpu.wait_dma2 semaphore(%run_scoped3A : memref<!tpu.dma_semaphore, #tpu.memory_space<semaphore_mem>>) src(%dma_wait3A_197 : memref<32x128xf32, #tpu.memory_space<vmem_shared>>) dst(%arg8 : memref<32x128xf32, #tpu.memory_space<vmem>>)
      tpu.yield
    }) : () -> ()
    "tpu.region"() ({
      %run_scoped3A = tpu.sem_alloc : memref<!tpu.dma_semaphore, #tpu.memory_space<semaphore_mem>>
      %dma_start3A_190 = arith.constant 0 : i32
      %dma_start3A_191 = tpu.memref_slice %arg6[%arg0, %add3A_143, %dma_start3A_190] : memref<2x10240x128xf32, #tpu.memory_space<hbm>> -> memref<1x32x128xf32, #tpu.memory_space<hbm>>
      %dma_start3A_192 = tpu.memref_squeeze %dma_start3A_191 : memref<1x32x128xf32, #tpu.memory_space<hbm>> -> memref<32x128xf32, #tpu.memory_space<hbm>>
      %dma_start3A_193 = arith.constant 0 : i32
      %dma_start3A_194 = tpu.memref_slice %arg6[%arg0, %add3A_143, %dma_start3A_193] : memref<2x10240x128xf32, #tpu.memory_space<hbm>> -> memref<1x32x128xf32, #tpu.memory_space<hbm>>
      %dma_start3A_195 = tpu.memref_squeeze %dma_start3A_194 : memref<1x32x128xf32, #tpu.memory_space<hbm>> -> memref<32x128xf32, #tpu.memory_space<hbm>>
      tpu.enqueue_dma source(%arg8 : memref<32x128xf32, #tpu.memory_space<vmem>>) target(%dma_start3A_195 : memref<32x128xf32, #tpu.memory_space<hbm>>) target_semaphore(%run_scoped3A : memref<!tpu.dma_semaphore, #tpu.memory_space<semaphore_mem>>)
      %dma_wait3A_196 = arith.constant 0 : i32
      %dma_wait3A_197 = tpu.memref_slice %arg6[%arg0, %add3A_143, %dma_wait3A_196] : memref<2x10240x128xf32, #tpu.memory_space<hbm>> -> memref<1x32x128xf32, #tpu.memory_space<hbm>>
      %dma_wait3A_198 = tpu.memref_squeeze %dma_wait3A_197 : memref<1x32x128xf32, #tpu.memory_space<hbm>> -> memref<32x128xf32, #tpu.memory_space<hbm>>
      %dma_wait3A_199 = arith.constant 0 : i32
      %dma_wait3A_200 = tpu.memref_slice %arg6[%arg0, %add3A_143, %dma_wait3A_199] : memref<2x10240x128xf32, #tpu.memory_space<hbm>> -> memref<1x32x128xf32, #tpu.memory_space<hbm>>
      %dma_wait3A_201 = tpu.memref_squeeze %dma_wait3A_200 : memref<1x32x128xf32, #tpu.memory_space<hbm>> -> memref<32x128xf32, #tpu.memory_space<hbm>>
      tpu.wait_dma2 semaphore(%run_scoped3A : memref<!tpu.dma_semaphore, #tpu.memory_space<semaphore_mem>>) src(%arg8 : memref<32x128xf32, #tpu.memory_space<vmem>>) dst(%dma_wait3A_201 : memref<32x128xf32, #tpu.memory_space<hbm>>)
      tpu.yield
    }) : () -> ()
    %add3A_144 = arith.constant 96 : i32
    %add3A_145 = arith.addi %mul3A_25, %add3A_144 : i32
    "tpu.region"() ({
      %run_scoped3A = tpu.sem_alloc : memref<!tpu.dma_semaphore, #tpu.memory_space<semaphore_mem>>
      %dma_start3A_190 = arith.constant 0 : i32
      %dma_start3A_191 = tpu.memref_slice %arg26[%add3A_145, %dma_start3A_190] : memref<10240x128xf32, #tpu.memory_space<vmem_shared>> -> memref<32x128xf32, #tpu.memory_space<vmem_shared>>
      %dma_start3A_192 = arith.constant 0 : i32
      %dma_start3A_193 = tpu.memref_slice %arg26[%add3A_145, %dma_start3A_192] : memref<10240x128xf32, #tpu.memory_space<vmem_shared>> -> memref<32x128xf32, #tpu.memory_space<vmem_shared>>
      tpu.enqueue_dma source(%dma_start3A_193 : memref<32x128xf32, #tpu.memory_space<vmem_shared>>) target(%arg8 : memref<32x128xf32, #tpu.memory_space<vmem>>) target_semaphore(%run_scoped3A : memref<!tpu.dma_semaphore, #tpu.memory_space<semaphore_mem>>)
      %dma_wait3A_194 = arith.constant 0 : i32
      %dma_wait3A_195 = tpu.memref_slice %arg26[%add3A_145, %dma_wait3A_194] : memref<10240x128xf32, #tpu.memory_space<vmem_shared>> -> memref<32x128xf32, #tpu.memory_space<vmem_shared>>
      %dma_wait3A_196 = arith.constant 0 : i32
      %dma_wait3A_197 = tpu.memref_slice %arg26[%add3A_145, %dma_wait3A_196] : memref<10240x128xf32, #tpu.memory_space<vmem_shared>> -> memref<32x128xf32, #tpu.memory_space<vmem_shared>>
      tpu.wait_dma2 semaphore(%run_scoped3A : memref<!tpu.dma_semaphore, #tpu.memory_space<semaphore_mem>>) src(%dma_wait3A_197 : memref<32x128xf32, #tpu.memory_space<vmem_shared>>) dst(%arg8 : memref<32x128xf32, #tpu.memory_space<vmem>>)
      tpu.yield
    }) : () -> ()
    "tpu.region"() ({
      %run_scoped3A = tpu.sem_alloc : memref<!tpu.dma_semaphore, #tpu.memory_space<semaphore_mem>>
      %dma_start3A_190 = arith.constant 0 : i32
      %dma_start3A_191 = tpu.memref_slice %arg6[%arg0, %add3A_145, %dma_start3A_190] : memref<2x10240x128xf32, #tpu.memory_space<hbm>> -> memref<1x32x128xf32, #tpu.memory_space<hbm>>
      %dma_start3A_192 = tpu.memref_squeeze %dma_start3A_191 : memref<1x32x128xf32, #tpu.memory_space<hbm>> -> memref<32x128xf32, #tpu.memory_space<hbm>>
      %dma_start3A_193 = arith.constant 0 : i32
      %dma_start3A_194 = tpu.memref_slice %arg6[%arg0, %add3A_145, %dma_start3A_193] : memref<2x10240x128xf32, #tpu.memory_space<hbm>> -> memref<1x32x128xf32, #tpu.memory_space<hbm>>
      %dma_start3A_195 = tpu.memref_squeeze %dma_start3A_194 : memref<1x32x128xf32, #tpu.memory_space<hbm>> -> memref<32x128xf32, #tpu.memory_space<hbm>>
      tpu.enqueue_dma source(%arg8 : memref<32x128xf32, #tpu.memory_space<vmem>>) target(%dma_start3A_195 : memref<32x128xf32, #tpu.memory_space<hbm>>) target_semaphore(%run_scoped3A : memref<!tpu.dma_semaphore, #tpu.memory_space<semaphore_mem>>)
      %dma_wait3A_196 = arith.constant 0 : i32
      %dma_wait3A_197 = tpu.memref_slice %arg6[%arg0, %add3A_145, %dma_wait3A_196] : memref<2x10240x128xf32, #tpu.memory_space<hbm>> -> memref<1x32x128xf32, #tpu.memory_space<hbm>>
      %dma_wait3A_198 = tpu.memref_squeeze %dma_wait3A_197 : memref<1x32x128xf32, #tpu.memory_space<hbm>> -> memref<32x128xf32, #tpu.memory_space<hbm>>
      %dma_wait3A_199 = arith.constant 0 : i32
      %dma_wait3A_200 = tpu.memref_slice %arg6[%arg0, %add3A_145, %dma_wait3A_199] : memref<2x10240x128xf32, #tpu.memory_space<hbm>> -> memref<1x32x128xf32, #tpu.memory_space<hbm>>
      %dma_wait3A_201 = tpu.memref_squeeze %dma_wait3A_200 : memref<1x32x128xf32, #tpu.memory_space<hbm>> -> memref<32x128xf32, #tpu.memory_space<hbm>>
      tpu.wait_dma2 semaphore(%run_scoped3A : memref<!tpu.dma_semaphore, #tpu.memory_space<semaphore_mem>>) src(%arg8 : memref<32x128xf32, #tpu.memory_space<vmem>>) dst(%dma_wait3A_201 : memref<32x128xf32, #tpu.memory_space<hbm>>)
      tpu.yield
    }) : () -> ()
    %add3A_146 = arith.constant 128 : i32
    %add3A_147 = arith.addi %mul3A_25, %add3A_146 : i32
    "tpu.region"() ({
      %run_scoped3A = tpu.sem_alloc : memref<!tpu.dma_semaphore, #tpu.memory_space<semaphore_mem>>
      %dma_start3A_190 = arith.constant 0 : i32
      %dma_start3A_191 = tpu.memref_slice %arg26[%add3A_147, %dma_start3A_190] : memref<10240x128xf32, #tpu.memory_space<vmem_shared>> -> memref<32x128xf32, #tpu.memory_space<vmem_shared>>
      %dma_start3A_192 = arith.constant 0 : i32
      %dma_start3A_193 = tpu.memref_slice %arg26[%add3A_147, %dma_start3A_192] : memref<10240x128xf32, #tpu.memory_space<vmem_shared>> -> memref<32x128xf32, #tpu.memory_space<vmem_shared>>
      tpu.enqueue_dma source(%dma_start3A_193 : memref<32x128xf32, #tpu.memory_space<vmem_shared>>) target(%arg8 : memref<32x128xf32, #tpu.memory_space<vmem>>) target_semaphore(%run_scoped3A : memref<!tpu.dma_semaphore, #tpu.memory_space<semaphore_mem>>)
      %dma_wait3A_194 = arith.constant 0 : i32
      %dma_wait3A_195 = tpu.memref_slice %arg26[%add3A_147, %dma_wait3A_194] : memref<10240x128xf32, #tpu.memory_space<vmem_shared>> -> memref<32x128xf32, #tpu.memory_space<vmem_shared>>
      %dma_wait3A_196 = arith.constant 0 : i32
      %dma_wait3A_197 = tpu.memref_slice %arg26[%add3A_147, %dma_wait3A_196] : memref<10240x128xf32, #tpu.memory_space<vmem_shared>> -> memref<32x128xf32, #tpu.memory_space<vmem_shared>>
      tpu.wait_dma2 semaphore(%run_scoped3A : memref<!tpu.dma_semaphore, #tpu.memory_space<semaphore_mem>>) src(%dma_wait3A_197 : memref<32x128xf32, #tpu.memory_space<vmem_shared>>) dst(%arg8 : memref<32x128xf32, #tpu.memory_space<vmem>>)
      tpu.yield
    }) : () -> ()
    "tpu.region"() ({
      %run_scoped3A = tpu.sem_alloc : memref<!tpu.dma_semaphore, #tpu.memory_space<semaphore_mem>>
      %dma_start3A_190 = arith.constant 0 : i32
      %dma_start3A_191 = tpu.memref_slice %arg6[%arg0, %add3A_147, %dma_start3A_190] : memref<2x10240x128xf32, #tpu.memory_space<hbm>> -> memref<1x32x128xf32, #tpu.memory_space<hbm>>
      %dma_start3A_192 = tpu.memref_squeeze %dma_start3A_191 : memref<1x32x128xf32, #tpu.memory_space<hbm>> -> memref<32x128xf32, #tpu.memory_space<hbm>>
      %dma_start3A_193 = arith.constant 0 : i32
      %dma_start3A_194 = tpu.memref_slice %arg6[%arg0, %add3A_147, %dma_start3A_193] : memref<2x10240x128xf32, #tpu.memory_space<hbm>> -> memref<1x32x128xf32, #tpu.memory_space<hbm>>
      %dma_start3A_195 = tpu.memref_squeeze %dma_start3A_194 : memref<1x32x128xf32, #tpu.memory_space<hbm>> -> memref<32x128xf32, #tpu.memory_space<hbm>>
      tpu.enqueue_dma source(%arg8 : memref<32x128xf32, #tpu.memory_space<vmem>>) target(%dma_start3A_195 : memref<32x128xf32, #tpu.memory_space<hbm>>) target_semaphore(%run_scoped3A : memref<!tpu.dma_semaphore, #tpu.memory_space<semaphore_mem>>)
      %dma_wait3A_196 = arith.constant 0 : i32
      %dma_wait3A_197 = tpu.memref_slice %arg6[%arg0, %add3A_147, %dma_wait3A_196] : memref<2x10240x128xf32, #tpu.memory_space<hbm>> -> memref<1x32x128xf32, #tpu.memory_space<hbm>>
      %dma_wait3A_198 = tpu.memref_squeeze %dma_wait3A_197 : memref<1x32x128xf32, #tpu.memory_space<hbm>> -> memref<32x128xf32, #tpu.memory_space<hbm>>
      %dma_wait3A_199 = arith.constant 0 : i32
      %dma_wait3A_200 = tpu.memref_slice %arg6[%arg0, %add3A_147, %dma_wait3A_199] : memref<2x10240x128xf32, #tpu.memory_space<hbm>> -> memref<1x32x128xf32, #tpu.memory_space<hbm>>
      %dma_wait3A_201 = tpu.memref_squeeze %dma_wait3A_200 : memref<1x32x128xf32, #tpu.memory_space<hbm>> -> memref<32x128xf32, #tpu.memory_space<hbm>>
      tpu.wait_dma2 semaphore(%run_scoped3A : memref<!tpu.dma_semaphore, #tpu.memory_space<semaphore_mem>>) src(%arg8 : memref<32x128xf32, #tpu.memory_space<vmem>>) dst(%dma_wait3A_201 : memref<32x128xf32, #tpu.memory_space<hbm>>)
      tpu.yield
    }) : () -> ()
    %add3A_148 = arith.constant 160 : i32
    %add3A_149 = arith.addi %mul3A_25, %add3A_148 : i32
    "tpu.region"() ({
      %run_scoped3A = tpu.sem_alloc : memref<!tpu.dma_semaphore, #tpu.memory_space<semaphore_mem>>
      %dma_start3A_190 = arith.constant 0 : i32
      %dma_start3A_191 = tpu.memref_slice %arg26[%add3A_149, %dma_start3A_190] : memref<10240x128xf32, #tpu.memory_space<vmem_shared>> -> memref<32x128xf32, #tpu.memory_space<vmem_shared>>
      %dma_start3A_192 = arith.constant 0 : i32
      %dma_start3A_193 = tpu.memref_slice %arg26[%add3A_149, %dma_start3A_192] : memref<10240x128xf32, #tpu.memory_space<vmem_shared>> -> memref<32x128xf32, #tpu.memory_space<vmem_shared>>
      tpu.enqueue_dma source(%dma_start3A_193 : memref<32x128xf32, #tpu.memory_space<vmem_shared>>) target(%arg8 : memref<32x128xf32, #tpu.memory_space<vmem>>) target_semaphore(%run_scoped3A : memref<!tpu.dma_semaphore, #tpu.memory_space<semaphore_mem>>)
      %dma_wait3A_194 = arith.constant 0 : i32
      %dma_wait3A_195 = tpu.memref_slice %arg26[%add3A_149, %dma_wait3A_194] : memref<10240x128xf32, #tpu.memory_space<vmem_shared>> -> memref<32x128xf32, #tpu.memory_space<vmem_shared>>
      %dma_wait3A_196 = arith.constant 0 : i32
      %dma_wait3A_197 = tpu.memref_slice %arg26[%add3A_149, %dma_wait3A_196] : memref<10240x128xf32, #tpu.memory_space<vmem_shared>> -> memref<32x128xf32, #tpu.memory_space<vmem_shared>>
      tpu.wait_dma2 semaphore(%run_scoped3A : memref<!tpu.dma_semaphore, #tpu.memory_space<semaphore_mem>>) src(%dma_wait3A_197 : memref<32x128xf32, #tpu.memory_space<vmem_shared>>) dst(%arg8 : memref<32x128xf32, #tpu.memory_space<vmem>>)
      tpu.yield
    }) : () -> ()
    "tpu.region"() ({
      %run_scoped3A = tpu.sem_alloc : memref<!tpu.dma_semaphore, #tpu.memory_space<semaphore_mem>>
      %dma_start3A_190 = arith.constant 0 : i32
      %dma_start3A_191 = tpu.memref_slice %arg6[%arg0, %add3A_149, %dma_start3A_190] : memref<2x10240x128xf32, #tpu.memory_space<hbm>> -> memref<1x32x128xf32, #tpu.memory_space<hbm>>
      %dma_start3A_192 = tpu.memref_squeeze %dma_start3A_191 : memref<1x32x128xf32, #tpu.memory_space<hbm>> -> memref<32x128xf32, #tpu.memory_space<hbm>>
      %dma_start3A_193 = arith.constant 0 : i32
      %dma_start3A_194 = tpu.memref_slice %arg6[%arg0, %add3A_149, %dma_start3A_193] : memref<2x10240x128xf32, #tpu.memory_space<hbm>> -> memref<1x32x128xf32, #tpu.memory_space<hbm>>
      %dma_start3A_195 = tpu.memref_squeeze %dma_start3A_194 : memref<1x32x128xf32, #tpu.memory_space<hbm>> -> memref<32x128xf32, #tpu.memory_space<hbm>>
      tpu.enqueue_dma source(%arg8 : memref<32x128xf32, #tpu.memory_space<vmem>>) target(%dma_start3A_195 : memref<32x128xf32, #tpu.memory_space<hbm>>) target_semaphore(%run_scoped3A : memref<!tpu.dma_semaphore, #tpu.memory_space<semaphore_mem>>)
      %dma_wait3A_196 = arith.constant 0 : i32
      %dma_wait3A_197 = tpu.memref_slice %arg6[%arg0, %add3A_149, %dma_wait3A_196] : memref<2x10240x128xf32, #tpu.memory_space<hbm>> -> memref<1x32x128xf32, #tpu.memory_space<hbm>>
      %dma_wait3A_198 = tpu.memref_squeeze %dma_wait3A_197 : memref<1x32x128xf32, #tpu.memory_space<hbm>> -> memref<32x128xf32, #tpu.memory_space<hbm>>
      %dma_wait3A_199 = arith.constant 0 : i32
      %dma_wait3A_200 = tpu.memref_slice %arg6[%arg0, %add3A_149, %dma_wait3A_199] : memref<2x10240x128xf32, #tpu.memory_space<hbm>> -> memref<1x32x128xf32, #tpu.memory_space<hbm>>
      %dma_wait3A_201 = tpu.memref_squeeze %dma_wait3A_200 : memref<1x32x128xf32, #tpu.memory_space<hbm>> -> memref<32x128xf32, #tpu.memory_space<hbm>>
      tpu.wait_dma2 semaphore(%run_scoped3A : memref<!tpu.dma_semaphore, #tpu.memory_space<semaphore_mem>>) src(%arg8 : memref<32x128xf32, #tpu.memory_space<vmem>>) dst(%dma_wait3A_201 : memref<32x128xf32, #tpu.memory_space<hbm>>)
      tpu.yield
    }) : () -> ()
    %add3A_150 = arith.constant 192 : i32
    %add3A_151 = arith.addi %mul3A_25, %add3A_150 : i32
    "tpu.region"() ({
      %run_scoped3A = tpu.sem_alloc : memref<!tpu.dma_semaphore, #tpu.memory_space<semaphore_mem>>
      %dma_start3A_190 = arith.constant 0 : i32
      %dma_start3A_191 = tpu.memref_slice %arg26[%add3A_151, %dma_start3A_190] : memref<10240x128xf32, #tpu.memory_space<vmem_shared>> -> memref<32x128xf32, #tpu.memory_space<vmem_shared>>
      %dma_start3A_192 = arith.constant 0 : i32
      %dma_start3A_193 = tpu.memref_slice %arg26[%add3A_151, %dma_start3A_192] : memref<10240x128xf32, #tpu.memory_space<vmem_shared>> -> memref<32x128xf32, #tpu.memory_space<vmem_shared>>
      tpu.enqueue_dma source(%dma_start3A_193 : memref<32x128xf32, #tpu.memory_space<vmem_shared>>) target(%arg8 : memref<32x128xf32, #tpu.memory_space<vmem>>) target_semaphore(%run_scoped3A : memref<!tpu.dma_semaphore, #tpu.memory_space<semaphore_mem>>)
      %dma_wait3A_194 = arith.constant 0 : i32
      %dma_wait3A_195 = tpu.memref_slice %arg26[%add3A_151, %dma_wait3A_194] : memref<10240x128xf32, #tpu.memory_space<vmem_shared>> -> memref<32x128xf32, #tpu.memory_space<vmem_shared>>
      %dma_wait3A_196 = arith.constant 0 : i32
      %dma_wait3A_197 = tpu.memref_slice %arg26[%add3A_151, %dma_wait3A_196] : memref<10240x128xf32, #tpu.memory_space<vmem_shared>> -> memref<32x128xf32, #tpu.memory_space<vmem_shared>>
      tpu.wait_dma2 semaphore(%run_scoped3A : memref<!tpu.dma_semaphore, #tpu.memory_space<semaphore_mem>>) src(%dma_wait3A_197 : memref<32x128xf32, #tpu.memory_space<vmem_shared>>) dst(%arg8 : memref<32x128xf32, #tpu.memory_space<vmem>>)
      tpu.yield
    }) : () -> ()
    "tpu.region"() ({
      %run_scoped3A = tpu.sem_alloc : memref<!tpu.dma_semaphore, #tpu.memory_space<semaphore_mem>>
      %dma_start3A_190 = arith.constant 0 : i32
      %dma_start3A_191 = tpu.memref_slice %arg6[%arg0, %add3A_151, %dma_start3A_190] : memref<2x10240x128xf32, #tpu.memory_space<hbm>> -> memref<1x32x128xf32, #tpu.memory_space<hbm>>
      %dma_start3A_192 = tpu.memref_squeeze %dma_start3A_191 : memref<1x32x128xf32, #tpu.memory_space<hbm>> -> memref<32x128xf32, #tpu.memory_space<hbm>>
      %dma_start3A_193 = arith.constant 0 : i32
      %dma_start3A_194 = tpu.memref_slice %arg6[%arg0, %add3A_151, %dma_start3A_193] : memref<2x10240x128xf32, #tpu.memory_space<hbm>> -> memref<1x32x128xf32, #tpu.memory_space<hbm>>
      %dma_start3A_195 = tpu.memref_squeeze %dma_start3A_194 : memref<1x32x128xf32, #tpu.memory_space<hbm>> -> memref<32x128xf32, #tpu.memory_space<hbm>>
      tpu.enqueue_dma source(%arg8 : memref<32x128xf32, #tpu.memory_space<vmem>>) target(%dma_start3A_195 : memref<32x128xf32, #tpu.memory_space<hbm>>) target_semaphore(%run_scoped3A : memref<!tpu.dma_semaphore, #tpu.memory_space<semaphore_mem>>)
      %dma_wait3A_196 = arith.constant 0 : i32
      %dma_wait3A_197 = tpu.memref_slice %arg6[%arg0, %add3A_151, %dma_wait3A_196] : memref<2x10240x128xf32, #tpu.memory_space<hbm>> -> memref<1x32x128xf32, #tpu.memory_space<hbm>>
      %dma_wait3A_198 = tpu.memref_squeeze %dma_wait3A_197 : memref<1x32x128xf32, #tpu.memory_space<hbm>> -> memref<32x128xf32, #tpu.memory_space<hbm>>
      %dma_wait3A_199 = arith.constant 0 : i32
      %dma_wait3A_200 = tpu.memref_slice %arg6[%arg0, %add3A_151, %dma_wait3A_199] : memref<2x10240x128xf32, #tpu.memory_space<hbm>> -> memref<1x32x128xf32, #tpu.memory_space<hbm>>
      %dma_wait3A_201 = tpu.memref_squeeze %dma_wait3A_200 : memref<1x32x128xf32, #tpu.memory_space<hbm>> -> memref<32x128xf32, #tpu.memory_space<hbm>>
      tpu.wait_dma2 semaphore(%run_scoped3A : memref<!tpu.dma_semaphore, #tpu.memory_space<semaphore_mem>>) src(%arg8 : memref<32x128xf32, #tpu.memory_space<vmem>>) dst(%dma_wait3A_201 : memref<32x128xf32, #tpu.memory_space<hbm>>)
      tpu.yield
    }) : () -> ()
    %add3A_152 = arith.constant 224 : i32
    %add3A_153 = arith.addi %mul3A_25, %add3A_152 : i32
    "tpu.region"() ({
      %run_scoped3A = tpu.sem_alloc : memref<!tpu.dma_semaphore, #tpu.memory_space<semaphore_mem>>
      %dma_start3A_190 = arith.constant 0 : i32
      %dma_start3A_191 = tpu.memref_slice %arg26[%add3A_153, %dma_start3A_190] : memref<10240x128xf32, #tpu.memory_space<vmem_shared>> -> memref<32x128xf32, #tpu.memory_space<vmem_shared>>
      %dma_start3A_192 = arith.constant 0 : i32
      %dma_start3A_193 = tpu.memref_slice %arg26[%add3A_153, %dma_start3A_192] : memref<10240x128xf32, #tpu.memory_space<vmem_shared>> -> memref<32x128xf32, #tpu.memory_space<vmem_shared>>
      tpu.enqueue_dma source(%dma_start3A_193 : memref<32x128xf32, #tpu.memory_space<vmem_shared>>) target(%arg8 : memref<32x128xf32, #tpu.memory_space<vmem>>) target_semaphore(%run_scoped3A : memref<!tpu.dma_semaphore, #tpu.memory_space<semaphore_mem>>)
      %dma_wait3A_194 = arith.constant 0 : i32
      %dma_wait3A_195 = tpu.memref_slice %arg26[%add3A_153, %dma_wait3A_194] : memref<10240x128xf32, #tpu.memory_space<vmem_shared>> -> memref<32x128xf32, #tpu.memory_space<vmem_shared>>
      %dma_wait3A_196 = arith.constant 0 : i32
      %dma_wait3A_197 = tpu.memref_slice %arg26[%add3A_153, %dma_wait3A_196] : memref<10240x128xf32, #tpu.memory_space<vmem_shared>> -> memref<32x128xf32, #tpu.memory_space<vmem_shared>>
      tpu.wait_dma2 semaphore(%run_scoped3A : memref<!tpu.dma_semaphore, #tpu.memory_space<semaphore_mem>>) src(%dma_wait3A_197 : memref<32x128xf32, #tpu.memory_space<vmem_shared>>) dst(%arg8 : memref<32x128xf32, #tpu.memory_space<vmem>>)
      tpu.yield
    }) : () -> ()
    "tpu.region"() ({
      %run_scoped3A = tpu.sem_alloc : memref<!tpu.dma_semaphore, #tpu.memory_space<semaphore_mem>>
      %dma_start3A_190 = arith.constant 0 : i32
      %dma_start3A_191 = tpu.memref_slice %arg6[%arg0, %add3A_153, %dma_start3A_190] : memref<2x10240x128xf32, #tpu.memory_space<hbm>> -> memref<1x32x128xf32, #tpu.memory_space<hbm>>
      %dma_start3A_192 = tpu.memref_squeeze %dma_start3A_191 : memref<1x32x128xf32, #tpu.memory_space<hbm>> -> memref<32x128xf32, #tpu.memory_space<hbm>>
      %dma_start3A_193 = arith.constant 0 : i32
      %dma_start3A_194 = tpu.memref_slice %arg6[%arg0, %add3A_153, %dma_start3A_193] : memref<2x10240x128xf32, #tpu.memory_space<hbm>> -> memref<1x32x128xf32, #tpu.memory_space<hbm>>
      %dma_start3A_195 = tpu.memref_squeeze %dma_start3A_194 : memref<1x32x128xf32, #tpu.memory_space<hbm>> -> memref<32x128xf32, #tpu.memory_space<hbm>>
      tpu.enqueue_dma source(%arg8 : memref<32x128xf32, #tpu.memory_space<vmem>>) target(%dma_start3A_195 : memref<32x128xf32, #tpu.memory_space<hbm>>) target_semaphore(%run_scoped3A : memref<!tpu.dma_semaphore, #tpu.memory_space<semaphore_mem>>)
      %dma_wait3A_196 = arith.constant 0 : i32
      %dma_wait3A_197 = tpu.memref_slice %arg6[%arg0, %add3A_153, %dma_wait3A_196] : memref<2x10240x128xf32, #tpu.memory_space<hbm>> -> memref<1x32x128xf32, #tpu.memory_space<hbm>>
      %dma_wait3A_198 = tpu.memref_squeeze %dma_wait3A_197 : memref<1x32x128xf32, #tpu.memory_space<hbm>> -> memref<32x128xf32, #tpu.memory_space<hbm>>
      %dma_wait3A_199 = arith.constant 0 : i32
      %dma_wait3A_200 = tpu.memref_slice %arg6[%arg0, %add3A_153, %dma_wait3A_199] : memref<2x10240x128xf32, #tpu.memory_space<hbm>> -> memref<1x32x128xf32, #tpu.memory_space<hbm>>
      %dma_wait3A_201 = tpu.memref_squeeze %dma_wait3A_200 : memref<1x32x128xf32, #tpu.memory_space<hbm>> -> memref<32x128xf32, #tpu.memory_space<hbm>>
      tpu.wait_dma2 semaphore(%run_scoped3A : memref<!tpu.dma_semaphore, #tpu.memory_space<semaphore_mem>>) src(%arg8 : memref<32x128xf32, #tpu.memory_space<vmem>>) dst(%dma_wait3A_201 : memref<32x128xf32, #tpu.memory_space<hbm>>)
      tpu.yield
    }) : () -> ()
    %add3A_154 = arith.constant 256 : i32
    %add3A_155 = arith.addi %mul3A_25, %add3A_154 : i32
    "tpu.region"() ({
      %run_scoped3A = tpu.sem_alloc : memref<!tpu.dma_semaphore, #tpu.memory_space<semaphore_mem>>
      %dma_start3A_190 = arith.constant 0 : i32
      %dma_start3A_191 = tpu.memref_slice %arg26[%add3A_155, %dma_start3A_190] : memref<10240x128xf32, #tpu.memory_space<vmem_shared>> -> memref<32x128xf32, #tpu.memory_space<vmem_shared>>
      %dma_start3A_192 = arith.constant 0 : i32
      %dma_start3A_193 = tpu.memref_slice %arg26[%add3A_155, %dma_start3A_192] : memref<10240x128xf32, #tpu.memory_space<vmem_shared>> -> memref<32x128xf32, #tpu.memory_space<vmem_shared>>
      tpu.enqueue_dma source(%dma_start3A_193 : memref<32x128xf32, #tpu.memory_space<vmem_shared>>) target(%arg8 : memref<32x128xf32, #tpu.memory_space<vmem>>) target_semaphore(%run_scoped3A : memref<!tpu.dma_semaphore, #tpu.memory_space<semaphore_mem>>)
      %dma_wait3A_194 = arith.constant 0 : i32
      %dma_wait3A_195 = tpu.memref_slice %arg26[%add3A_155, %dma_wait3A_194] : memref<10240x128xf32, #tpu.memory_space<vmem_shared>> -> memref<32x128xf32, #tpu.memory_space<vmem_shared>>
      %dma_wait3A_196 = arith.constant 0 : i32
      %dma_wait3A_197 = tpu.memref_slice %arg26[%add3A_155, %dma_wait3A_196] : memref<10240x128xf32, #tpu.memory_space<vmem_shared>> -> memref<32x128xf32, #tpu.memory_space<vmem_shared>>
      tpu.wait_dma2 semaphore(%run_scoped3A : memref<!tpu.dma_semaphore, #tpu.memory_space<semaphore_mem>>) src(%dma_wait3A_197 : memref<32x128xf32, #tpu.memory_space<vmem_shared>>) dst(%arg8 : memref<32x128xf32, #tpu.memory_space<vmem>>)
      tpu.yield
    }) : () -> ()
    "tpu.region"() ({
      %run_scoped3A = tpu.sem_alloc : memref<!tpu.dma_semaphore, #tpu.memory_space<semaphore_mem>>
      %dma_start3A_190 = arith.constant 0 : i32
      %dma_start3A_191 = tpu.memref_slice %arg6[%arg0, %add3A_155, %dma_start3A_190] : memref<2x10240x128xf32, #tpu.memory_space<hbm>> -> memref<1x32x128xf32, #tpu.memory_space<hbm>>
      %dma_start3A_192 = tpu.memref_squeeze %dma_start3A_191 : memref<1x32x128xf32, #tpu.memory_space<hbm>> -> memref<32x128xf32, #tpu.memory_space<hbm>>
      %dma_start3A_193 = arith.constant 0 : i32
      %dma_start3A_194 = tpu.memref_slice %arg6[%arg0, %add3A_155, %dma_start3A_193] : memref<2x10240x128xf32, #tpu.memory_space<hbm>> -> memref<1x32x128xf32, #tpu.memory_space<hbm>>
      %dma_start3A_195 = tpu.memref_squeeze %dma_start3A_194 : memref<1x32x128xf32, #tpu.memory_space<hbm>> -> memref<32x128xf32, #tpu.memory_space<hbm>>
      tpu.enqueue_dma source(%arg8 : memref<32x128xf32, #tpu.memory_space<vmem>>) target(%dma_start3A_195 : memref<32x128xf32, #tpu.memory_space<hbm>>) target_semaphore(%run_scoped3A : memref<!tpu.dma_semaphore, #tpu.memory_space<semaphore_mem>>)
      %dma_wait3A_196 = arith.constant 0 : i32
      %dma_wait3A_197 = tpu.memref_slice %arg6[%arg0, %add3A_155, %dma_wait3A_196] : memref<2x10240x128xf32, #tpu.memory_space<hbm>> -> memref<1x32x128xf32, #tpu.memory_space<hbm>>
      %dma_wait3A_198 = tpu.memref_squeeze %dma_wait3A_197 : memref<1x32x128xf32, #tpu.memory_space<hbm>> -> memref<32x128xf32, #tpu.memory_space<hbm>>
      %dma_wait3A_199 = arith.constant 0 : i32
      %dma_wait3A_200 = tpu.memref_slice %arg6[%arg0, %add3A_155, %dma_wait3A_199] : memref<2x10240x128xf32, #tpu.memory_space<hbm>> -> memref<1x32x128xf32, #tpu.memory_space<hbm>>
      %dma_wait3A_201 = tpu.memref_squeeze %dma_wait3A_200 : memref<1x32x128xf32, #tpu.memory_space<hbm>> -> memref<32x128xf32, #tpu.memory_space<hbm>>
      tpu.wait_dma2 semaphore(%run_scoped3A : memref<!tpu.dma_semaphore, #tpu.memory_space<semaphore_mem>>) src(%arg8 : memref<32x128xf32, #tpu.memory_space<vmem>>) dst(%dma_wait3A_201 : memref<32x128xf32, #tpu.memory_space<hbm>>)
      tpu.yield
    }) : () -> ()
    %add3A_156 = arith.constant 288 : i32
    %add3A_157 = arith.addi %mul3A_25, %add3A_156 : i32
    "tpu.region"() ({
      %run_scoped3A = tpu.sem_alloc : memref<!tpu.dma_semaphore, #tpu.memory_space<semaphore_mem>>
      %dma_start3A_190 = arith.constant 0 : i32
      %dma_start3A_191 = tpu.memref_slice %arg26[%add3A_157, %dma_start3A_190] : memref<10240x128xf32, #tpu.memory_space<vmem_shared>> -> memref<32x128xf32, #tpu.memory_space<vmem_shared>>
      %dma_start3A_192 = arith.constant 0 : i32
      %dma_start3A_193 = tpu.memref_slice %arg26[%add3A_157, %dma_start3A_192] : memref<10240x128xf32, #tpu.memory_space<vmem_shared>> -> memref<32x128xf32, #tpu.memory_space<vmem_shared>>
      tpu.enqueue_dma source(%dma_start3A_193 : memref<32x128xf32, #tpu.memory_space<vmem_shared>>) target(%arg8 : memref<32x128xf32, #tpu.memory_space<vmem>>) target_semaphore(%run_scoped3A : memref<!tpu.dma_semaphore, #tpu.memory_space<semaphore_mem>>)
      %dma_wait3A_194 = arith.constant 0 : i32
      %dma_wait3A_195 = tpu.memref_slice %arg26[%add3A_157, %dma_wait3A_194] : memref<10240x128xf32, #tpu.memory_space<vmem_shared>> -> memref<32x128xf32, #tpu.memory_space<vmem_shared>>
      %dma_wait3A_196 = arith.constant 0 : i32
      %dma_wait3A_197 = tpu.memref_slice %arg26[%add3A_157, %dma_wait3A_196] : memref<10240x128xf32, #tpu.memory_space<vmem_shared>> -> memref<32x128xf32, #tpu.memory_space<vmem_shared>>
      tpu.wait_dma2 semaphore(%run_scoped3A : memref<!tpu.dma_semaphore, #tpu.memory_space<semaphore_mem>>) src(%dma_wait3A_197 : memref<32x128xf32, #tpu.memory_space<vmem_shared>>) dst(%arg8 : memref<32x128xf32, #tpu.memory_space<vmem>>)
      tpu.yield
    }) : () -> ()
    "tpu.region"() ({
      %run_scoped3A = tpu.sem_alloc : memref<!tpu.dma_semaphore, #tpu.memory_space<semaphore_mem>>
      %dma_start3A_190 = arith.constant 0 : i32
      %dma_start3A_191 = tpu.memref_slice %arg6[%arg0, %add3A_157, %dma_start3A_190] : memref<2x10240x128xf32, #tpu.memory_space<hbm>> -> memref<1x32x128xf32, #tpu.memory_space<hbm>>
      %dma_start3A_192 = tpu.memref_squeeze %dma_start3A_191 : memref<1x32x128xf32, #tpu.memory_space<hbm>> -> memref<32x128xf32, #tpu.memory_space<hbm>>
      %dma_start3A_193 = arith.constant 0 : i32
      %dma_start3A_194 = tpu.memref_slice %arg6[%arg0, %add3A_157, %dma_start3A_193] : memref<2x10240x128xf32, #tpu.memory_space<hbm>> -> memref<1x32x128xf32, #tpu.memory_space<hbm>>
      %dma_start3A_195 = tpu.memref_squeeze %dma_start3A_194 : memref<1x32x128xf32, #tpu.memory_space<hbm>> -> memref<32x128xf32, #tpu.memory_space<hbm>>
      tpu.enqueue_dma source(%arg8 : memref<32x128xf32, #tpu.memory_space<vmem>>) target(%dma_start3A_195 : memref<32x128xf32, #tpu.memory_space<hbm>>) target_semaphore(%run_scoped3A : memref<!tpu.dma_semaphore, #tpu.memory_space<semaphore_mem>>)
      %dma_wait3A_196 = arith.constant 0 : i32
      %dma_wait3A_197 = tpu.memref_slice %arg6[%arg0, %add3A_157, %dma_wait3A_196] : memref<2x10240x128xf32, #tpu.memory_space<hbm>> -> memref<1x32x128xf32, #tpu.memory_space<hbm>>
      %dma_wait3A_198 = tpu.memref_squeeze %dma_wait3A_197 : memref<1x32x128xf32, #tpu.memory_space<hbm>> -> memref<32x128xf32, #tpu.memory_space<hbm>>
      %dma_wait3A_199 = arith.constant 0 : i32
      %dma_wait3A_200 = tpu.memref_slice %arg6[%arg0, %add3A_157, %dma_wait3A_199] : memref<2x10240x128xf32, #tpu.memory_space<hbm>> -> memref<1x32x128xf32, #tpu.memory_space<hbm>>
      %dma_wait3A_201 = tpu.memref_squeeze %dma_wait3A_200 : memref<1x32x128xf32, #tpu.memory_space<hbm>> -> memref<32x128xf32, #tpu.memory_space<hbm>>
      tpu.wait_dma2 semaphore(%run_scoped3A : memref<!tpu.dma_semaphore, #tpu.memory_space<semaphore_mem>>) src(%arg8 : memref<32x128xf32, #tpu.memory_space<vmem>>) dst(%dma_wait3A_201 : memref<32x128xf32, #tpu.memory_space<hbm>>)
      tpu.yield
    }) : () -> ()
    %add3A_158 = arith.constant 320 : i32
    %add3A_159 = arith.addi %mul3A_25, %add3A_158 : i32
    "tpu.region"() ({
      %run_scoped3A = tpu.sem_alloc : memref<!tpu.dma_semaphore, #tpu.memory_space<semaphore_mem>>
      %dma_start3A_190 = arith.constant 0 : i32
      %dma_start3A_191 = tpu.memref_slice %arg26[%add3A_159, %dma_start3A_190] : memref<10240x128xf32, #tpu.memory_space<vmem_shared>> -> memref<32x128xf32, #tpu.memory_space<vmem_shared>>
      %dma_start3A_192 = arith.constant 0 : i32
      %dma_start3A_193 = tpu.memref_slice %arg26[%add3A_159, %dma_start3A_192] : memref<10240x128xf32, #tpu.memory_space<vmem_shared>> -> memref<32x128xf32, #tpu.memory_space<vmem_shared>>
      tpu.enqueue_dma source(%dma_start3A_193 : memref<32x128xf32, #tpu.memory_space<vmem_shared>>) target(%arg8 : memref<32x128xf32, #tpu.memory_space<vmem>>) target_semaphore(%run_scoped3A : memref<!tpu.dma_semaphore, #tpu.memory_space<semaphore_mem>>)
      %dma_wait3A_194 = arith.constant 0 : i32
      %dma_wait3A_195 = tpu.memref_slice %arg26[%add3A_159, %dma_wait3A_194] : memref<10240x128xf32, #tpu.memory_space<vmem_shared>> -> memref<32x128xf32, #tpu.memory_space<vmem_shared>>
      %dma_wait3A_196 = arith.constant 0 : i32
      %dma_wait3A_197 = tpu.memref_slice %arg26[%add3A_159, %dma_wait3A_196] : memref<10240x128xf32, #tpu.memory_space<vmem_shared>> -> memref<32x128xf32, #tpu.memory_space<vmem_shared>>
      tpu.wait_dma2 semaphore(%run_scoped3A : memref<!tpu.dma_semaphore, #tpu.memory_space<semaphore_mem>>) src(%dma_wait3A_197 : memref<32x128xf32, #tpu.memory_space<vmem_shared>>) dst(%arg8 : memref<32x128xf32, #tpu.memory_space<vmem>>)
      tpu.yield
    }) : () -> ()
    "tpu.region"() ({
      %run_scoped3A = tpu.sem_alloc : memref<!tpu.dma_semaphore, #tpu.memory_space<semaphore_mem>>
      %dma_start3A_190 = arith.constant 0 : i32
      %dma_start3A_191 = tpu.memref_slice %arg6[%arg0, %add3A_159, %dma_start3A_190] : memref<2x10240x128xf32, #tpu.memory_space<hbm>> -> memref<1x32x128xf32, #tpu.memory_space<hbm>>
      %dma_start3A_192 = tpu.memref_squeeze %dma_start3A_191 : memref<1x32x128xf32, #tpu.memory_space<hbm>> -> memref<32x128xf32, #tpu.memory_space<hbm>>
      %dma_start3A_193 = arith.constant 0 : i32
      %dma_start3A_194 = tpu.memref_slice %arg6[%arg0, %add3A_159, %dma_start3A_193] : memref<2x10240x128xf32, #tpu.memory_space<hbm>> -> memref<1x32x128xf32, #tpu.memory_space<hbm>>
      %dma_start3A_195 = tpu.memref_squeeze %dma_start3A_194 : memref<1x32x128xf32, #tpu.memory_space<hbm>> -> memref<32x128xf32, #tpu.memory_space<hbm>>
      tpu.enqueue_dma source(%arg8 : memref<32x128xf32, #tpu.memory_space<vmem>>) target(%dma_start3A_195 : memref<32x128xf32, #tpu.memory_space<hbm>>) target_semaphore(%run_scoped3A : memref<!tpu.dma_semaphore, #tpu.memory_space<semaphore_mem>>)
      %dma_wait3A_196 = arith.constant 0 : i32
      %dma_wait3A_197 = tpu.memref_slice %arg6[%arg0, %add3A_159, %dma_wait3A_196] : memref<2x10240x128xf32, #tpu.memory_space<hbm>> -> memref<1x32x128xf32, #tpu.memory_space<hbm>>
      %dma_wait3A_198 = tpu.memref_squeeze %dma_wait3A_197 : memref<1x32x128xf32, #tpu.memory_space<hbm>> -> memref<32x128xf32, #tpu.memory_space<hbm>>
      %dma_wait3A_199 = arith.constant 0 : i32
      %dma_wait3A_200 = tpu.memref_slice %arg6[%arg0, %add3A_159, %dma_wait3A_199] : memref<2x10240x128xf32, #tpu.memory_space<hbm>> -> memref<1x32x128xf32, #tpu.memory_space<hbm>>
      %dma_wait3A_201 = tpu.memref_squeeze %dma_wait3A_200 : memref<1x32x128xf32, #tpu.memory_space<hbm>> -> memref<32x128xf32, #tpu.memory_space<hbm>>
      tpu.wait_dma2 semaphore(%run_scoped3A : memref<!tpu.dma_semaphore, #tpu.memory_space<semaphore_mem>>) src(%arg8 : memref<32x128xf32, #tpu.memory_space<vmem>>) dst(%dma_wait3A_201 : memref<32x128xf32, #tpu.memory_space<hbm>>)
      tpu.yield
    }) : () -> ()
    %add3A_160 = arith.constant 352 : i32
    %add3A_161 = arith.addi %mul3A_25, %add3A_160 : i32
    "tpu.region"() ({
      %run_scoped3A = tpu.sem_alloc : memref<!tpu.dma_semaphore, #tpu.memory_space<semaphore_mem>>
      %dma_start3A_190 = arith.constant 0 : i32
      %dma_start3A_191 = tpu.memref_slice %arg26[%add3A_161, %dma_start3A_190] : memref<10240x128xf32, #tpu.memory_space<vmem_shared>> -> memref<32x128xf32, #tpu.memory_space<vmem_shared>>
      %dma_start3A_192 = arith.constant 0 : i32
      %dma_start3A_193 = tpu.memref_slice %arg26[%add3A_161, %dma_start3A_192] : memref<10240x128xf32, #tpu.memory_space<vmem_shared>> -> memref<32x128xf32, #tpu.memory_space<vmem_shared>>
      tpu.enqueue_dma source(%dma_start3A_193 : memref<32x128xf32, #tpu.memory_space<vmem_shared>>) target(%arg8 : memref<32x128xf32, #tpu.memory_space<vmem>>) target_semaphore(%run_scoped3A : memref<!tpu.dma_semaphore, #tpu.memory_space<semaphore_mem>>)
      %dma_wait3A_194 = arith.constant 0 : i32
      %dma_wait3A_195 = tpu.memref_slice %arg26[%add3A_161, %dma_wait3A_194] : memref<10240x128xf32, #tpu.memory_space<vmem_shared>> -> memref<32x128xf32, #tpu.memory_space<vmem_shared>>
      %dma_wait3A_196 = arith.constant 0 : i32
      %dma_wait3A_197 = tpu.memref_slice %arg26[%add3A_161, %dma_wait3A_196] : memref<10240x128xf32, #tpu.memory_space<vmem_shared>> -> memref<32x128xf32, #tpu.memory_space<vmem_shared>>
      tpu.wait_dma2 semaphore(%run_scoped3A : memref<!tpu.dma_semaphore, #tpu.memory_space<semaphore_mem>>) src(%dma_wait3A_197 : memref<32x128xf32, #tpu.memory_space<vmem_shared>>) dst(%arg8 : memref<32x128xf32, #tpu.memory_space<vmem>>)
      tpu.yield
    }) : () -> ()
    "tpu.region"() ({
      %run_scoped3A = tpu.sem_alloc : memref<!tpu.dma_semaphore, #tpu.memory_space<semaphore_mem>>
      %dma_start3A_190 = arith.constant 0 : i32
      %dma_start3A_191 = tpu.memref_slice %arg6[%arg0, %add3A_161, %dma_start3A_190] : memref<2x10240x128xf32, #tpu.memory_space<hbm>> -> memref<1x32x128xf32, #tpu.memory_space<hbm>>
      %dma_start3A_192 = tpu.memref_squeeze %dma_start3A_191 : memref<1x32x128xf32, #tpu.memory_space<hbm>> -> memref<32x128xf32, #tpu.memory_space<hbm>>
      %dma_start3A_193 = arith.constant 0 : i32
      %dma_start3A_194 = tpu.memref_slice %arg6[%arg0, %add3A_161, %dma_start3A_193] : memref<2x10240x128xf32, #tpu.memory_space<hbm>> -> memref<1x32x128xf32, #tpu.memory_space<hbm>>
      %dma_start3A_195 = tpu.memref_squeeze %dma_start3A_194 : memref<1x32x128xf32, #tpu.memory_space<hbm>> -> memref<32x128xf32, #tpu.memory_space<hbm>>
      tpu.enqueue_dma source(%arg8 : memref<32x128xf32, #tpu.memory_space<vmem>>) target(%dma_start3A_195 : memref<32x128xf32, #tpu.memory_space<hbm>>) target_semaphore(%run_scoped3A : memref<!tpu.dma_semaphore, #tpu.memory_space<semaphore_mem>>)
      %dma_wait3A_196 = arith.constant 0 : i32
      %dma_wait3A_197 = tpu.memref_slice %arg6[%arg0, %add3A_161, %dma_wait3A_196] : memref<2x10240x128xf32, #tpu.memory_space<hbm>> -> memref<1x32x128xf32, #tpu.memory_space<hbm>>
      %dma_wait3A_198 = tpu.memref_squeeze %dma_wait3A_197 : memref<1x32x128xf32, #tpu.memory_space<hbm>> -> memref<32x128xf32, #tpu.memory_space<hbm>>
      %dma_wait3A_199 = arith.constant 0 : i32
      %dma_wait3A_200 = tpu.memref_slice %arg6[%arg0, %add3A_161, %dma_wait3A_199] : memref<2x10240x128xf32, #tpu.memory_space<hbm>> -> memref<1x32x128xf32, #tpu.memory_space<hbm>>
      %dma_wait3A_201 = tpu.memref_squeeze %dma_wait3A_200 : memref<1x32x128xf32, #tpu.memory_space<hbm>> -> memref<32x128xf32, #tpu.memory_space<hbm>>
      tpu.wait_dma2 semaphore(%run_scoped3A : memref<!tpu.dma_semaphore, #tpu.memory_space<semaphore_mem>>) src(%arg8 : memref<32x128xf32, #tpu.memory_space<vmem>>) dst(%dma_wait3A_201 : memref<32x128xf32, #tpu.memory_space<hbm>>)
      tpu.yield
    }) : () -> ()
    %add3A_162 = arith.constant 384 : i32
    %add3A_163 = arith.addi %mul3A_25, %add3A_162 : i32
    "tpu.region"() ({
      %run_scoped3A = tpu.sem_alloc : memref<!tpu.dma_semaphore, #tpu.memory_space<semaphore_mem>>
      %dma_start3A_190 = arith.constant 0 : i32
      %dma_start3A_191 = tpu.memref_slice %arg26[%add3A_163, %dma_start3A_190] : memref<10240x128xf32, #tpu.memory_space<vmem_shared>> -> memref<32x128xf32, #tpu.memory_space<vmem_shared>>
      %dma_start3A_192 = arith.constant 0 : i32
      %dma_start3A_193 = tpu.memref_slice %arg26[%add3A_163, %dma_start3A_192] : memref<10240x128xf32, #tpu.memory_space<vmem_shared>> -> memref<32x128xf32, #tpu.memory_space<vmem_shared>>
      tpu.enqueue_dma source(%dma_start3A_193 : memref<32x128xf32, #tpu.memory_space<vmem_shared>>) target(%arg8 : memref<32x128xf32, #tpu.memory_space<vmem>>) target_semaphore(%run_scoped3A : memref<!tpu.dma_semaphore, #tpu.memory_space<semaphore_mem>>)
      %dma_wait3A_194 = arith.constant 0 : i32
      %dma_wait3A_195 = tpu.memref_slice %arg26[%add3A_163, %dma_wait3A_194] : memref<10240x128xf32, #tpu.memory_space<vmem_shared>> -> memref<32x128xf32, #tpu.memory_space<vmem_shared>>
      %dma_wait3A_196 = arith.constant 0 : i32
      %dma_wait3A_197 = tpu.memref_slice %arg26[%add3A_163, %dma_wait3A_196] : memref<10240x128xf32, #tpu.memory_space<vmem_shared>> -> memref<32x128xf32, #tpu.memory_space<vmem_shared>>
      tpu.wait_dma2 semaphore(%run_scoped3A : memref<!tpu.dma_semaphore, #tpu.memory_space<semaphore_mem>>) src(%dma_wait3A_197 : memref<32x128xf32, #tpu.memory_space<vmem_shared>>) dst(%arg8 : memref<32x128xf32, #tpu.memory_space<vmem>>)
      tpu.yield
    }) : () -> ()
    "tpu.region"() ({
      %run_scoped3A = tpu.sem_alloc : memref<!tpu.dma_semaphore, #tpu.memory_space<semaphore_mem>>
      %dma_start3A_190 = arith.constant 0 : i32
      %dma_start3A_191 = tpu.memref_slice %arg6[%arg0, %add3A_163, %dma_start3A_190] : memref<2x10240x128xf32, #tpu.memory_space<hbm>> -> memref<1x32x128xf32, #tpu.memory_space<hbm>>
      %dma_start3A_192 = tpu.memref_squeeze %dma_start3A_191 : memref<1x32x128xf32, #tpu.memory_space<hbm>> -> memref<32x128xf32, #tpu.memory_space<hbm>>
      %dma_start3A_193 = arith.constant 0 : i32
      %dma_start3A_194 = tpu.memref_slice %arg6[%arg0, %add3A_163, %dma_start3A_193] : memref<2x10240x128xf32, #tpu.memory_space<hbm>> -> memref<1x32x128xf32, #tpu.memory_space<hbm>>
      %dma_start3A_195 = tpu.memref_squeeze %dma_start3A_194 : memref<1x32x128xf32, #tpu.memory_space<hbm>> -> memref<32x128xf32, #tpu.memory_space<hbm>>
      tpu.enqueue_dma source(%arg8 : memref<32x128xf32, #tpu.memory_space<vmem>>) target(%dma_start3A_195 : memref<32x128xf32, #tpu.memory_space<hbm>>) target_semaphore(%run_scoped3A : memref<!tpu.dma_semaphore, #tpu.memory_space<semaphore_mem>>)
      %dma_wait3A_196 = arith.constant 0 : i32
      %dma_wait3A_197 = tpu.memref_slice %arg6[%arg0, %add3A_163, %dma_wait3A_196] : memref<2x10240x128xf32, #tpu.memory_space<hbm>> -> memref<1x32x128xf32, #tpu.memory_space<hbm>>
      %dma_wait3A_198 = tpu.memref_squeeze %dma_wait3A_197 : memref<1x32x128xf32, #tpu.memory_space<hbm>> -> memref<32x128xf32, #tpu.memory_space<hbm>>
      %dma_wait3A_199 = arith.constant 0 : i32
      %dma_wait3A_200 = tpu.memref_slice %arg6[%arg0, %add3A_163, %dma_wait3A_199] : memref<2x10240x128xf32, #tpu.memory_space<hbm>> -> memref<1x32x128xf32, #tpu.memory_space<hbm>>
      %dma_wait3A_201 = tpu.memref_squeeze %dma_wait3A_200 : memref<1x32x128xf32, #tpu.memory_space<hbm>> -> memref<32x128xf32, #tpu.memory_space<hbm>>
      tpu.wait_dma2 semaphore(%run_scoped3A : memref<!tpu.dma_semaphore, #tpu.memory_space<semaphore_mem>>) src(%arg8 : memref<32x128xf32, #tpu.memory_space<vmem>>) dst(%dma_wait3A_201 : memref<32x128xf32, #tpu.memory_space<hbm>>)
      tpu.yield
    }) : () -> ()
    %add3A_164 = arith.constant 416 : i32
    %add3A_165 = arith.addi %mul3A_25, %add3A_164 : i32
    "tpu.region"() ({
      %run_scoped3A = tpu.sem_alloc : memref<!tpu.dma_semaphore, #tpu.memory_space<semaphore_mem>>
      %dma_start3A_190 = arith.constant 0 : i32
      %dma_start3A_191 = tpu.memref_slice %arg26[%add3A_165, %dma_start3A_190] : memref<10240x128xf32, #tpu.memory_space<vmem_shared>> -> memref<32x128xf32, #tpu.memory_space<vmem_shared>>
      %dma_start3A_192 = arith.constant 0 : i32
      %dma_start3A_193 = tpu.memref_slice %arg26[%add3A_165, %dma_start3A_192] : memref<10240x128xf32, #tpu.memory_space<vmem_shared>> -> memref<32x128xf32, #tpu.memory_space<vmem_shared>>
      tpu.enqueue_dma source(%dma_start3A_193 : memref<32x128xf32, #tpu.memory_space<vmem_shared>>) target(%arg8 : memref<32x128xf32, #tpu.memory_space<vmem>>) target_semaphore(%run_scoped3A : memref<!tpu.dma_semaphore, #tpu.memory_space<semaphore_mem>>)
      %dma_wait3A_194 = arith.constant 0 : i32
      %dma_wait3A_195 = tpu.memref_slice %arg26[%add3A_165, %dma_wait3A_194] : memref<10240x128xf32, #tpu.memory_space<vmem_shared>> -> memref<32x128xf32, #tpu.memory_space<vmem_shared>>
      %dma_wait3A_196 = arith.constant 0 : i32
      %dma_wait3A_197 = tpu.memref_slice %arg26[%add3A_165, %dma_wait3A_196] : memref<10240x128xf32, #tpu.memory_space<vmem_shared>> -> memref<32x128xf32, #tpu.memory_space<vmem_shared>>
      tpu.wait_dma2 semaphore(%run_scoped3A : memref<!tpu.dma_semaphore, #tpu.memory_space<semaphore_mem>>) src(%dma_wait3A_197 : memref<32x128xf32, #tpu.memory_space<vmem_shared>>) dst(%arg8 : memref<32x128xf32, #tpu.memory_space<vmem>>)
      tpu.yield
    }) : () -> ()
    "tpu.region"() ({
      %run_scoped3A = tpu.sem_alloc : memref<!tpu.dma_semaphore, #tpu.memory_space<semaphore_mem>>
      %dma_start3A_190 = arith.constant 0 : i32
      %dma_start3A_191 = tpu.memref_slice %arg6[%arg0, %add3A_165, %dma_start3A_190] : memref<2x10240x128xf32, #tpu.memory_space<hbm>> -> memref<1x32x128xf32, #tpu.memory_space<hbm>>
      %dma_start3A_192 = tpu.memref_squeeze %dma_start3A_191 : memref<1x32x128xf32, #tpu.memory_space<hbm>> -> memref<32x128xf32, #tpu.memory_space<hbm>>
      %dma_start3A_193 = arith.constant 0 : i32
      %dma_start3A_194 = tpu.memref_slice %arg6[%arg0, %add3A_165, %dma_start3A_193] : memref<2x10240x128xf32, #tpu.memory_space<hbm>> -> memref<1x32x128xf32, #tpu.memory_space<hbm>>
      %dma_start3A_195 = tpu.memref_squeeze %dma_start3A_194 : memref<1x32x128xf32, #tpu.memory_space<hbm>> -> memref<32x128xf32, #tpu.memory_space<hbm>>
      tpu.enqueue_dma source(%arg8 : memref<32x128xf32, #tpu.memory_space<vmem>>) target(%dma_start3A_195 : memref<32x128xf32, #tpu.memory_space<hbm>>) target_semaphore(%run_scoped3A : memref<!tpu.dma_semaphore, #tpu.memory_space<semaphore_mem>>)
      %dma_wait3A_196 = arith.constant 0 : i32
      %dma_wait3A_197 = tpu.memref_slice %arg6[%arg0, %add3A_165, %dma_wait3A_196] : memref<2x10240x128xf32, #tpu.memory_space<hbm>> -> memref<1x32x128xf32, #tpu.memory_space<hbm>>
      %dma_wait3A_198 = tpu.memref_squeeze %dma_wait3A_197 : memref<1x32x128xf32, #tpu.memory_space<hbm>> -> memref<32x128xf32, #tpu.memory_space<hbm>>
      %dma_wait3A_199 = arith.constant 0 : i32
      %dma_wait3A_200 = tpu.memref_slice %arg6[%arg0, %add3A_165, %dma_wait3A_199] : memref<2x10240x128xf32, #tpu.memory_space<hbm>> -> memref<1x32x128xf32, #tpu.memory_space<hbm>>
      %dma_wait3A_201 = tpu.memref_squeeze %dma_wait3A_200 : memref<1x32x128xf32, #tpu.memory_space<hbm>> -> memref<32x128xf32, #tpu.memory_space<hbm>>
      tpu.wait_dma2 semaphore(%run_scoped3A : memref<!tpu.dma_semaphore, #tpu.memory_space<semaphore_mem>>) src(%arg8 : memref<32x128xf32, #tpu.memory_space<vmem>>) dst(%dma_wait3A_201 : memref<32x128xf32, #tpu.memory_space<hbm>>)
      tpu.yield
    }) : () -> ()
    %add3A_166 = arith.constant 448 : i32
    %add3A_167 = arith.addi %mul3A_25, %add3A_166 : i32
    "tpu.region"() ({
      %run_scoped3A = tpu.sem_alloc : memref<!tpu.dma_semaphore, #tpu.memory_space<semaphore_mem>>
      %dma_start3A_190 = arith.constant 0 : i32
      %dma_start3A_191 = tpu.memref_slice %arg26[%add3A_167, %dma_start3A_190] : memref<10240x128xf32, #tpu.memory_space<vmem_shared>> -> memref<32x128xf32, #tpu.memory_space<vmem_shared>>
      %dma_start3A_192 = arith.constant 0 : i32
      %dma_start3A_193 = tpu.memref_slice %arg26[%add3A_167, %dma_start3A_192] : memref<10240x128xf32, #tpu.memory_space<vmem_shared>> -> memref<32x128xf32, #tpu.memory_space<vmem_shared>>
      tpu.enqueue_dma source(%dma_start3A_193 : memref<32x128xf32, #tpu.memory_space<vmem_shared>>) target(%arg8 : memref<32x128xf32, #tpu.memory_space<vmem>>) target_semaphore(%run_scoped3A : memref<!tpu.dma_semaphore, #tpu.memory_space<semaphore_mem>>)
      %dma_wait3A_194 = arith.constant 0 : i32
      %dma_wait3A_195 = tpu.memref_slice %arg26[%add3A_167, %dma_wait3A_194] : memref<10240x128xf32, #tpu.memory_space<vmem_shared>> -> memref<32x128xf32, #tpu.memory_space<vmem_shared>>
      %dma_wait3A_196 = arith.constant 0 : i32
      %dma_wait3A_197 = tpu.memref_slice %arg26[%add3A_167, %dma_wait3A_196] : memref<10240x128xf32, #tpu.memory_space<vmem_shared>> -> memref<32x128xf32, #tpu.memory_space<vmem_shared>>
      tpu.wait_dma2 semaphore(%run_scoped3A : memref<!tpu.dma_semaphore, #tpu.memory_space<semaphore_mem>>) src(%dma_wait3A_197 : memref<32x128xf32, #tpu.memory_space<vmem_shared>>) dst(%arg8 : memref<32x128xf32, #tpu.memory_space<vmem>>)
      tpu.yield
    }) : () -> ()
    "tpu.region"() ({
      %run_scoped3A = tpu.sem_alloc : memref<!tpu.dma_semaphore, #tpu.memory_space<semaphore_mem>>
      %dma_start3A_190 = arith.constant 0 : i32
      %dma_start3A_191 = tpu.memref_slice %arg6[%arg0, %add3A_167, %dma_start3A_190] : memref<2x10240x128xf32, #tpu.memory_space<hbm>> -> memref<1x32x128xf32, #tpu.memory_space<hbm>>
      %dma_start3A_192 = tpu.memref_squeeze %dma_start3A_191 : memref<1x32x128xf32, #tpu.memory_space<hbm>> -> memref<32x128xf32, #tpu.memory_space<hbm>>
      %dma_start3A_193 = arith.constant 0 : i32
      %dma_start3A_194 = tpu.memref_slice %arg6[%arg0, %add3A_167, %dma_start3A_193] : memref<2x10240x128xf32, #tpu.memory_space<hbm>> -> memref<1x32x128xf32, #tpu.memory_space<hbm>>
      %dma_start3A_195 = tpu.memref_squeeze %dma_start3A_194 : memref<1x32x128xf32, #tpu.memory_space<hbm>> -> memref<32x128xf32, #tpu.memory_space<hbm>>
      tpu.enqueue_dma source(%arg8 : memref<32x128xf32, #tpu.memory_space<vmem>>) target(%dma_start3A_195 : memref<32x128xf32, #tpu.memory_space<hbm>>) target_semaphore(%run_scoped3A : memref<!tpu.dma_semaphore, #tpu.memory_space<semaphore_mem>>)
      %dma_wait3A_196 = arith.constant 0 : i32
      %dma_wait3A_197 = tpu.memref_slice %arg6[%arg0, %add3A_167, %dma_wait3A_196] : memref<2x10240x128xf32, #tpu.memory_space<hbm>> -> memref<1x32x128xf32, #tpu.memory_space<hbm>>
      %dma_wait3A_198 = tpu.memref_squeeze %dma_wait3A_197 : memref<1x32x128xf32, #tpu.memory_space<hbm>> -> memref<32x128xf32, #tpu.memory_space<hbm>>
      %dma_wait3A_199 = arith.constant 0 : i32
      %dma_wait3A_200 = tpu.memref_slice %arg6[%arg0, %add3A_167, %dma_wait3A_199] : memref<2x10240x128xf32, #tpu.memory_space<hbm>> -> memref<1x32x128xf32, #tpu.memory_space<hbm>>
      %dma_wait3A_201 = tpu.memref_squeeze %dma_wait3A_200 : memref<1x32x128xf32, #tpu.memory_space<hbm>> -> memref<32x128xf32, #tpu.memory_space<hbm>>
      tpu.wait_dma2 semaphore(%run_scoped3A : memref<!tpu.dma_semaphore, #tpu.memory_space<semaphore_mem>>) src(%arg8 : memref<32x128xf32, #tpu.memory_space<vmem>>) dst(%dma_wait3A_201 : memref<32x128xf32, #tpu.memory_space<hbm>>)
      tpu.yield
    }) : () -> ()
    %add3A_168 = arith.constant 480 : i32
    %add3A_169 = arith.addi %mul3A_25, %add3A_168 : i32
    "tpu.region"() ({
      %run_scoped3A = tpu.sem_alloc : memref<!tpu.dma_semaphore, #tpu.memory_space<semaphore_mem>>
      %dma_start3A_190 = arith.constant 0 : i32
      %dma_start3A_191 = tpu.memref_slice %arg26[%add3A_169, %dma_start3A_190] : memref<10240x128xf32, #tpu.memory_space<vmem_shared>> -> memref<32x128xf32, #tpu.memory_space<vmem_shared>>
      %dma_start3A_192 = arith.constant 0 : i32
      %dma_start3A_193 = tpu.memref_slice %arg26[%add3A_169, %dma_start3A_192] : memref<10240x128xf32, #tpu.memory_space<vmem_shared>> -> memref<32x128xf32, #tpu.memory_space<vmem_shared>>
      tpu.enqueue_dma source(%dma_start3A_193 : memref<32x128xf32, #tpu.memory_space<vmem_shared>>) target(%arg8 : memref<32x128xf32, #tpu.memory_space<vmem>>) target_semaphore(%run_scoped3A : memref<!tpu.dma_semaphore, #tpu.memory_space<semaphore_mem>>)
      %dma_wait3A_194 = arith.constant 0 : i32
      %dma_wait3A_195 = tpu.memref_slice %arg26[%add3A_169, %dma_wait3A_194] : memref<10240x128xf32, #tpu.memory_space<vmem_shared>> -> memref<32x128xf32, #tpu.memory_space<vmem_shared>>
      %dma_wait3A_196 = arith.constant 0 : i32
      %dma_wait3A_197 = tpu.memref_slice %arg26[%add3A_169, %dma_wait3A_196] : memref<10240x128xf32, #tpu.memory_space<vmem_shared>> -> memref<32x128xf32, #tpu.memory_space<vmem_shared>>
      tpu.wait_dma2 semaphore(%run_scoped3A : memref<!tpu.dma_semaphore, #tpu.memory_space<semaphore_mem>>) src(%dma_wait3A_197 : memref<32x128xf32, #tpu.memory_space<vmem_shared>>) dst(%arg8 : memref<32x128xf32, #tpu.memory_space<vmem>>)
      tpu.yield
    }) : () -> ()
    "tpu.region"() ({
      %run_scoped3A = tpu.sem_alloc : memref<!tpu.dma_semaphore, #tpu.memory_space<semaphore_mem>>
      %dma_start3A_190 = arith.constant 0 : i32
      %dma_start3A_191 = tpu.memref_slice %arg6[%arg0, %add3A_169, %dma_start3A_190] : memref<2x10240x128xf32, #tpu.memory_space<hbm>> -> memref<1x32x128xf32, #tpu.memory_space<hbm>>
      %dma_start3A_192 = tpu.memref_squeeze %dma_start3A_191 : memref<1x32x128xf32, #tpu.memory_space<hbm>> -> memref<32x128xf32, #tpu.memory_space<hbm>>
      %dma_start3A_193 = arith.constant 0 : i32
      %dma_start3A_194 = tpu.memref_slice %arg6[%arg0, %add3A_169, %dma_start3A_193] : memref<2x10240x128xf32, #tpu.memory_space<hbm>> -> memref<1x32x128xf32, #tpu.memory_space<hbm>>
      %dma_start3A_195 = tpu.memref_squeeze %dma_start3A_194 : memref<1x32x128xf32, #tpu.memory_space<hbm>> -> memref<32x128xf32, #tpu.memory_space<hbm>>
      tpu.enqueue_dma source(%arg8 : memref<32x128xf32, #tpu.memory_space<vmem>>) target(%dma_start3A_195 : memref<32x128xf32, #tpu.memory_space<hbm>>) target_semaphore(%run_scoped3A : memref<!tpu.dma_semaphore, #tpu.memory_space<semaphore_mem>>)
      %dma_wait3A_196 = arith.constant 0 : i32
      %dma_wait3A_197 = tpu.memref_slice %arg6[%arg0, %add3A_169, %dma_wait3A_196] : memref<2x10240x128xf32, #tpu.memory_space<hbm>> -> memref<1x32x128xf32, #tpu.memory_space<hbm>>
      %dma_wait3A_198 = tpu.memref_squeeze %dma_wait3A_197 : memref<1x32x128xf32, #tpu.memory_space<hbm>> -> memref<32x128xf32, #tpu.memory_space<hbm>>
      %dma_wait3A_199 = arith.constant 0 : i32
      %dma_wait3A_200 = tpu.memref_slice %arg6[%arg0, %add3A_169, %dma_wait3A_199] : memref<2x10240x128xf32, #tpu.memory_space<hbm>> -> memref<1x32x128xf32, #tpu.memory_space<hbm>>
      %dma_wait3A_201 = tpu.memref_squeeze %dma_wait3A_200 : memref<1x32x128xf32, #tpu.memory_space<hbm>> -> memref<32x128xf32, #tpu.memory_space<hbm>>
      tpu.wait_dma2 semaphore(%run_scoped3A : memref<!tpu.dma_semaphore, #tpu.memory_space<semaphore_mem>>) src(%arg8 : memref<32x128xf32, #tpu.memory_space<vmem>>) dst(%dma_wait3A_201 : memref<32x128xf32, #tpu.memory_space<hbm>>)
      tpu.yield
    }) : () -> ()
    %add3A_170 = arith.constant 512 : i32
    %add3A_171 = arith.addi %mul3A_25, %add3A_170 : i32
    "tpu.region"() ({
      %run_scoped3A = tpu.sem_alloc : memref<!tpu.dma_semaphore, #tpu.memory_space<semaphore_mem>>
      %dma_start3A_190 = arith.constant 0 : i32
      %dma_start3A_191 = tpu.memref_slice %arg26[%add3A_171, %dma_start3A_190] : memref<10240x128xf32, #tpu.memory_space<vmem_shared>> -> memref<32x128xf32, #tpu.memory_space<vmem_shared>>
      %dma_start3A_192 = arith.constant 0 : i32
      %dma_start3A_193 = tpu.memref_slice %arg26[%add3A_171, %dma_start3A_192] : memref<10240x128xf32, #tpu.memory_space<vmem_shared>> -> memref<32x128xf32, #tpu.memory_space<vmem_shared>>
      tpu.enqueue_dma source(%dma_start3A_193 : memref<32x128xf32, #tpu.memory_space<vmem_shared>>) target(%arg8 : memref<32x128xf32, #tpu.memory_space<vmem>>) target_semaphore(%run_scoped3A : memref<!tpu.dma_semaphore, #tpu.memory_space<semaphore_mem>>)
      %dma_wait3A_194 = arith.constant 0 : i32
      %dma_wait3A_195 = tpu.memref_slice %arg26[%add3A_171, %dma_wait3A_194] : memref<10240x128xf32, #tpu.memory_space<vmem_shared>> -> memref<32x128xf32, #tpu.memory_space<vmem_shared>>
      %dma_wait3A_196 = arith.constant 0 : i32
      %dma_wait3A_197 = tpu.memref_slice %arg26[%add3A_171, %dma_wait3A_196] : memref<10240x128xf32, #tpu.memory_space<vmem_shared>> -> memref<32x128xf32, #tpu.memory_space<vmem_shared>>
      tpu.wait_dma2 semaphore(%run_scoped3A : memref<!tpu.dma_semaphore, #tpu.memory_space<semaphore_mem>>) src(%dma_wait3A_197 : memref<32x128xf32, #tpu.memory_space<vmem_shared>>) dst(%arg8 : memref<32x128xf32, #tpu.memory_space<vmem>>)
      tpu.yield
    }) : () -> ()
    "tpu.region"() ({
      %run_scoped3A = tpu.sem_alloc : memref<!tpu.dma_semaphore, #tpu.memory_space<semaphore_mem>>
      %dma_start3A_190 = arith.constant 0 : i32
      %dma_start3A_191 = tpu.memref_slice %arg6[%arg0, %add3A_171, %dma_start3A_190] : memref<2x10240x128xf32, #tpu.memory_space<hbm>> -> memref<1x32x128xf32, #tpu.memory_space<hbm>>
      %dma_start3A_192 = tpu.memref_squeeze %dma_start3A_191 : memref<1x32x128xf32, #tpu.memory_space<hbm>> -> memref<32x128xf32, #tpu.memory_space<hbm>>
      %dma_start3A_193 = arith.constant 0 : i32
      %dma_start3A_194 = tpu.memref_slice %arg6[%arg0, %add3A_171, %dma_start3A_193] : memref<2x10240x128xf32, #tpu.memory_space<hbm>> -> memref<1x32x128xf32, #tpu.memory_space<hbm>>
      %dma_start3A_195 = tpu.memref_squeeze %dma_start3A_194 : memref<1x32x128xf32, #tpu.memory_space<hbm>> -> memref<32x128xf32, #tpu.memory_space<hbm>>
      tpu.enqueue_dma source(%arg8 : memref<32x128xf32, #tpu.memory_space<vmem>>) target(%dma_start3A_195 : memref<32x128xf32, #tpu.memory_space<hbm>>) target_semaphore(%run_scoped3A : memref<!tpu.dma_semaphore, #tpu.memory_space<semaphore_mem>>)
      %dma_wait3A_196 = arith.constant 0 : i32
      %dma_wait3A_197 = tpu.memref_slice %arg6[%arg0, %add3A_171, %dma_wait3A_196] : memref<2x10240x128xf32, #tpu.memory_space<hbm>> -> memref<1x32x128xf32, #tpu.memory_space<hbm>>
      %dma_wait3A_198 = tpu.memref_squeeze %dma_wait3A_197 : memref<1x32x128xf32, #tpu.memory_space<hbm>> -> memref<32x128xf32, #tpu.memory_space<hbm>>
      %dma_wait3A_199 = arith.constant 0 : i32
      %dma_wait3A_200 = tpu.memref_slice %arg6[%arg0, %add3A_171, %dma_wait3A_199] : memref<2x10240x128xf32, #tpu.memory_space<hbm>> -> memref<1x32x128xf32, #tpu.memory_space<hbm>>
      %dma_wait3A_201 = tpu.memref_squeeze %dma_wait3A_200 : memref<1x32x128xf32, #tpu.memory_space<hbm>> -> memref<32x128xf32, #tpu.memory_space<hbm>>
      tpu.wait_dma2 semaphore(%run_scoped3A : memref<!tpu.dma_semaphore, #tpu.memory_space<semaphore_mem>>) src(%arg8 : memref<32x128xf32, #tpu.memory_space<vmem>>) dst(%dma_wait3A_201 : memref<32x128xf32, #tpu.memory_space<hbm>>)
      tpu.yield
    }) : () -> ()
    %add3A_172 = arith.constant 544 : i32
    %add3A_173 = arith.addi %mul3A_25, %add3A_172 : i32
    "tpu.region"() ({
      %run_scoped3A = tpu.sem_alloc : memref<!tpu.dma_semaphore, #tpu.memory_space<semaphore_mem>>
      %dma_start3A_190 = arith.constant 0 : i32
      %dma_start3A_191 = tpu.memref_slice %arg26[%add3A_173, %dma_start3A_190] : memref<10240x128xf32, #tpu.memory_space<vmem_shared>> -> memref<32x128xf32, #tpu.memory_space<vmem_shared>>
      %dma_start3A_192 = arith.constant 0 : i32
      %dma_start3A_193 = tpu.memref_slice %arg26[%add3A_173, %dma_start3A_192] : memref<10240x128xf32, #tpu.memory_space<vmem_shared>> -> memref<32x128xf32, #tpu.memory_space<vmem_shared>>
      tpu.enqueue_dma source(%dma_start3A_193 : memref<32x128xf32, #tpu.memory_space<vmem_shared>>) target(%arg8 : memref<32x128xf32, #tpu.memory_space<vmem>>) target_semaphore(%run_scoped3A : memref<!tpu.dma_semaphore, #tpu.memory_space<semaphore_mem>>)
      %dma_wait3A_194 = arith.constant 0 : i32
      %dma_wait3A_195 = tpu.memref_slice %arg26[%add3A_173, %dma_wait3A_194] : memref<10240x128xf32, #tpu.memory_space<vmem_shared>> -> memref<32x128xf32, #tpu.memory_space<vmem_shared>>
      %dma_wait3A_196 = arith.constant 0 : i32
      %dma_wait3A_197 = tpu.memref_slice %arg26[%add3A_173, %dma_wait3A_196] : memref<10240x128xf32, #tpu.memory_space<vmem_shared>> -> memref<32x128xf32, #tpu.memory_space<vmem_shared>>
      tpu.wait_dma2 semaphore(%run_scoped3A : memref<!tpu.dma_semaphore, #tpu.memory_space<semaphore_mem>>) src(%dma_wait3A_197 : memref<32x128xf32, #tpu.memory_space<vmem_shared>>) dst(%arg8 : memref<32x128xf32, #tpu.memory_space<vmem>>)
      tpu.yield
    }) : () -> ()
    "tpu.region"() ({
      %run_scoped3A = tpu.sem_alloc : memref<!tpu.dma_semaphore, #tpu.memory_space<semaphore_mem>>
      %dma_start3A_190 = arith.constant 0 : i32
      %dma_start3A_191 = tpu.memref_slice %arg6[%arg0, %add3A_173, %dma_start3A_190] : memref<2x10240x128xf32, #tpu.memory_space<hbm>> -> memref<1x32x128xf32, #tpu.memory_space<hbm>>
      %dma_start3A_192 = tpu.memref_squeeze %dma_start3A_191 : memref<1x32x128xf32, #tpu.memory_space<hbm>> -> memref<32x128xf32, #tpu.memory_space<hbm>>
      %dma_start3A_193 = arith.constant 0 : i32
      %dma_start3A_194 = tpu.memref_slice %arg6[%arg0, %add3A_173, %dma_start3A_193] : memref<2x10240x128xf32, #tpu.memory_space<hbm>> -> memref<1x32x128xf32, #tpu.memory_space<hbm>>
      %dma_start3A_195 = tpu.memref_squeeze %dma_start3A_194 : memref<1x32x128xf32, #tpu.memory_space<hbm>> -> memref<32x128xf32, #tpu.memory_space<hbm>>
      tpu.enqueue_dma source(%arg8 : memref<32x128xf32, #tpu.memory_space<vmem>>) target(%dma_start3A_195 : memref<32x128xf32, #tpu.memory_space<hbm>>) target_semaphore(%run_scoped3A : memref<!tpu.dma_semaphore, #tpu.memory_space<semaphore_mem>>)
      %dma_wait3A_196 = arith.constant 0 : i32
      %dma_wait3A_197 = tpu.memref_slice %arg6[%arg0, %add3A_173, %dma_wait3A_196] : memref<2x10240x128xf32, #tpu.memory_space<hbm>> -> memref<1x32x128xf32, #tpu.memory_space<hbm>>
      %dma_wait3A_198 = tpu.memref_squeeze %dma_wait3A_197 : memref<1x32x128xf32, #tpu.memory_space<hbm>> -> memref<32x128xf32, #tpu.memory_space<hbm>>
      %dma_wait3A_199 = arith.constant 0 : i32
      %dma_wait3A_200 = tpu.memref_slice %arg6[%arg0, %add3A_173, %dma_wait3A_199] : memref<2x10240x128xf32, #tpu.memory_space<hbm>> -> memref<1x32x128xf32, #tpu.memory_space<hbm>>
      %dma_wait3A_201 = tpu.memref_squeeze %dma_wait3A_200 : memref<1x32x128xf32, #tpu.memory_space<hbm>> -> memref<32x128xf32, #tpu.memory_space<hbm>>
      tpu.wait_dma2 semaphore(%run_scoped3A : memref<!tpu.dma_semaphore, #tpu.memory_space<semaphore_mem>>) src(%arg8 : memref<32x128xf32, #tpu.memory_space<vmem>>) dst(%dma_wait3A_201 : memref<32x128xf32, #tpu.memory_space<hbm>>)
      tpu.yield
    }) : () -> ()
    %add3A_174 = arith.constant 576 : i32
    %add3A_175 = arith.addi %mul3A_25, %add3A_174 : i32
    "tpu.region"() ({
      %run_scoped3A = tpu.sem_alloc : memref<!tpu.dma_semaphore, #tpu.memory_space<semaphore_mem>>
      %dma_start3A_190 = arith.constant 0 : i32
      %dma_start3A_191 = tpu.memref_slice %arg26[%add3A_175, %dma_start3A_190] : memref<10240x128xf32, #tpu.memory_space<vmem_shared>> -> memref<32x128xf32, #tpu.memory_space<vmem_shared>>
      %dma_start3A_192 = arith.constant 0 : i32
      %dma_start3A_193 = tpu.memref_slice %arg26[%add3A_175, %dma_start3A_192] : memref<10240x128xf32, #tpu.memory_space<vmem_shared>> -> memref<32x128xf32, #tpu.memory_space<vmem_shared>>
      tpu.enqueue_dma source(%dma_start3A_193 : memref<32x128xf32, #tpu.memory_space<vmem_shared>>) target(%arg8 : memref<32x128xf32, #tpu.memory_space<vmem>>) target_semaphore(%run_scoped3A : memref<!tpu.dma_semaphore, #tpu.memory_space<semaphore_mem>>)
      %dma_wait3A_194 = arith.constant 0 : i32
      %dma_wait3A_195 = tpu.memref_slice %arg26[%add3A_175, %dma_wait3A_194] : memref<10240x128xf32, #tpu.memory_space<vmem_shared>> -> memref<32x128xf32, #tpu.memory_space<vmem_shared>>
      %dma_wait3A_196 = arith.constant 0 : i32
      %dma_wait3A_197 = tpu.memref_slice %arg26[%add3A_175, %dma_wait3A_196] : memref<10240x128xf32, #tpu.memory_space<vmem_shared>> -> memref<32x128xf32, #tpu.memory_space<vmem_shared>>
      tpu.wait_dma2 semaphore(%run_scoped3A : memref<!tpu.dma_semaphore, #tpu.memory_space<semaphore_mem>>) src(%dma_wait3A_197 : memref<32x128xf32, #tpu.memory_space<vmem_shared>>) dst(%arg8 : memref<32x128xf32, #tpu.memory_space<vmem>>)
      tpu.yield
    }) : () -> ()
    "tpu.region"() ({
      %run_scoped3A = tpu.sem_alloc : memref<!tpu.dma_semaphore, #tpu.memory_space<semaphore_mem>>
      %dma_start3A_190 = arith.constant 0 : i32
      %dma_start3A_191 = tpu.memref_slice %arg6[%arg0, %add3A_175, %dma_start3A_190] : memref<2x10240x128xf32, #tpu.memory_space<hbm>> -> memref<1x32x128xf32, #tpu.memory_space<hbm>>
      %dma_start3A_192 = tpu.memref_squeeze %dma_start3A_191 : memref<1x32x128xf32, #tpu.memory_space<hbm>> -> memref<32x128xf32, #tpu.memory_space<hbm>>
      %dma_start3A_193 = arith.constant 0 : i32
      %dma_start3A_194 = tpu.memref_slice %arg6[%arg0, %add3A_175, %dma_start3A_193] : memref<2x10240x128xf32, #tpu.memory_space<hbm>> -> memref<1x32x128xf32, #tpu.memory_space<hbm>>
      %dma_start3A_195 = tpu.memref_squeeze %dma_start3A_194 : memref<1x32x128xf32, #tpu.memory_space<hbm>> -> memref<32x128xf32, #tpu.memory_space<hbm>>
      tpu.enqueue_dma source(%arg8 : memref<32x128xf32, #tpu.memory_space<vmem>>) target(%dma_start3A_195 : memref<32x128xf32, #tpu.memory_space<hbm>>) target_semaphore(%run_scoped3A : memref<!tpu.dma_semaphore, #tpu.memory_space<semaphore_mem>>)
      %dma_wait3A_196 = arith.constant 0 : i32
      %dma_wait3A_197 = tpu.memref_slice %arg6[%arg0, %add3A_175, %dma_wait3A_196] : memref<2x10240x128xf32, #tpu.memory_space<hbm>> -> memref<1x32x128xf32, #tpu.memory_space<hbm>>
      %dma_wait3A_198 = tpu.memref_squeeze %dma_wait3A_197 : memref<1x32x128xf32, #tpu.memory_space<hbm>> -> memref<32x128xf32, #tpu.memory_space<hbm>>
      %dma_wait3A_199 = arith.constant 0 : i32
      %dma_wait3A_200 = tpu.memref_slice %arg6[%arg0, %add3A_175, %dma_wait3A_199] : memref<2x10240x128xf32, #tpu.memory_space<hbm>> -> memref<1x32x128xf32, #tpu.memory_space<hbm>>
      %dma_wait3A_201 = tpu.memref_squeeze %dma_wait3A_200 : memref<1x32x128xf32, #tpu.memory_space<hbm>> -> memref<32x128xf32, #tpu.memory_space<hbm>>
      tpu.wait_dma2 semaphore(%run_scoped3A : memref<!tpu.dma_semaphore, #tpu.memory_space<semaphore_mem>>) src(%arg8 : memref<32x128xf32, #tpu.memory_space<vmem>>) dst(%dma_wait3A_201 : memref<32x128xf32, #tpu.memory_space<hbm>>)
      tpu.yield
    }) : () -> ()
    %add3A_176 = arith.constant 608 : i32
    %add3A_177 = arith.addi %mul3A_25, %add3A_176 : i32
    "tpu.region"() ({
      %run_scoped3A = tpu.sem_alloc : memref<!tpu.dma_semaphore, #tpu.memory_space<semaphore_mem>>
      %dma_start3A_190 = arith.constant 0 : i32
      %dma_start3A_191 = tpu.memref_slice %arg26[%add3A_177, %dma_start3A_190] : memref<10240x128xf32, #tpu.memory_space<vmem_shared>> -> memref<32x128xf32, #tpu.memory_space<vmem_shared>>
      %dma_start3A_192 = arith.constant 0 : i32
      %dma_start3A_193 = tpu.memref_slice %arg26[%add3A_177, %dma_start3A_192] : memref<10240x128xf32, #tpu.memory_space<vmem_shared>> -> memref<32x128xf32, #tpu.memory_space<vmem_shared>>
      tpu.enqueue_dma source(%dma_start3A_193 : memref<32x128xf32, #tpu.memory_space<vmem_shared>>) target(%arg8 : memref<32x128xf32, #tpu.memory_space<vmem>>) target_semaphore(%run_scoped3A : memref<!tpu.dma_semaphore, #tpu.memory_space<semaphore_mem>>)
      %dma_wait3A_194 = arith.constant 0 : i32
      %dma_wait3A_195 = tpu.memref_slice %arg26[%add3A_177, %dma_wait3A_194] : memref<10240x128xf32, #tpu.memory_space<vmem_shared>> -> memref<32x128xf32, #tpu.memory_space<vmem_shared>>
      %dma_wait3A_196 = arith.constant 0 : i32
      %dma_wait3A_197 = tpu.memref_slice %arg26[%add3A_177, %dma_wait3A_196] : memref<10240x128xf32, #tpu.memory_space<vmem_shared>> -> memref<32x128xf32, #tpu.memory_space<vmem_shared>>
      tpu.wait_dma2 semaphore(%run_scoped3A : memref<!tpu.dma_semaphore, #tpu.memory_space<semaphore_mem>>) src(%dma_wait3A_197 : memref<32x128xf32, #tpu.memory_space<vmem_shared>>) dst(%arg8 : memref<32x128xf32, #tpu.memory_space<vmem>>)
      tpu.yield
    }) : () -> ()
    "tpu.region"() ({
      %run_scoped3A = tpu.sem_alloc : memref<!tpu.dma_semaphore, #tpu.memory_space<semaphore_mem>>
      %dma_start3A_190 = arith.constant 0 : i32
      %dma_start3A_191 = tpu.memref_slice %arg6[%arg0, %add3A_177, %dma_start3A_190] : memref<2x10240x128xf32, #tpu.memory_space<hbm>> -> memref<1x32x128xf32, #tpu.memory_space<hbm>>
      %dma_start3A_192 = tpu.memref_squeeze %dma_start3A_191 : memref<1x32x128xf32, #tpu.memory_space<hbm>> -> memref<32x128xf32, #tpu.memory_space<hbm>>
      %dma_start3A_193 = arith.constant 0 : i32
      %dma_start3A_194 = tpu.memref_slice %arg6[%arg0, %add3A_177, %dma_start3A_193] : memref<2x10240x128xf32, #tpu.memory_space<hbm>> -> memref<1x32x128xf32, #tpu.memory_space<hbm>>
      %dma_start3A_195 = tpu.memref_squeeze %dma_start3A_194 : memref<1x32x128xf32, #tpu.memory_space<hbm>> -> memref<32x128xf32, #tpu.memory_space<hbm>>
      tpu.enqueue_dma source(%arg8 : memref<32x128xf32, #tpu.memory_space<vmem>>) target(%dma_start3A_195 : memref<32x128xf32, #tpu.memory_space<hbm>>) target_semaphore(%run_scoped3A : memref<!tpu.dma_semaphore, #tpu.memory_space<semaphore_mem>>)
      %dma_wait3A_196 = arith.constant 0 : i32
      %dma_wait3A_197 = tpu.memref_slice %arg6[%arg0, %add3A_177, %dma_wait3A_196] : memref<2x10240x128xf32, #tpu.memory_space<hbm>> -> memref<1x32x128xf32, #tpu.memory_space<hbm>>
      %dma_wait3A_198 = tpu.memref_squeeze %dma_wait3A_197 : memref<1x32x128xf32, #tpu.memory_space<hbm>> -> memref<32x128xf32, #tpu.memory_space<hbm>>
      %dma_wait3A_199 = arith.constant 0 : i32
      %dma_wait3A_200 = tpu.memref_slice %arg6[%arg0, %add3A_177, %dma_wait3A_199] : memref<2x10240x128xf32, #tpu.memory_space<hbm>> -> memref<1x32x128xf32, #tpu.memory_space<hbm>>
      %dma_wait3A_201 = tpu.memref_squeeze %dma_wait3A_200 : memref<1x32x128xf32, #tpu.memory_space<hbm>> -> memref<32x128xf32, #tpu.memory_space<hbm>>
      tpu.wait_dma2 semaphore(%run_scoped3A : memref<!tpu.dma_semaphore, #tpu.memory_space<semaphore_mem>>) src(%arg8 : memref<32x128xf32, #tpu.memory_space<vmem>>) dst(%dma_wait3A_201 : memref<32x128xf32, #tpu.memory_space<hbm>>)
      tpu.yield
    }) : () -> ()
    %add3A_178 = arith.constant 0 : i32
    %add3A_179 = arith.addi %mul3A_67, %add3A_178 : i32
    "tpu.region"() ({
      %run_scoped3A = tpu.sem_alloc : memref<!tpu.dma_semaphore, #tpu.memory_space<semaphore_mem>>
      %dma_start3A_190 = arith.constant 0 : i32
      %dma_start3A_191 = tpu.memref_slice %arg27[%add3A_179, %dma_start3A_190] : memref<1280x128xf32, #tpu.memory_space<vmem_shared>> -> memref<32x128xf32, #tpu.memory_space<vmem_shared>>
      %dma_start3A_192 = arith.constant 0 : i32
      %dma_start3A_193 = tpu.memref_slice %arg27[%add3A_179, %dma_start3A_192] : memref<1280x128xf32, #tpu.memory_space<vmem_shared>> -> memref<32x128xf32, #tpu.memory_space<vmem_shared>>
      tpu.enqueue_dma source(%dma_start3A_193 : memref<32x128xf32, #tpu.memory_space<vmem_shared>>) target(%arg14 : memref<32x128xf32, #tpu.memory_space<vmem>>) target_semaphore(%run_scoped3A : memref<!tpu.dma_semaphore, #tpu.memory_space<semaphore_mem>>)
      %dma_wait3A_194 = arith.constant 0 : i32
      %dma_wait3A_195 = tpu.memref_slice %arg27[%add3A_179, %dma_wait3A_194] : memref<1280x128xf32, #tpu.memory_space<vmem_shared>> -> memref<32x128xf32, #tpu.memory_space<vmem_shared>>
      %dma_wait3A_196 = arith.constant 0 : i32
      %dma_wait3A_197 = tpu.memref_slice %arg27[%add3A_179, %dma_wait3A_196] : memref<1280x128xf32, #tpu.memory_space<vmem_shared>> -> memref<32x128xf32, #tpu.memory_space<vmem_shared>>
      tpu.wait_dma2 semaphore(%run_scoped3A : memref<!tpu.dma_semaphore, #tpu.memory_space<semaphore_mem>>) src(%dma_wait3A_197 : memref<32x128xf32, #tpu.memory_space<vmem_shared>>) dst(%arg14 : memref<32x128xf32, #tpu.memory_space<vmem>>)
      tpu.yield
    }) : () -> ()
    %add3A_180 = arith.constant 0 : i32
    %add3A_181 = arith.addi %mul3A_67, %add3A_180 : i32
    "tpu.region"() ({
      %run_scoped3A = tpu.sem_alloc : memref<!tpu.dma_semaphore, #tpu.memory_space<semaphore_mem>>
      %dma_start3A_190 = arith.constant 0 : i32
      %dma_start3A_191 = tpu.memref_slice %arg7[%arg0, %add3A_181, %dma_start3A_190] : memref<2x1280x128xf32, #tpu.memory_space<hbm>> -> memref<1x32x128xf32, #tpu.memory_space<hbm>>
      %dma_start3A_192 = tpu.memref_squeeze %dma_start3A_191 : memref<1x32x128xf32, #tpu.memory_space<hbm>> -> memref<32x128xf32, #tpu.memory_space<hbm>>
      %dma_start3A_193 = arith.constant 0 : i32
      %dma_start3A_194 = tpu.memref_slice %arg7[%arg0, %add3A_181, %dma_start3A_193] : memref<2x1280x128xf32, #tpu.memory_space<hbm>> -> memref<1x32x128xf32, #tpu.memory_space<hbm>>
      %dma_start3A_195 = tpu.memref_squeeze %dma_start3A_194 : memref<1x32x128xf32, #tpu.memory_space<hbm>> -> memref<32x128xf32, #tpu.memory_space<hbm>>
      tpu.enqueue_dma source(%arg14 : memref<32x128xf32, #tpu.memory_space<vmem>>) target(%dma_start3A_195 : memref<32x128xf32, #tpu.memory_space<hbm>>) target_semaphore(%run_scoped3A : memref<!tpu.dma_semaphore, #tpu.memory_space<semaphore_mem>>)
      %dma_wait3A_196 = arith.constant 0 : i32
      %dma_wait3A_197 = tpu.memref_slice %arg7[%arg0, %add3A_181, %dma_wait3A_196] : memref<2x1280x128xf32, #tpu.memory_space<hbm>> -> memref<1x32x128xf32, #tpu.memory_space<hbm>>
      %dma_wait3A_198 = tpu.memref_squeeze %dma_wait3A_197 : memref<1x32x128xf32, #tpu.memory_space<hbm>> -> memref<32x128xf32, #tpu.memory_space<hbm>>
      %dma_wait3A_199 = arith.constant 0 : i32
      %dma_wait3A_200 = tpu.memref_slice %arg7[%arg0, %add3A_181, %dma_wait3A_199] : memref<2x1280x128xf32, #tpu.memory_space<hbm>> -> memref<1x32x128xf32, #tpu.memory_space<hbm>>
      %dma_wait3A_201 = tpu.memref_squeeze %dma_wait3A_200 : memref<1x32x128xf32, #tpu.memory_space<hbm>> -> memref<32x128xf32, #tpu.memory_space<hbm>>
      tpu.wait_dma2 semaphore(%run_scoped3A : memref<!tpu.dma_semaphore, #tpu.memory_space<semaphore_mem>>) src(%arg14 : memref<32x128xf32, #tpu.memory_space<vmem>>) dst(%dma_wait3A_201 : memref<32x128xf32, #tpu.memory_space<hbm>>)
      tpu.yield
    }) : () -> ()
    %add3A_182 = arith.constant 24 : i32
    %add3A_183 = arith.addi %mul3A_67, %add3A_182 : i32
    "tpu.region"() ({
      %run_scoped3A = tpu.sem_alloc : memref<!tpu.dma_semaphore, #tpu.memory_space<semaphore_mem>>
      %dma_start3A_190 = arith.constant 0 : i32
      %dma_start3A_191 = tpu.memref_slice %arg27[%add3A_183, %dma_start3A_190] : memref<1280x128xf32, #tpu.memory_space<vmem_shared>> -> memref<32x128xf32, #tpu.memory_space<vmem_shared>>
      %dma_start3A_192 = arith.constant 0 : i32
      %dma_start3A_193 = tpu.memref_slice %arg27[%add3A_183, %dma_start3A_192] : memref<1280x128xf32, #tpu.memory_space<vmem_shared>> -> memref<32x128xf32, #tpu.memory_space<vmem_shared>>
      tpu.enqueue_dma source(%dma_start3A_193 : memref<32x128xf32, #tpu.memory_space<vmem_shared>>) target(%arg14 : memref<32x128xf32, #tpu.memory_space<vmem>>) target_semaphore(%run_scoped3A : memref<!tpu.dma_semaphore, #tpu.memory_space<semaphore_mem>>)
      %dma_wait3A_194 = arith.constant 0 : i32
      %dma_wait3A_195 = tpu.memref_slice %arg27[%add3A_183, %dma_wait3A_194] : memref<1280x128xf32, #tpu.memory_space<vmem_shared>> -> memref<32x128xf32, #tpu.memory_space<vmem_shared>>
      %dma_wait3A_196 = arith.constant 0 : i32
      %dma_wait3A_197 = tpu.memref_slice %arg27[%add3A_183, %dma_wait3A_196] : memref<1280x128xf32, #tpu.memory_space<vmem_shared>> -> memref<32x128xf32, #tpu.memory_space<vmem_shared>>
      tpu.wait_dma2 semaphore(%run_scoped3A : memref<!tpu.dma_semaphore, #tpu.memory_space<semaphore_mem>>) src(%dma_wait3A_197 : memref<32x128xf32, #tpu.memory_space<vmem_shared>>) dst(%arg14 : memref<32x128xf32, #tpu.memory_space<vmem>>)
      tpu.yield
    }) : () -> ()
    %add3A_184 = arith.constant 24 : i32
    %add3A_185 = arith.addi %mul3A_67, %add3A_184 : i32
    "tpu.region"() ({
      %run_scoped3A = tpu.sem_alloc : memref<!tpu.dma_semaphore, #tpu.memory_space<semaphore_mem>>
      %dma_start3A_190 = arith.constant 0 : i32
      %dma_start3A_191 = tpu.memref_slice %arg7[%arg0, %add3A_185, %dma_start3A_190] : memref<2x1280x128xf32, #tpu.memory_space<hbm>> -> memref<1x32x128xf32, #tpu.memory_space<hbm>>
      %dma_start3A_192 = tpu.memref_squeeze %dma_start3A_191 : memref<1x32x128xf32, #tpu.memory_space<hbm>> -> memref<32x128xf32, #tpu.memory_space<hbm>>
      %dma_start3A_193 = arith.constant 0 : i32
      %dma_start3A_194 = tpu.memref_slice %arg7[%arg0, %add3A_185, %dma_start3A_193] : memref<2x1280x128xf32, #tpu.memory_space<hbm>> -> memref<1x32x128xf32, #tpu.memory_space<hbm>>
      %dma_start3A_195 = tpu.memref_squeeze %dma_start3A_194 : memref<1x32x128xf32, #tpu.memory_space<hbm>> -> memref<32x128xf32, #tpu.memory_space<hbm>>
      tpu.enqueue_dma source(%arg14 : memref<32x128xf32, #tpu.memory_space<vmem>>) target(%dma_start3A_195 : memref<32x128xf32, #tpu.memory_space<hbm>>) target_semaphore(%run_scoped3A : memref<!tpu.dma_semaphore, #tpu.memory_space<semaphore_mem>>)
      %dma_wait3A_196 = arith.constant 0 : i32
      %dma_wait3A_197 = tpu.memref_slice %arg7[%arg0, %add3A_185, %dma_wait3A_196] : memref<2x1280x128xf32, #tpu.memory_space<hbm>> -> memref<1x32x128xf32, #tpu.memory_space<hbm>>
      %dma_wait3A_198 = tpu.memref_squeeze %dma_wait3A_197 : memref<1x32x128xf32, #tpu.memory_space<hbm>> -> memref<32x128xf32, #tpu.memory_space<hbm>>
      %dma_wait3A_199 = arith.constant 0 : i32
      %dma_wait3A_200 = tpu.memref_slice %arg7[%arg0, %add3A_185, %dma_wait3A_199] : memref<2x1280x128xf32, #tpu.memory_space<hbm>> -> memref<1x32x128xf32, #tpu.memory_space<hbm>>
      %dma_wait3A_201 = tpu.memref_squeeze %dma_wait3A_200 : memref<1x32x128xf32, #tpu.memory_space<hbm>> -> memref<32x128xf32, #tpu.memory_space<hbm>>
      tpu.wait_dma2 semaphore(%run_scoped3A : memref<!tpu.dma_semaphore, #tpu.memory_space<semaphore_mem>>) src(%arg14 : memref<32x128xf32, #tpu.memory_space<vmem>>) dst(%dma_wait3A_201 : memref<32x128xf32, #tpu.memory_space<hbm>>)
      tpu.yield
    }) : () -> ()
    %add3A_186 = arith.constant 48 : i32
    %add3A_187 = arith.addi %mul3A_67, %add3A_186 : i32
    "tpu.region"() ({
      %run_scoped3A = tpu.sem_alloc : memref<!tpu.dma_semaphore, #tpu.memory_space<semaphore_mem>>
      %dma_start3A_190 = arith.constant 0 : i32
      %dma_start3A_191 = tpu.memref_slice %arg27[%add3A_187, %dma_start3A_190] : memref<1280x128xf32, #tpu.memory_space<vmem_shared>> -> memref<32x128xf32, #tpu.memory_space<vmem_shared>>
      %dma_start3A_192 = arith.constant 0 : i32
      %dma_start3A_193 = tpu.memref_slice %arg27[%add3A_187, %dma_start3A_192] : memref<1280x128xf32, #tpu.memory_space<vmem_shared>> -> memref<32x128xf32, #tpu.memory_space<vmem_shared>>
      tpu.enqueue_dma source(%dma_start3A_193 : memref<32x128xf32, #tpu.memory_space<vmem_shared>>) target(%arg14 : memref<32x128xf32, #tpu.memory_space<vmem>>) target_semaphore(%run_scoped3A : memref<!tpu.dma_semaphore, #tpu.memory_space<semaphore_mem>>)
      %dma_wait3A_194 = arith.constant 0 : i32
      %dma_wait3A_195 = tpu.memref_slice %arg27[%add3A_187, %dma_wait3A_194] : memref<1280x128xf32, #tpu.memory_space<vmem_shared>> -> memref<32x128xf32, #tpu.memory_space<vmem_shared>>
      %dma_wait3A_196 = arith.constant 0 : i32
      %dma_wait3A_197 = tpu.memref_slice %arg27[%add3A_187, %dma_wait3A_196] : memref<1280x128xf32, #tpu.memory_space<vmem_shared>> -> memref<32x128xf32, #tpu.memory_space<vmem_shared>>
      tpu.wait_dma2 semaphore(%run_scoped3A : memref<!tpu.dma_semaphore, #tpu.memory_space<semaphore_mem>>) src(%dma_wait3A_197 : memref<32x128xf32, #tpu.memory_space<vmem_shared>>) dst(%arg14 : memref<32x128xf32, #tpu.memory_space<vmem>>)
      tpu.yield
    }) : () -> ()
    %add3A_188 = arith.constant 48 : i32
    %add3A_189 = arith.addi %mul3A_67, %add3A_188 : i32
    "tpu.region"() ({
      %run_scoped3A = tpu.sem_alloc : memref<!tpu.dma_semaphore, #tpu.memory_space<semaphore_mem>>
      %dma_start3A_190 = arith.constant 0 : i32
      %dma_start3A_191 = tpu.memref_slice %arg7[%arg0, %add3A_189, %dma_start3A_190] : memref<2x1280x128xf32, #tpu.memory_space<hbm>> -> memref<1x32x128xf32, #tpu.memory_space<hbm>>
      %dma_start3A_192 = tpu.memref_squeeze %dma_start3A_191 : memref<1x32x128xf32, #tpu.memory_space<hbm>> -> memref<32x128xf32, #tpu.memory_space<hbm>>
      %dma_start3A_193 = arith.constant 0 : i32
      %dma_start3A_194 = tpu.memref_slice %arg7[%arg0, %add3A_189, %dma_start3A_193] : memref<2x1280x128xf32, #tpu.memory_space<hbm>> -> memref<1x32x128xf32, #tpu.memory_space<hbm>>
      %dma_start3A_195 = tpu.memref_squeeze %dma_start3A_194 : memref<1x32x128xf32, #tpu.memory_space<hbm>> -> memref<32x128xf32, #tpu.memory_space<hbm>>
      tpu.enqueue_dma source(%arg14 : memref<32x128xf32, #tpu.memory_space<vmem>>) target(%dma_start3A_195 : memref<32x128xf32, #tpu.memory_space<hbm>>) target_semaphore(%run_scoped3A : memref<!tpu.dma_semaphore, #tpu.memory_space<semaphore_mem>>)
      %dma_wait3A_196 = arith.constant 0 : i32
      %dma_wait3A_197 = tpu.memref_slice %arg7[%arg0, %add3A_189, %dma_wait3A_196] : memref<2x1280x128xf32, #tpu.memory_space<hbm>> -> memref<1x32x128xf32, #tpu.memory_space<hbm>>
      %dma_wait3A_198 = tpu.memref_squeeze %dma_wait3A_197 : memref<1x32x128xf32, #tpu.memory_space<hbm>> -> memref<32x128xf32, #tpu.memory_space<hbm>>
      %dma_wait3A_199 = arith.constant 0 : i32
      %dma_wait3A_200 = tpu.memref_slice %arg7[%arg0, %add3A_189, %dma_wait3A_199] : memref<2x1280x128xf32, #tpu.memory_space<hbm>> -> memref<1x32x128xf32, #tpu.memory_space<hbm>>
      %dma_wait3A_201 = tpu.memref_squeeze %dma_wait3A_200 : memref<1x32x128xf32, #tpu.memory_space<hbm>> -> memref<32x128xf32, #tpu.memory_space<hbm>>
      tpu.wait_dma2 semaphore(%run_scoped3A : memref<!tpu.dma_semaphore, #tpu.memory_space<semaphore_mem>>) src(%arg14 : memref<32x128xf32, #tpu.memory_space<vmem>>) dst(%dma_wait3A_201 : memref<32x128xf32, #tpu.memory_space<hbm>>)
      tpu.yield
    }) : () -> ()
    return
  }
}

</mosaic_0001>

<sc_bundles>
// kernel: _sc_edge.3.cloned.1.call-start
scs
__scs_entry_jumppad:
0x0: {  	(pc) =	sbr.rel $0x88, $3  }
0x1: {  	(tag) =	ssettag $0x0;
	lr =	simm.s32 $0x1  }
0x2: {  	[smem:$0x3F9D] =	sst lr;
	_ =	strace $0xD0000000  }
0x3: {  	_ = 	snop  }
0x4: {  	_ = 	snop  }
0x5: {  	_ = 	snop  }
0x6: {  	_ = 	snop  }
0x7: {  	_ = 	snop  }
__scs_overlays_trampoline_lowered:
0x8: {  	[smem:$0x3FAC] =	sst s0  }
0x9: {  	[smem:$0x3FAD] =	sst s1  }
0xa: {  	[smem:$0x3FAE] =	sst s2  }
0xb: {  	[smem:$0x3FAF] =	sst s3  }
0xc: {  	[smem:$0x3FB0] =	sst s4  }
0xd: {  	[smem:$0x3FB1] =	sst s5  }
0xe: {  	[smem:$0x3FB2] =	sst s6  }
0xf: {  	[smem:$0x3FB3] =	sst s7  }
0x10: {  	[smem:$0x3FB4] =	sst s8  }
0x11: {  	[smem:$0x3FB5] =	sst s9;
	s0 =	simm.s32 @!p0 $0x0  }
0x12: {  	s1 =	sld [smem:$0x3F9B];
	s0 =	simm.s32 @p0 $0x1  }
0x13: {  	[smem:$0x3FB6] =	sst s0;
	s0 =	simm.s32 @!p1 $0x0  }
0x14: {  	s2 =	sld [smem:$0x3F9A];
	s0 =	simm.s32 @p1 $0x1  }
0x15: {  	[smem:$0x3FB7] =	sst s0;
	s0 =	simm.s32 @!p2 $0x0  }
0x16: {  	s3 =	sld [smem:$0x3FDB];
	s0 =	simm.s32 @p2 $0x1  }
0x17: {  	s4 =	simm.s32 $0x1BF5;
	[smem:$0x3FB9] =	sst s0  }
0x18: {  	s0 =	sld [smem:$0x3F9C];
	_ =	swait.ge [sflag:s4], $0x0  }
0x19: {  	s7 =	sld [smem:$0x3F9D]  }
0x1a: {  	s8 =	sadd.s32 $0xFFFFE003, lr  }
0x1b: {  	s9 =	sadd.s32 $0xFFFFFEF7, lr;
	s5 =	simm.s32 $0xFFFFFFFF;
	p2 =	slt.u32 s8, $0xFFFFF086  }
0x1c: {  	p1 =	slt.u32 s9, $0xF7A;
	s5 =	simm.s32 @!p2 $0x0  }
0x1d: {  	s5 =	simm.s32 @p1 $0x1;
	p0 =	seq.s32 s7, s2  }
0x1e: {  	s7 =	smul.u32 @!p0 $0xF7A, s2;
	p2 =	seq.s32 @!p0 s5, $0x0  }
0x1f: {  	s9 =	smul.u32 $0xF7A, s1;
	s8 =	simm.s32 @!p0 $0x1BF5;
	p2 =	por !p2, p0  }
0x20: {  	[sflag:s8] =	ssyncset.s32 @!p0 $0xFFFFF086;
	s6 =	sadd.s32 @!p0 s3, s7;
	s7 =	simm.s32 @!p0 $0x108  }
0x21: {  	s3 =	sadd.s32 s3, s9;
	s6 =	sadd.s32 @!p0 $0x88, s6;
	s7 =	simm.s32 @p2 $0x1082  }
0x22: {  	[simem:s7], [sflag:s8] =	dma.local @!p0 [hbm:s6], $0xF7A  }
0x23: {  	s9 =	sor.u32 $0xD0000000, s2;
	s6 =	simm.s32 $0x108;
	_ =	swait.ge @!p0 [sflag:s8], $0x0  }
0x24: {  	s3 =	sadd.s32 $0x88, s3;
	s6 =	simm.s32 @!p1 $0x1082;
	[sflag:s4] =	ssyncset.s32 $0xFFFFF086  }
0x25: {  	[simem:s6], [sflag:s4] =	dma.local [hbm:s3], $0xF7A  }
0x26: {  	[smem:$0x3F9D] =	sst s1;
	(tag) =	ssettag s2;
	_ =	strace s9  }
0x27: {  	s1 =	sld [smem:$0x3FAD]  }
0x28: {  	s2 =	sld [smem:$0x3FAE]  }
0x29: {  	s4 =	sld [smem:$0x3FB0]  }
0x2a: {  	p0 =	seq.s32 s5, $0x0;
	s5 =	sld [smem:$0x3FB1]  }
0x2b: {  	s6 =	sld [smem:$0x3FB2]  }
0x2c: {  	s7 =	sld [smem:$0x3FB3]  }
0x2d: {  	s3 =	simm.s32 $0x108;
	s8 =	sld [smem:$0x3FB4]  }
0x2e: {  	s3 =	simm.s32 @!p0 $0x1082;
	s9 =	sld [smem:$0x3FB5]  }
0x2f: {  	lr =	sadd.s32 s0, s3;
	s0 =	sld [smem:$0x3FAC]  }
0x30: {  	s3 =	sld [smem:$0x3FAF]  }
0x31: {  	[smem:$0x3FB8] =	sst s10  }
0x32: {  	s10 =	sld [smem:$0x3FB6];
	_ =	sdelay $0x3  }
0x33: {  	p0 =	seq.s32 s10, $0x1;
	s10 =	sld [smem:$0x3FB8];
	_ =	sdelay $0x3  }
0x34: {  	[smem:$0x3FB8] =	sst s10  }
0x35: {  	s10 =	sld [smem:$0x3FB7];
	_ =	sdelay $0x3  }
0x36: {  	p1 =	seq.s32 s10, $0x1;
	s10 =	sld [smem:$0x3FB8];
	_ =	sdelay $0x3  }
0x37: {  	[smem:$0x3FB8] =	sst s10  }
0x38: {  	s10 =	sld [smem:$0x3FB9]  }
0x39: {  	_ = 	snop;
	(pc) =	sbr.ind lr, $3  }
0x3a: {  	_ = 	snop  }
0x3b: {  	_ = 	snop  }
0x3c: {  	p2 =	seq.s32 s10, $0x1;
	s10 =	sld [smem:$0x3FB8]  }
0x3d: {  	_ =	shalt  }
0x3e: {  	_ =	shalt  }
0x3f: {  	_ =	shalt  }
0x40: {  	_ =	shalt  }
0x41: {  	_ =	shalt  }
0x42: {  	_ =	shalt  }
0x43: {  	_ =	shalt  }
0x44: {  	_ =	shalt  }
0x45: {  	_ =	shalt  }
0x46: {  	_ =	shalt  }
0x47: {  	_ =	shalt  }
0x48: {  	_ =	shalt  }
0x49: {  	_ =	shalt  }
0x4a: {  	_ =	shalt  }
0x4b: {  	_ =	shalt  }
0x4c: {  	_ =	shalt  }
0x4d: {  	_ =	shalt  }
0x4e: {  	_ =	shalt  }
0x4f: {  	_ =	shalt  }
0x50: {  	_ =	shalt  }
0x51: {  	_ =	shalt  }
0x52: {  	_ =	shalt  }
0x53: {  	_ =	shalt  }
0x54: {  	_ =	shalt  }
0x55: {  	_ =	shalt  }
0x56: {  	_ =	shalt  }
0x57: {  	_ =	shalt  }
0x58: {  	_ =	shalt  }
0x59: {  	_ =	shalt  }
0x5a: {  	_ =	shalt  }
0x5b: {  	_ =	shalt  }
0x5c: {  	_ =	shalt  }
0x5d: {  	_ =	shalt  }
0x5e: {  	_ =	shalt  }
0x5f: {  	_ =	shalt  }
0x60: {  	_ =	shalt  }
0x61: {  	_ =	shalt  }
0x62: {  	_ =	shalt  }
0x63: {  	_ =	shalt  }
0x64: {  	_ =	shalt  }
0x65: {  	_ =	shalt  }
0x66: {  	_ =	shalt  }
0x67: {  	_ =	shalt  }
0x68: {  	_ =	shalt  }
0x69: {  	_ =	shalt  }
0x6a: {  	_ =	shalt  }
0x6b: {  	_ =	shalt  }
0x6c: {  	_ =	shalt  }
0x6d: {  	_ =	shalt  }
0x6e: {  	_ =	shalt  }
0x6f: {  	_ =	shalt  }
0x70: {  	_ =	shalt  }
0x71: {  	_ =	shalt  }
0x72: {  	_ =	shalt  }
0x73: {  	_ =	shalt  }
0x74: {  	_ =	shalt  }
0x75: {  	_ =	shalt  }
0x76: {  	_ =	shalt  }
0x77: {  	_ =	shalt  }
0x78: {  	_ =	shalt  }
0x79: {  	_ =	shalt  }
0x7a: {  	_ =	shalt  }
0x7b: {  	_ =	shalt  }
0x7c: {  	_ =	shalt  }
0x7d: {  	_ =	shalt  }
0x7e: {  	_ =	shalt  }
0x7f: {  	_ =	shalt  }
0x80: {  	_ =	shalt  }
0x81: {  	_ =	shalt  }
0x82: {  	_ =	shalt  }
0x83: {  	_ =	shalt  }
0x84: {  	_ =	shalt  }
0x85: {  	_ =	shalt  }
0x86: {  	_ =	shalt  }
0x87: {  	_ =	shalt  }
.Lfunc_end0:
.L_simem_size_0:
called_computation_lowered:
.L_overlay_start_0:
0x88: {  	s2 =	sld [smem:$0x3FD9]  }
0x89: {  	s3 =	sld [smem:$0x3FFE];
	_ =	sdelay $0x1  }
0x8a: {  	s1 =	srdreg.scid  }
0x8b: {  	s0 =	sand.u32 $0x1, s1  }
0x8c: {  	s15 =	sshll.u32 s0, $0xA;
	s2 =	sadd.s32 s3, s2  }
0x8d: {  	s2 =	sadd.s32 s2, s15  }
0x8e: {  	[smem:$0x3FC4] =	sst s2  }
0x8f: {  	_ = 	snop  }
0x90: {  	s2 =	sld [smem:$0x3FC9]  }
0x91: {  	s16 =	sld [smem:$0x3FD0]  }
0x92: {  	s4 =	sld [smem:$0x3FC8]  }
0x93: {  	s5 =	sld [smem:$0x3FC7]  }
0x94: {  	s7 =	simm.s32 $0xA;
	s8 =	simm.s32 $0x10;
	s6 =	sld [smem:$0x3FC6]  }
0x95: {  	[smem:s8], [sflag:s7] =	dma.local [hbm:s16], $0x1  }
0x96: {  	_ =	swait.eq [sflag:s7], $0x1  }
0x97: {  	[sflag:s7] =	ssyncset.done $0x0  }
0x98: {  	s17 =	sld [smem:$0x10];
	[sflag:s7] =	ssyncadd.s32 $0xFFFFFFFF  }
0x99: {  	s18 =	sld [smem:$0x11];
	(tm) =	ssettm $0x1  }
0x9a: {  	s19 =	sld [smem:$0x3FFB];
	_ =	sdelay $0x3  }
0x9b: {  	_ =	strace s19  }
0x9c: {  	s8 =	sld [smem:$0x3FFC];
	_ =	sdelay $0x3  }
0x9d: {  	_ =	strace s8  }
0x9e: {  	s8 =	sld [smem:$0x3FFD];
	_ =	sdelay $0x3  }
0x9f: {  	_ =	strace s8  }
0xa0: {  	_ =	strace $0x8FFFFFFF  }
0xa1: {  	s20 =	sld [smem:$0x3FDB];
	_ =	sdelay $0x1  }
0xa2: {  	s9 =	simm.s32 $_scs_section_size  }
0xa3: {  	s10 =	simm.s32 $_size__tile_overlayer_lowered;
	s11 =	simm.s32 $_tile_overlayer_lowered  }
0xa4: {  	s23 =	simm.s32 $0x1BFF;
	s22 =	sshll.u32 s11, $0x1;
	s8 =	sadd.s32 s9, s20  }
0xa5: {  	s12 =	simm.s32 $0x0;
	s21 =	sshll.u32 s10, $0x1;
	s10 =	sadd.s32 s22, s8  }
0xa6: {  	[timem:s12], [sflag:s23] =	dma.local [hbm:s10], s21  }
0xa7: {  	_ =	swait.ge [sflag:s23], s21  }
0xa8: {  	s9 =	ssub.s32 $0x0, s21;
	[sflag:s23] =	ssyncset.done $0x0  }
0xa9: {  	[sflag:s23] =	ssyncadd.s32 s9;
	_ =	sdelay $0x1  }
0xaa: {  	s24 =	simm.s32 $0x1B8B  }
0xab: {  	_ =	swait.ge [sflag:s24], $0x1  }
0xac: {  	[sflag:s24] =	ssyncset.done $0x0  }
0xad: {  	s25 =	simm.s32 $0x1B8E;
	[sflag:s24] =	ssyncadd.s32 $0xFFFFFFFF  }
0xae: {  	s26 =	simm.s32 $execute0_lowered;
	[smem:$0x3FD2] =	sst s25  }
0xaf: {  	s9 =	sshll.u32 s26, $0x1;
	_ =	strace $0x80000046;
	[dreg:$0x1] =	wrdreg $0xFFFFFFFF  }
0xb0: {  	s28 =	simm.s32 $_size_execute0_lowered;
	s8 =	sadd.s32 s8, s9;
	[dreg:$0x0] =	wrdreg $0x0  }
0xb1: {  	s9 =	sshll.u32 s28, $0x1;
	[dreg:$0x2] =	wrdreg s8  }
0xb2: {  	[dreg:$0x3] =	wrdreg s9  }
0xb3: {  	[dreg:$0x4] =	wrdreg $0xC0  }
0xb4: {  	_ =	task [dreg:s12], $0x5FFFF  }
0xb5: {  	[dreg:$0x1] =	wrdreg $0xFFFFFFFF  }
0xb6: {  	[dreg:$0x0] =	wrdreg $0x60  }
0xb7: {  	[dreg:$0x2] =	wrdreg s2  }
0xb8: {  	[dreg:$0x3] =	wrdreg s4  }
0xb9: {  	[dreg:$0x4] =	wrdreg s5  }
0xba: {  	[dreg:$0x5] =	wrdreg s6  }
0xbb: {  	[dreg:$0x6] =	wrdreg s17  }
0xbc: {  	[dreg:$0x7] =	wrdreg s18  }
0xbd: {  	[dreg:$0x8] =	wrdreg $0x85000  }
0xbe: {  	[dreg:$0x9] =	wrdreg $0x1C5000  }
0xbf: {  	[dreg:$0xa] =	wrdreg $0x9  }
0xc0: {  	_ =	task.clear_ibuf [dreg:s12], $0xBFFFF;
	_ =	strace $0x90000046  }
0xc1: {  	s29 =	simm.s32 $0x9;
	_ =	strace $0x80000048  }
0xc2: {  	_ =	swait.ge [sflag:s29], $0x1  }
0xc3: {  	[sflag:s29] =	ssyncadd.s32 $0xFFFFFFFF  }
0xc4: {  	_ =	strace $0x90000048  }
0xc5: {  	_ =	sfence  }
0xc6: {  	s30 =	sld [smem:$0x0];
	_ =	sdelay $0x2  }
0xc7: {  	s31 =	sshll.u32 s1, $0xD;
	s1 =	sshrl.u32 s1, $0x2  }
0xc8: {  	s3 =	sand.u32 $0x4000, s31;
	s1 =	sadd.s32 s1, s30  }
0xc9: {  	s0 =	sor.u32 s3, s0;
	s1 =	sshll.u32 s1, $0x11  }
0xca: {  	s0 =	sor.u32 s1, s0  }
0xcb: {  	s0 =	sadd.s32 $0x8F2B, s0  }
0xcc: {  	[sflag:s0] =	ssyncadd.remote.s32 $0x1  }
0xcd: {  	_ =	sfence.sel $0xFFFF  }
0xce: {  	[dreg:$0x0] =	wrdreg $0xFFFFFFFF;
	(pc) =	sbr.abs _section_cstart, $3  }
0xcf: {  	[dreg:$0x1] =	wrdreg $0xFFFFFFFF  }
0xd0: {  	_ =	task.clear_ibuf [dreg:s12], $0x2FFFF;
	_ =	strace $0x9FFFFFFF  }
0xd1: {  	(tm) =	ssettm $0x7FFFFFFF  }
tec
execute0_lowered:
.L_overlay_start_1:
0x0: {  	(tag) =	ssettag $0x1  }
0x1: {  	s0 =	srdreg.scid;
	s24 =	rddreg [dreg:$0x4]  }
0x2: {  	s29 =	stileid.u32;
	s2 =	simm.s32 $0x0;
	s30 =	rddreg [dreg:$0x2]  }
0x3: {  	s21 =	sand.u32 $0x1, s0;
	s18 =	smul.u32 $0x14000, s29;
	[smem:$0x7FF] =	sst s2  }
0x4: {  	s26 =	sshll.u32 s29, $0x1;
	s0 =	ssub.s32 $0x2, s21;
	s22 =	smul.u32 $0x140000, s21  }
0x5: {  	s1 =	sshrl.u32 s0, $0x1;
	s3 =	sor.u32 $0x1000, s18;
	s4 =	sor.u32 $0x2000, s18  }
0x6: {  	s5 =	sor.u32 $0x3000, s18;
	s6 =	sadd.s32 $0x4000, s18;
	s7 =	sadd.s32 $0x5000, s18  }
0x7: {  	s8 =	sadd.s32 $0x6000, s18;
	s9 =	sadd.s32 $0x7000, s18;
	s10 =	sadd.s32 $0x8000, s18  }
0x8: {  	s11 =	sadd.s32 $0x9000, s18;
	s12 =	sadd.s32 $0xA000, s18;
	s13 =	sadd.s32 $0xB000, s18  }
0x9: {  	s14 =	sadd.s32 $0xC000, s18;
	s15 =	sadd.s32 $0xD000, s18;
	s19 =	sadd.s32 $0xE000, s18  }
0xa: {  	s20 =	sadd.s32 $0xF000, s18;
	s16 =	sadd.s32 $0x10000, s18;
	s17 =	sadd.s32 $0x11000, s18  }
0xb: {  	s2 =	sadd.s32 $0x12000, s18;
	s0 =	ssub.s32 s0, s1;
	s1 =	sor.u32 s21, s26  }
0xc: {  	s23 =	sadd.s32 s18, s22;
	s18 =	sadd.s32 $0x13000, s18;
	s31 =	sadd.s32 s22, s3  }
0xd: {  	s25 =	sadd.s32 s22, s4;
	s26 =	sadd.s32 s22, s5;
	s23 =	sshrl.u32 s23, $0x3  }
0xe: {  	[smem:$0x7F9] =	sst s0;
	s25 =	sshrl.u32 s25, $0x3;
	s23 =	sadd.s32 s24, s23  }
0xf: {  	s0 =	sadd.s32 s24, s25;
	s25 =	sshrl.u32 s26, $0x3;
	[dreg:$0x9] =	wrdreg s23  }
0x10: {  	s26 =	sadd.s32 s22, s6;
	s23 =	sshrl.u32 s31, $0x3;
	[dreg:$0xb] =	wrdreg s0  }
0x11: {  	s31 =	sadd.s32 s22, s7;
	s0 =	sadd.s32 s22, s8;
	s23 =	sadd.s32 s24, s23  }
0x12: {  	[dreg:$0xa] =	wrdreg s23;
	s23 =	sadd.s32 s24, s25;
	s25 =	sshrl.u32 s31, $0x3  }
0x13: {  	[dreg:$0xc] =	wrdreg s23;
	s23 =	sshrl.u32 s26, $0x3;
	s31 =	sadd.s32 s24, s25  }
0x14: {  	s0 =	sshrl.u32 s0, $0x3;
	s23 =	sadd.s32 s24, s23;
	[dreg:$0xe] =	wrdreg s31  }
0x15: {  	s25 =	sadd.s32 s22, s9;
	[dreg:$0xd] =	wrdreg s23;
	s23 =	sadd.s32 s24, s0  }
0x16: {  	s26 =	sadd.s32 s22, s10;
	[dreg:$0xf] =	wrdreg s23;
	s23 =	sshrl.u32 s25, $0x3  }
0x17: {  	s31 =	sadd.s32 s22, s11;
	s25 =	sshrl.u32 s26, $0x3;
	s23 =	sadd.s32 s24, s23  }
0x18: {  	s26 =	sadd.s32 s22, s12;
	s0 =	sadd.s32 s24, s25;
	[dreg:$0x10] =	wrdreg s23  }
0x19: {  	s25 =	sshrl.u32 s31, $0x3;
	s31 =	sadd.s32 s22, s13;
	[dreg:$0x11] =	wrdreg s0  }
0x1a: {  	s23 =	sadd.s32 s24, s25;
	s25 =	sshrl.u32 s31, $0x3;
	s0 =	sadd.s32 s22, s14  }
0x1b: {  	[dreg:$0x12] =	wrdreg s23;
	s23 =	sshrl.u32 s26, $0x3;
	s31 =	sadd.s32 s24, s25  }
0x1c: {  	s0 =	sshrl.u32 s0, $0x3;
	s23 =	sadd.s32 s24, s23;
	[dreg:$0x14] =	wrdreg s31  }
0x1d: {  	s25 =	sadd.s32 s22, s15;
	[dreg:$0x13] =	wrdreg s23;
	s23 =	sadd.s32 s24, s0  }
0x1e: {  	s26 =	sadd.s32 s22, s19;
	[dreg:$0x15] =	wrdreg s23;
	s23 =	sshrl.u32 s25, $0x3  }
0x1f: {  	s31 =	sadd.s32 s22, s20;
	s25 =	sshrl.u32 s26, $0x3;
	s23 =	sadd.s32 s24, s23  }
0x20: {  	s26 =	sadd.s32 s22, s16;
	s0 =	sadd.s32 s24, s25;
	[dreg:$0x16] =	wrdreg s23  }
0x21: {  	s25 =	sshrl.u32 s31, $0x3;
	s31 =	sadd.s32 s22, s17;
	[dreg:$0x17] =	wrdreg s0  }
0x22: {  	s23 =	sadd.s32 s24, s25;
	s25 =	sshrl.u32 s31, $0x3;
	s0 =	sadd.s32 s22, s2  }
0x23: {  	s22 =	sadd.s32 s22, s18;
	[dreg:$0x18] =	wrdreg s23;
	s23 =	sshrl.u32 s26, $0x3  }
0x24: {  	s25 =	sadd.s32 s24, s25;
	s31 =	sshrl.u32 s0, $0x3;
	s26 =	rddreg [dreg:$0x5]  }
0x25: {  	s22 =	sshrl.u32 s22, $0x3;
	s23 =	sadd.s32 s24, s23;
	[dreg:$0x1a] =	wrdreg s25  }
0x26: {  	s0 =	smul.u32 $0x2800, s29;
	s22 =	sadd.s32 s24, s22;
	[dreg:$0x19] =	wrdreg s23  }
0x27: {  	s21 =	smul.u32 $0x28000, s21;
	[dreg:$0x1c] =	wrdreg s22  }
0x28: {  	s23 =	sadd.s32 s24, s31;
	s22 =	sadd.s32 $0xC00, s0;
	s31 =	rddreg [dreg:$0x3]  }
0x29: {  	s24 =	sadd.s32 $0x1800, s0;
	s25 =	sadd.s32 s0, s21;
	s0 =	rddreg [dreg:$0x6]  }
0x2a: {  	[dreg:$0x1b] =	wrdreg s23  }
0x2b: {  	s25 =	sshrl.u32 s25, $0x3;
	s28 =	sadd.s32 s21, s22;
	s21 =	sadd.s32 s21, s24  }
0x2c: {  	s23 =	rddreg [dreg:$0x1];
	s25 =	sadd.s32 s26, s25;
	s21 =	sshrl.u32 s21, $0x3  }
0x2d: {  	[dreg:$0x1d] =	wrdreg s25;
	s25 =	sshrl.u32 s28, $0x3;
	s21 =	sadd.s32 s26, s21  }
0x2e: {  	s25 =	sadd.s32 s26, s25;
	[dreg:$0x1f] =	wrdreg s21  }
0x2f: {  	[dreg:$0x1e] =	wrdreg s25  }
0x30: {  	s4 =	sadd.s32 s4, s0;
	s25 =	rddreg [dreg:$0x7]  }
0x31: {  	s5 =	sadd.s32 s5, s0;
	_ =	strace $0x80000047;
	[smem:$0x7E0] =	sst s4  }
0x32: {  	s6 =	sadd.s32 s6, s0;
	[smem:$0x7E1] =	sst s5  }
0x33: {  	s7 =	sadd.s32 s7, s0;
	[smem:$0x7E2] =	sst s6  }
0x34: {  	s28 =	smul.u32 $0x50000, s29;
	s21 =	sadd.s32 s8, s0;
	[smem:$0x7E3] =	sst s7  }
0x35: {  	s8 =	sadd.s32 s13, s0;
	s13 =	smul.u32 $0xA000, s29;
	[smem:$0x7E4] =	sst s21  }
0x36: {  	s29 =	sadd.s32 s16, s0;
	s16 =	sadd.s32 s2, s0;
	[smem:$0x7E9] =	sst s8  }
0x37: {  	s26 =	sshrl.u32 s28, $0x2;
	s28 =	sadd.s32 s3, s0;
	[smem:$0x7EF] =	sst s16  }
0x38: {  	[smem:$0x7FC] =	sst s28  }
0x39: {  	s4 =	sadd.s32 s9, s0;
	[smem:$0x7FD] =	sst s29  }
0x3a: {  	s5 =	sadd.s32 s10, s0;
	[smem:$0x7E5] =	sst s4  }
0x3b: {  	s6 =	sadd.s32 s11, s0;
	[smem:$0x7E6] =	sst s5  }
0x3c: {  	s2 =	smov.u32 s31;
	s7 =	sadd.s32 s12, s0;
	[smem:$0x7E7] =	sst s6  }
0x3d: {  	s3 =	simm.s32 $0x7;
	s9 =	sadd.s32 s14, s0;
	[smem:$0x7E8] =	sst s7  }
0x3e: {  	s26 =	sadd.s32 s26, s0;
	s10 =	sadd.s32 s15, s0;
	[smem:$0x7EA] =	sst s9  }
0x3f: {  	s11 =	sadd.s32 s19, s0;
	s12 =	sadd.s32 s20, s0;
	[smem:$0x7EB] =	sst s10  }
0x40: {  	s14 =	sadd.s32 s17, s0;
	s15 =	smul.u32 $0x2880, s1;
	[smem:$0x7EC] =	sst s11  }
0x41: {  	s0 =	sadd.s32 s18, s0;
	s17 =	sshrl.u32 s13, $0x2;
	[smem:$0x7ED] =	sst s12  }
0x42: {  	s18 =	sadd.s32 s22, s25;
	s20 =	sadd.s32 s24, s25;
	[smem:$0x7EE] =	sst s14  }
0x43: {  	s8 =	simm.s32 $0x20;
	s13 =	simm.s32 $0x8180;
	[smem:$0x7F0] =	sst s0  }
0x44: {  	s16 =	simm.s32 $0x5000;
	s1 =	simm.s32 $0x8480;
	[smem:$0x7F2] =	sst s18  }
0x45: {  	s0 =	sadd.s32 s17, s25;
	[smem:$0x7F3] =	sst s20;
	s4 =	simm.s32 $0x6000  }
0x46: {  	s5 =	simm.s32 $0x8000;
	s6 =	simm.s32 $0x8100;
	s7 =	simm.s32 $0x3  }
0x47: {  	s9 =	simm.s32 $0x2000;
	s10 =	simm.s32 $0x4000;
	s11 =	simm.s32 $0x1  }
0x48: {  	s12 =	simm.s32 $0x8080;
	s14 =	simm.s32 $0x4;
	[smem:$0x7FB] =	sst s26  }
0x49: {  	s17 =	simm.s32 $0x1000;
	[smem:$0x7F1] =	sst s0;
	s22 =	sadd.s32 $0x2860, s15  }
0x4a: {  	s18 =	simm.s32 $0x8300;
	s24 =	sor.u32 $0x20, s15;
	[smem:$0x7F6] =	sst s22  }
0x4b: {  	v0 =	vlaneseq.u32;
	s20 =	simm.s32 $0x8380;
	s19 =	sshrl.u32 s15, $0x3;
	[smem:$0x7F7] =	sst s24  }
0x4c: {  	v0 =	vmul.u32 $0x80, v0;
	s25 =	sor.u32 $0x40, s15;
	s0 =	sadd.s32 s31, s19;
	s31 =	sld [smem:$0x7F9]  }
0x4d: {  	v1 =	vimm.f32 $0.0e+00;
	s15 =	simm.s32 $0x3000;
	s21 =	sadd.s32 s30, s19;
	[smem:$0x7F8] =	sst s25  }
0x4e: {  	v2 =	vor.u32 $0x2, v0;
	v3 =	vor.u32 $0x1, v0;
	v4 =	vor.u32 $0x3, v0;
	s19 =	simm.s32 $0x8400;
	s22 =	simm.s32 $0x2;
	[smem:$0x7F4] =	sst s21  }
0x4f: {  	v5 =	vor.u32 $0x40, v0;
	v6 =	vor.u32 $0x800, v0;
	v7 =	vor.u32 $0x802, v0;
	s25 =	simm.s32 $0x7000;
	[smem:$0x7F5] =	sst s0;
	s0 =	smax.u32 s31, $0x1  }
0x50: {  	v8 =	vor.u32 $0x801, v0;
	v9 =	vor.u32 $0x803, v0;
	v10 =	vor.u32 $0x840, v0;
	s30 =	simm.s32 $0x5;
	s21 =	simm.s32 $0x0;
	[smem:$0x7FA] =	sst s0  }
.LBB2_1:
0x51: {  	[smem:$0x7DF] =	sst s21;
	s21 =	simm.s32 $0x0;
	s24 =	simm.s32 $0x200  }
.LBB2_2:
0x52: {  	p0 =	sne.s32 s24, $0x3E00;
	[tilespmem:s21+$0x70] =	vst v1  }
0x53: {  	[tilespmem:s21+$0x0] =	vst v1  }
0x54: {  	[tilespmem:s21+$0x10] =	vst v1  }
.Ltmp0:
0x55: {  	[tilespmem:s21+$0x20] =	vst v1;
	(pc) =	sbr.rel @p0 .LBB2_2-.Ltmp0, $4  }
0x56: {  	[tilespmem:s21+$0x30] =	vst v1  }
0x57: {  	[tilespmem:s21+$0x40] =	vst v1  }
0x58: {  	[tilespmem:s21+$0x50] =	vst v1  }
0x59: {  	[tilespmem:s21+$0x60] =	vst v1;
	s21 =	sshra.s32 s24, $0x2;
	s24 =	sadd.s32 $0x200, s24  }
0x5a: {  	[tilespmem:s21+$0x70] =	vst v1  }
0x5b: {  	[tilespmem:s21+$0x0] =	vst v1  }
0x5c: {  	[tilespmem:s21+$0x10] =	vst v1  }
0x5d: {  	[tilespmem:s21+$0x20] =	vst v1  }
0x5e: {  	[tilespmem:s21+$0x30] =	vst v1  }
0x5f: {  	[tilespmem:s21+$0x40] =	vst v1  }
0x60: {  	[tilespmem:s21+$0x50] =	vst v1  }
0x61: {  	[tilespmem:s21+$0x60] =	vst v1;
	s21 =	simm.s32 $0x0;
	s24 =	simm.s32 $0x200  }
.LBB2_4:
0x62: {  	p0 =	sne.s32 s24, $0x3E00;
	[tilespmem:s21+$0x6070] =	vst v1  }
0x63: {  	[tilespmem:s21+$0x6000] =	vst v1  }
0x64: {  	[tilespmem:s21+$0x6010] =	vst v1  }
.Ltmp1:
0x65: {  	[tilespmem:s21+$0x6020] =	vst v1;
	(pc) =	sbr.rel @p0 .LBB2_4-.Ltmp1, $4  }
0x66: {  	[tilespmem:s21+$0x6030] =	vst v1  }
0x67: {  	[tilespmem:s21+$0x6040] =	vst v1  }
0x68: {  	[tilespmem:s21+$0x6050] =	vst v1  }
0x69: {  	[tilespmem:s21+$0x6060] =	vst v1;
	s21 =	sshra.s32 s24, $0x2;
	s24 =	sadd.s32 $0x200, s24  }
0x6a: {  	[tilespmem:s21+$0x6070] =	vst v1  }
0x6b: {  	[tilespmem:s21+$0x6000] =	vst v1  }
0x6c: {  	[tilespmem:s21+$0x6010] =	vst v1  }
0x6d: {  	[tilespmem:s21+$0x6020] =	vst v1  }
0x6e: {  	[tilespmem:s21+$0x6030] =	vst v1  }
0x6f: {  	[tilespmem:s21+$0x6040] =	vst v1  }
0x70: {  	[tilespmem:s21+$0x6050] =	vst v1  }
0x71: {  	[tilespmem:s21+$0x6060] =	vst v1;
	s21 =	simm.s32 $0x0;
	s24 =	simm.s32 $0x200  }
.LBB2_6:
0x72: {  	p0 =	sne.s32 s24, $0x3E00;
	[tilespmem:s21+$0x7070] =	vst v1  }
0x73: {  	[tilespmem:s21+$0x7000] =	vst v1  }
0x74: {  	[tilespmem:s21+$0x7010] =	vst v1  }
.Ltmp2:
0x75: {  	[tilespmem:s21+$0x7020] =	vst v1;
	(pc) =	sbr.rel @p0 .LBB2_6-.Ltmp2, $4  }
0x76: {  	[tilespmem:s21+$0x7030] =	vst v1  }
0x77: {  	[tilespmem:s21+$0x7040] =	vst v1  }
0x78: {  	[tilespmem:s21+$0x7050] =	vst v1  }
0x79: {  	[tilespmem:s21+$0x7060] =	vst v1;
	s21 =	sshra.s32 s24, $0x2;
	s24 =	sadd.s32 $0x200, s24  }
0x7a: {  	[tilespmem:s21+$0x7070] =	vst v1  }
0x7b: {  	[tilespmem:s21+$0x7000] =	vst v1  }
0x7c: {  	[tilespmem:s21+$0x7010] =	vst v1  }
0x7d: {  	[tilespmem:s21+$0x7020] =	vst v1  }
0x7e: {  	[tilespmem:s21+$0x7030] =	vst v1  }
0x7f: {  	[tilespmem:s21+$0x7040] =	vst v1  }
0x80: {  	[tilespmem:s21+$0x7050] =	vst v1  }
0x81: {  	[tilespmem:s21+$0x7060] =	vst v1;
	s24 =	simm.s32 $0x0  }
0x82: {  	[spmem:s26] =	stream.linear.scatter [tilespmem:s24], [sflag:$0x7], $0x1000, $0x38;
	[tilespmem:$0x1ED00] =	vst v63  }
0x83: {  	_ =	swait.ge [sflag:s3], $0x1000  }
0x84: {  	[sflag:s3] =	ssyncset.done $0x0  }
0x85: {  	[sflag:s3] =	ssyncadd.s32 $0xFFFFF000  }
0x86: {  	[spmem:s28] =	stream.linear.scatter [tilespmem:s24], [sflag:$0x7], $0x1000, $0x38;
	[tilespmem:$0x1ED00] =	vst v63  }
0x87: {  	_ =	swait.ge [sflag:s3], $0x1000  }
0x88: {  	s0 =	sld [smem:$0x7E0]  }
0x89: {  	[sflag:s3] =	ssyncset.done $0x0  }
0x8a: {  	[sflag:s3] =	ssyncadd.s32 $0xFFFFF000  }
0x8b: {  	[spmem:s0] =	stream.linear.scatter [tilespmem:s24], [sflag:$0x7], $0x1000, $0x38;
	[tilespmem:$0x1ED00] =	vst v63  }
0x8c: {  	_ =	swait.ge [sflag:s3], $0x1000  }
0x8d: {  	s21 =	sld [smem:$0x7E1]  }
0x8e: {  	[sflag:s3] =	ssyncset.done $0x0  }
0x8f: {  	[sflag:s3] =	ssyncadd.s32 $0xFFFFF000  }
0x90: {  	[spmem:s21] =	stream.linear.scatter [tilespmem:s24], [sflag:$0x7], $0x1000, $0x38;
	[tilespmem:$0x1ED00] =	vst v63  }
0x91: {  	_ =	swait.ge [sflag:s3], $0x1000  }
0x92: {  	s26 =	sld [smem:$0x7E2]  }
0x93: {  	[sflag:s3] =	ssyncset.done $0x0  }
0x94: {  	[sflag:s3] =	ssyncadd.s32 $0xFFFFF000  }
0x95: {  	[spmem:s26] =	stream.linear.scatter [tilespmem:s24], [sflag:$0x7], $0x1000, $0x38;
	[tilespmem:$0x1ED00] =	vst v63  }
0x96: {  	_ =	swait.ge [sflag:s3], $0x1000  }
0x97: {  	s28 =	sld [smem:$0x7E3]  }
0x98: {  	[sflag:s3] =	ssyncset.done $0x0  }
0x99: {  	[sflag:s3] =	ssyncadd.s32 $0xFFFFF000  }
0x9a: {  	[spmem:s28] =	stream.linear.scatter [tilespmem:s24], [sflag:$0x7], $0x1000, $0x38;
	[tilespmem:$0x1ED00] =	vst v63  }
0x9b: {  	_ =	swait.ge [sflag:s3], $0x1000  }
0x9c: {  	s31 =	sld [smem:$0x7E4]  }
0x9d: {  	[sflag:s3] =	ssyncset.done $0x0  }
0x9e: {  	[sflag:s3] =	ssyncadd.s32 $0xFFFFF000  }
0x9f: {  	[spmem:s31] =	stream.linear.scatter [tilespmem:s24], [sflag:$0x7], $0x1000, $0x38;
	[tilespmem:$0x1ED00] =	vst v63  }
0xa0: {  	_ =	swait.ge [sflag:s3], $0x1000  }
0xa1: {  	s21 =	sld [smem:$0x7E5]  }
0xa2: {  	[sflag:s3] =	ssyncset.done $0x0  }
0xa3: {  	[sflag:s3] =	ssyncadd.s32 $0xFFFFF000  }
0xa4: {  	[spmem:s21] =	stream.linear.scatter [tilespmem:s24], [sflag:$0x7], $0x1000, $0x38;
	[tilespmem:$0x1ED00] =	vst v63  }
0xa5: {  	_ =	swait.ge [sflag:s3], $0x1000  }
0xa6: {  	s26 =	sld [smem:$0x7E6]  }
0xa7: {  	[sflag:s3] =	ssyncset.done $0x0  }
0xa8: {  	[sflag:s3] =	ssyncadd.s32 $0xFFFFF000  }
0xa9: {  	[spmem:s26] =	stream.linear.scatter [tilespmem:s24], [sflag:$0x7], $0x1000, $0x38;
	[tilespmem:$0x1ED00] =	vst v63  }
0xaa: {  	_ =	swait.ge [sflag:s3], $0x1000  }
0xab: {  	s28 =	sld [smem:$0x7E7]  }
0xac: {  	[sflag:s3] =	ssyncset.done $0x0  }
0xad: {  	[sflag:s3] =	ssyncadd.s32 $0xFFFFF000  }
0xae: {  	[spmem:s28] =	stream.linear.scatter [tilespmem:s24], [sflag:$0x7], $0x1000, $0x38;
	[tilespmem:$0x1ED00] =	vst v63  }
0xaf: {  	_ =	swait.ge [sflag:s3], $0x1000  }
0xb0: {  	s31 =	sld [smem:$0x7E8]  }
0xb1: {  	[sflag:s3] =	ssyncset.done $0x0  }
0xb2: {  	[sflag:s3] =	ssyncadd.s32 $0xFFFFF000  }
0xb3: {  	[spmem:s31] =	stream.linear.scatter [tilespmem:s24], [sflag:$0x7], $0x1000, $0x38;
	[tilespmem:$0x1ED00] =	vst v63  }
0xb4: {  	_ =	swait.ge [sflag:s3], $0x1000  }
0xb5: {  	s21 =	sld [smem:$0x7E9]  }
0xb6: {  	[sflag:s3] =	ssyncset.done $0x0  }
0xb7: {  	[sflag:s3] =	ssyncadd.s32 $0xFFFFF000  }
0xb8: {  	[spmem:s21] =	stream.linear.scatter [tilespmem:s24], [sflag:$0x7], $0x1000, $0x38;
	[tilespmem:$0x1ED00] =	vst v63  }
0xb9: {  	_ =	swait.ge [sflag:s3], $0x1000  }
0xba: {  	s26 =	sld [smem:$0x7EA]  }
0xbb: {  	[sflag:s3] =	ssyncset.done $0x0  }
0xbc: {  	[sflag:s3] =	ssyncadd.s32 $0xFFFFF000  }
0xbd: {  	[spmem:s26] =	stream.linear.scatter [tilespmem:s24], [sflag:$0x7], $0x1000, $0x38;
	[tilespmem:$0x1ED00] =	vst v63  }
0xbe: {  	_ =	swait.ge [sflag:s3], $0x1000  }
0xbf: {  	s28 =	sld [smem:$0x7EB]  }
0xc0: {  	[sflag:s3] =	ssyncset.done $0x0  }
0xc1: {  	[sflag:s3] =	ssyncadd.s32 $0xFFFFF000  }
0xc2: {  	[spmem:s28] =	stream.linear.scatter [tilespmem:s24], [sflag:$0x7], $0x1000, $0x38;
	[tilespmem:$0x1ED00] =	vst v63  }
0xc3: {  	_ =	swait.ge [sflag:s3], $0x1000  }
0xc4: {  	s31 =	sld [smem:$0x7EC]  }
0xc5: {  	[sflag:s3] =	ssyncset.done $0x0  }
0xc6: {  	[sflag:s3] =	ssyncadd.s32 $0xFFFFF000  }
0xc7: {  	[spmem:s31] =	stream.linear.scatter [tilespmem:s24], [sflag:$0x7], $0x1000, $0x38;
	[tilespmem:$0x1ED00] =	vst v63  }
0xc8: {  	_ =	swait.ge [sflag:s3], $0x1000  }
0xc9: {  	s21 =	sld [smem:$0x7ED]  }
0xca: {  	[sflag:s3] =	ssyncset.done $0x0  }
0xcb: {  	[sflag:s3] =	ssyncadd.s32 $0xFFFFF000  }
0xcc: {  	[spmem:s21] =	stream.linear.scatter [tilespmem:s24], [sflag:$0x7], $0x1000, $0x38;
	[tilespmem:$0x1ED00] =	vst v63  }
0xcd: {  	_ =	swait.ge [sflag:s3], $0x1000  }
0xce: {  	[sflag:s3] =	ssyncset.done $0x0  }
0xcf: {  	[sflag:s3] =	ssyncadd.s32 $0xFFFFF000  }
0xd0: {  	[spmem:s29] =	stream.linear.scatter [tilespmem:s24], [sflag:$0x7], $0x1000, $0x38;
	[tilespmem:$0x1ED00] =	vst v63  }
0xd1: {  	_ =	swait.ge [sflag:s3], $0x1000  }
0xd2: {  	s26 =	sld [smem:$0x7EE]  }
0xd3: {  	[sflag:s3] =	ssyncset.done $0x0  }
0xd4: {  	[sflag:s3] =	ssyncadd.s32 $0xFFFFF000  }
0xd5: {  	[spmem:s26] =	stream.linear.scatter [tilespmem:s24], [sflag:$0x7], $0x1000, $0x38;
	[tilespmem:$0x1ED00] =	vst v63  }
0xd6: {  	_ =	swait.ge [sflag:s3], $0x1000  }
0xd7: {  	s28 =	sld [smem:$0x7EF]  }
0xd8: {  	[sflag:s3] =	ssyncset.done $0x0  }
0xd9: {  	[sflag:s3] =	ssyncadd.s32 $0xFFFFF000  }
0xda: {  	[spmem:s28] =	stream.linear.scatter [tilespmem:s24], [sflag:$0x7], $0x1000, $0x38;
	[tilespmem:$0x1ED00] =	vst v63  }
0xdb: {  	_ =	swait.ge [sflag:s3], $0x1000  }
0xdc: {  	s29 =	sld [smem:$0x7F0]  }
0xdd: {  	[sflag:s3] =	ssyncset.done $0x0  }
0xde: {  	[sflag:s3] =	ssyncadd.s32 $0xFFFFF000  }
0xdf: {  	[spmem:s29] =	stream.linear.scatter [tilespmem:s24], [sflag:$0x7], $0x1000, $0x38;
	[tilespmem:$0x1ED00] =	vst v63  }
0xe0: {  	_ =	swait.ge [sflag:s3], $0x1000  }
0xe1: {  	s31 =	sld [smem:$0x7F1]  }
0xe2: {  	[sflag:s3] =	ssyncset.done $0x0  }
0xe3: {  	[sflag:s3] =	ssyncadd.s32 $0xFFFFF000  }
0xe4: {  	[spmem:s31] =	stream.linear.scatter [tilespmem:s4], [sflag:$0x7], $0x1000, $0x38;
	[tilespmem:$0x1ED00] =	vst v63  }
0xe5: {  	_ =	swait.ge [sflag:s3], $0x1000  }
0xe6: {  	s21 =	sld [smem:$0x7F2]  }
0xe7: {  	[sflag:s3] =	ssyncset.done $0x0  }
0xe8: {  	[sflag:s3] =	ssyncadd.s32 $0xFFFFF000  }
0xe9: {  	[spmem:s21] =	stream.linear.scatter [tilespmem:s4], [sflag:$0x7], $0x1000, $0x38;
	[tilespmem:$0x1ED00] =	vst v63  }
0xea: {  	_ =	swait.ge [sflag:s3], $0x1000  }
0xeb: {  	s26 =	sld [smem:$0x7F3]  }
0xec: {  	[sflag:s3] =	ssyncset.done $0x0  }
0xed: {  	[sflag:s3] =	ssyncadd.s32 $0xFFFFF000  }
0xee: {  	[spmem:s26] =	stream.linear.scatter [tilespmem:s4], [sflag:$0x7], $0x1000, $0x38;
	[tilespmem:$0x1ED00] =	vst v63  }
0xef: {  	_ =	swait.ge [sflag:s3], $0x1000  }
0xf0: {  	[sflag:s3] =	ssyncset.done $0x0  }
0xf1: {  	[sflag:s3] =	ssyncadd.s32 $0xFFFFF000  }
0xf2: {  	[bflag:$0x0] =	sbarrier.arrive $0xFFFF  }
0xf3: {  	s28 =	sld [smem:$0x7F4];
	_ =	sdelay $0x1  }
0xf4: {  	s29 =	sld [smem:$0x7F5]  }
0xf5: {  	[tilespmem:s5], [sflag:$0x3] =	stream.linear.gather [hbm4b:s28+s24], $0x20, $0x38;
	[tilespmem:$0x1ED00] =	vst v63  }
0xf6: {  	_ = 	snop  }
0xf7: {  	[tilespmem:s6], [sflag:$0x3] =	stream.linear.gather [hbm4b:s29+s24], $0x20, $0x38;
	[tilespmem:$0x1ED00] =	vst v63  }
0xf8: {  	_ =	swait.ge [sflag:s7], $0x20  }
0xf9: {  	[sflag:s7] =	ssyncset.done $0x0  }
0xfa: {  	[sflag:s7] =	ssyncadd.s32 $0xFFFFFFE0  }
0xfb: {  	_ =	swait.ge [sflag:s7], $0x20  }
0xfc: {  	[sflag:s7] =	ssyncset.done $0x0  }
0xfd: {  	[sflag:s7] =	ssyncadd.s32 $0xFFFFFFE0  }
0xfe: {  	[tilespmem:s9], [sflag:$0x1] =	stream.indirect.gather [hbm4b:s23+s8], $0x80, s5, s8, $0xb8;
	[tilespmem:$0x1ED00] =	vst v63  }
0xff: {  	_ = 	snop  }
0x100: {  	[tilespmem:s10], [sflag:$0x1] =	stream.indirect.gather [hbm4b:s23+s8], $0x80, s6, s8, $0xb8;
	[tilespmem:$0x1ED00] =	vst v63  }
0x101: {  	s26 =	simm.s32 $0x0;
	s31 =	rddreg [dreg:$0x0]  }
0x102: {  	[tilespmem:s24], [sflag:$0x3] =	stream.indirect.gather [hbm4b:s31+s8], $0x80, s5, s8, $0xb8;
	[tilespmem:$0x1ED00] =	vst v63  }
.LBB2_8:
0x103: {  	_ =	swait.ge [sflag:s11], $0x1000  }
0x104: {  	[sflag:s11] =	ssyncset.done $0x0  }
0x105: {  	[sflag:s11] =	ssyncadd.s32 $0xFFFFF000  }
0x106: {  	_ =	swait.ge [sflag:s11], $0x1000  }
0x107: {  	[sflag:s11] =	ssyncset.done $0x0  }
0x108: {  	[sflag:s11] =	ssyncadd.s32 $0xFFFFF000  }
0x109: {  	v11 =	vld.idx.msk [tilespmem:v0+s9+$0x0], $0xffff  }
0x10a: {  	v12 =	vld.idx.msk [tilespmem:v2+s10+$0x0], $0xffff  }
0x10b: {  	v13 =	vld.idx.msk [tilespmem:v3+s9+$0x0], $0xffff  }
0x10c: {  	v14 =	vld.idx.msk [tilespmem:v4+s10+$0x0], $0xffff;
	_ =	sdelay $0x3  }
0x10d: {  	v11 =	vadd.f32 v12, v11  }
0x10e: {  	v12 =	vadd.f32 v14, v13  }
0x10f: {  	v13 =	vmul.f32 $2.000000030e-01, v11  }
0x110: {  	v14 =	vld [tilespmem:$0x8100];
	vm0 =	vgt.f32 v11, $0.0e+00;
	v15 =	vmul.f32 $2.000000030e-01, v12  }
0x111: {  	vm13 =	vgt.f32 v12, $0.0e+00;
	v11 =	vsel vm0, v11, v13  }
0x112: {  	v12 =	vsel vm13, v12, v15;
	v11 =	vmul.f32 $1.442695020e+00, v11  }
0x113: {  	v12 =	vmul.f32 $1.442695020e+00, v12  }
0x114: {  	(erf) = vpow2.f32 v11  }
0x115: {  	v11 =	vshra.s32 v14, $0x1F;
	(erf) = vpow2.f32 v12  }
0x116: {  	v11 =	vshrl.u32 v11, $0x1D  }
0x117: {  	v11 =	vadd.s32 v11, v14  }
0x118: {  	v11 =	vshra.s32 v11, $0x3  }
0x119: {  	v12 =	vshll.u32 v11, $0x3  }
0x11a: {  	v12 =	vsub.s32 v14, v12  }
0x11b: {  	v13 =	vadd.s32 v0, v12  }
0x11c: {  	v12 =	vadd.s32 v5, v12  }
0x11d: {  	v14 =	vpop (erf)  }
0x11e: {  	v15 =	vpop (erf);
	[tilespmem:$0x8300] =	vst v14  }
0x11f: {  	[tilespmem:$0x8400] =	vst v15  }
0x120: {  	[tilespmem:v13+s4+$0x0] =	vst.idx.msk $0xffff, v14  }
0x121: {  	[tilespmem:v12+s4+$0x0] =	vst.idx.msk $0xffff, v15  }
0x122: {  	[tilespmem:$0x8200] =	vst v11  }
0x123: {  	v11 =	vld.idx.msk [tilespmem:v6+s9+$0x0], $0xffff  }
0x124: {  	v12 =	vld.idx.msk [tilespmem:v7+s10+$0x0], $0xffff  }
0x125: {  	v13 =	vld.idx.msk [tilespmem:v8+s9+$0x0], $0xffff  }
0x126: {  	v14 =	vld.idx.msk [tilespmem:v9+s10+$0x0], $0xffff;
	_ =	sdelay $0x3  }
0x127: {  	v11 =	vadd.f32 v12, v11  }
0x128: {  	v12 =	vadd.f32 v14, v13  }
0x129: {  	v13 =	vmul.f32 $2.000000030e-01, v11  }
0x12a: {  	vm14 =	vgt.f32 v11, $0.0e+00;
	v14 =	vmul.f32 $2.000000030e-01, v12  }
0x12b: {  	v15 =	vld [tilespmem:$0x8110];
	vm15 =	vgt.f32 v12, $0.0e+00;
	v11 =	vsel vm14, v11, v13  }
0x12c: {  	v12 =	vsel vm15, v12, v14;
	v11 =	vmul.f32 $1.442695020e+00, v11  }
0x12d: {  	v12 =	vmul.f32 $1.442695020e+00, v12  }
0x12e: {  	(erf) = vpow2.f32 v11  }
0x12f: {  	(erf) = vpow2.f32 v12  }
0x130: {  	v11 =	vshra.s32 v15, $0x1F  }
0x131: {  	v11 =	vshrl.u32 v11, $0x1D  }
0x132: {  	v11 =	vadd.s32 v11, v15  }
0x133: {  	v12 =	vand.u32 $0xFFFFFFF8, v11  }
0x134: {  	v12 =	vsub.s32 v15, v12  }
0x135: {  	v13 =	vadd.s32 v6, v12  }
0x136: {  	v12 =	vadd.s32 v10, v12  }
0x137: {  	v14 =	vpop (erf)  }
0x138: {  	v15 =	vpop (erf);
	[tilespmem:$0x8310] =	vst v14  }
0x139: {  	[tilespmem:$0x8410] =	vst v15  }
0x13a: {  	[tilespmem:v13+s4+$0x0] =	vst.idx.msk $0xffff, v14  }
0x13b: {  	p0 =	seq.s32 s26, $0x0;
	v11 =	vshra.s32 v11, $0x3;
	[tilespmem:v12+s4+$0x0] =	vst.idx.msk $0xffff, v15  }
0x13c: {  	s21 =	simm.s32 @!p0 $0x6;
	[tilespmem:$0x8210] =	vst v11  }
0x13d: {  	_ =	swait.ge @!p0 [sflag:s21], $0x1000  }
0x13e: {  	[sflag:s21] =	ssyncset.done @!p0 $0x0  }
0x13f: {  	[sflag:s21] =	ssyncadd.s32 @!p0 $0xFFFFF000  }
0x140: {  	_ =	swait.ge @!p0 [sflag:s21], $0x1000  }
0x141: {  	[sflag:s21] =	ssyncset.done @!p0 $0x0  }
0x142: {  	[sflag:s21] =	ssyncadd.s32 @!p0 $0xFFFFF000  }
0x143: {  	v11 =	vld @!p0 [tilespmem:$0x8180];
	_ =	sdelay $0x4  }
0x144: {  	v12 =	vshra.s32 @!p0 v11, $0x1F  }
0x145: {  	v12 =	vshrl.u32 @!p0 v12, $0x1D  }
0x146: {  	v12 =	vadd.s32 @!p0 v12, v11  }
0x147: {  	v13 =	vlaneseq.u32 @!p0;
	v12 =	vshrl.u32 @!p0 v12, $0x3  }
0x148: {  	v13 =	vmul.u32 @!p0 $0x80, v13;
	v12 =	vshll.u32 @!p0 v12, $0x3  }
0x149: {  	v11 =	vsub.s32 @!p0 v11, v12  }
0x14a: {  	v14 =	vor.u32 @!p0 $0x40, v13;
	v12 =	vadd.s32 @!p0 v13, v11  }
0x14b: {  	v11 =	vadd.s32 @!p0 v14, v11;
	_ =	sdelay $0x2  }
0x14c: {  	s28 =	simm.s32 @!p0 $0x7000;
	v14 =	vimm.f32 @!p0 $0.0e+00  }
0x14d: {  	[tilespmem:v12+s28+$0x0] =	vst.idx.msk @!p0 $0xffff, v14  }
0x14e: {  	[tilespmem:v11+s28+$0x0] =	vst.idx.msk @!p0 $0xffff, v14  }
0x14f: {  	v11 =	vld @!p0 [tilespmem:$0x8190];
	_ =	sdelay $0x4  }
0x150: {  	v12 =	vshra.s32 @!p0 v11, $0x1F  }
0x151: {  	v12 =	vshrl.u32 @!p0 v12, $0x1D  }
0x152: {  	v12 =	vadd.s32 @!p0 v12, v11  }
0x153: {  	v12 =	vshrl.u32 @!p0 v12, $0x3  }
0x154: {  	v12 =	vshll.u32 @!p0 v12, $0x3  }
0x155: {  	v11 =	vsub.s32 @!p0 v11, v12;
	v12 =	vor.u32 @!p0 $0x800, v13  }
0x156: {  	v13 =	vor.u32 @!p0 $0x840, v13;
	v12 =	vadd.s32 @!p0 v12, v11  }
0x157: {  	s0 =	sld [smem:$0x7F7];
	v11 =	vadd.s32 @!p0 v13, v11;
	_ =	sdelay $0x1  }
0x158: {  	s21 =	sshll.u32 s26, $0x6  }
0x159: {  	s29 =	sadd.s32 s21, s0  }
0x15a: {  	s0 =	rddreg [dreg:$0x2];
	s29 =	sshrl.u32 s29, $0x3;
	[tilespmem:v12+s28+$0x0] =	vst.idx.msk @!p0 $0xffff, v14  }
0x15b: {  	[tilespmem:v11+s28+$0x0] =	vst.idx.msk @!p0 $0xffff, v14;
	s28 =	sadd.s32 s0, s29  }
0x15c: {  	[tilespmem:s12], [sflag:$0x4] =	stream.linear.gather [hbm4b:s28+s24], $0x20, $0x38;
	[tilespmem:$0x1ED00] =	vst v63  }
0x15d: {  	s28 =	sadd.s32 s2, s29  }
0x15e: {  	[tilespmem:s13], [sflag:$0x4] =	stream.linear.gather [hbm4b:s28+s24], $0x20, $0x38;
	[tilespmem:$0x1ED00] =	vst v63  }
0x15f: {  	_ =	swait.ge [sflag:s14], $0x20  }
0x160: {  	[sflag:s14] =	ssyncset.done $0x0  }
0x161: {  	[sflag:s14] =	ssyncadd.s32 $0xFFFFFFE0  }
0x162: {  	_ =	swait.ge [sflag:s14], $0x20  }
0x163: {  	[sflag:s14] =	ssyncset.done $0x0  }
0x164: {  	[sflag:s14] =	ssyncadd.s32 $0xFFFFFFE0  }
0x165: {  	[tilespmem:s15], [sflag:$0x2] =	stream.indirect.gather [hbm4b:s23+s8], $0x80, s12, s8, $0xb8;
	[tilespmem:$0x1ED00] =	vst v63  }
0x166: {  	_ = 	snop  }
0x167: {  	[tilespmem:s16], [sflag:$0x2] =	stream.indirect.gather [hbm4b:s23+s8], $0x80, s13, s8, $0xb8;
	[tilespmem:$0x1ED00] =	vst v63  }
0x168: {  	s0 =	rddreg [dreg:$0x0]  }
0x169: {  	[tilespmem:s17], [sflag:$0x4] =	stream.indirect.gather [hbm4b:s0+s8], $0x80, s12, s8, $0xb8;
	[tilespmem:$0x1ED00] =	vst v63  }
0x16a: {  	_ =	swait.ge [sflag:s7], $0x1000  }
0x16b: {  	v11 =	vmov s24;
	[sflag:s7] =	ssyncset.done $0x0  }
0x16c: {  	s31 =	simm.s32 $0x40;
	[sflag:s7] =	ssyncadd.s32 $0xFFFFF000  }
0x16d: {  	v18 =	vld [tilespmem:s31+$0xFFFFFFF0]  }
0x16e: {  	v16 =	vld [tilespmem:s31+$0xFFFFFFC0]  }
0x16f: {  	v17 =	vld [tilespmem:s31+$0xFFFFFFD0]  }
0x170: {  	v14 =	vld.idx.msk [tilespmem:v11+s18+$0x0], $0xffff  }
0x171: {  	v12 =	vld.idx.msk [tilespmem:v11+s19+$0x0], $0xffff  }
0x172: {  	v21 =	vld [tilespmem:s31+$0x0]  }
0x173: {  	v13 =	vld [tilespmem:s31+$0xFFFFFFE0]  }
0x174: {  	v11 =	vld [tilespmem:s31+$0x30]  }
0x175: {  	v15 =	vld [tilespmem:s31+$0x20]  }
0x176: {  	v20 =	vmul.f32 v16, v14;
	v16 =	vld [tilespmem:s31+$0x10]  }
0x177: {  	v17 =	vmul.f32 v17, v14  }
0x178: {  	s29 =	simm.s32 $0x40;
	s28 =	simm.s32 $0x1;
	v19 =	vmul.f32 v18, v14;
	v18 =	vmul.f32 v21, v12  }
.LBB2_9:
0x179: {  	p0 =	sne.s32 s28, $0x1F  }
0x17a: {  	[tilespmem:s31+$0xFFFFFFC0] =	vst v20;
	v13 =	vmul.f32 v13, v14;
	v14 =	vmul.f32 v15, v12;
	s29 =	sadd.s32 $0x80, s29;
	s0 =	smov.u32 s28;
	s28 =	sadd.s32 $0x1, s28  }
0x17b: {  	v11 =	vmul.f32 v11, v12;
	[tilespmem:s31+$0xFFFFFFF0] =	vst v19;
	v15 =	vmul.f32 v16, v12  }
0x17c: {  	[tilespmem:s31+$0xFFFFFFD0] =	vst v17  }
0x17d: {  	v12 =	vmov s0;
	v19 =	vld [tilespmem:s29+$0xFFFFFFF0];
	[tilespmem:s31+$0x0] =	vst v18  }
0x17e: {  	v17 =	vld [tilespmem:s29+$0xFFFFFFC0];
	[tilespmem:s31+$0xFFFFFFE0] =	vst v13  }
0x17f: {  	v13 =	vld [tilespmem:s29+$0xFFFFFFE0];
	[tilespmem:s31+$0x30] =	vst v11  }
0x180: {  	v11 =	vld [tilespmem:s29+$0x30];
	[tilespmem:s31+$0x10] =	vst v15  }
0x181: {  	v18 =	vld [tilespmem:s29+$0xFFFFFFD0];
	[tilespmem:s31+$0x20] =	vst v14;
	s31 =	smov.u32 s29  }
0x182: {  	v14 =	vld.idx.msk [tilespmem:v12+s18+$0x0], $0xffff  }
0x183: {  	v12 =	vld.idx.msk [tilespmem:v12+s19+$0x0], $0xffff  }
0x184: {  	v21 =	vld [tilespmem:s29+$0x0]  }
.Ltmp3:
0x185: {  	v15 =	vld [tilespmem:s29+$0x20];
	(pc) =	sbr.rel @p0 .LBB2_9-.Ltmp3, $3  }
0x186: {  	v16 =	vld [tilespmem:s29+$0x10];
	_ =	sdelay $0x1  }
0x187: {  	v20 =	vmul.f32 v17, v14;
	v17 =	vmul.f32 v18, v14  }
0x188: {  	v19 =	vmul.f32 v19, v14;
	v18 =	vmul.f32 v21, v12  }
0x189: {  	[tilespmem:s31+$0xFFFFFFC0] =	vst v20  }
0x18a: {  	[tilespmem:s31+$0xFFFFFFD0] =	vst v17  }
0x18b: {  	v13 =	vmul.f32 v13, v14;
	[tilespmem:s31+$0xFFFFFFF0] =	vst v19  }
0x18c: {  	v11 =	vmul.f32 v11, v12;
	[tilespmem:s31+$0x0] =	vst v18  }
0x18d: {  	v14 =	vmul.f32 v16, v12;
	[tilespmem:s31+$0xFFFFFFE0] =	vst v13  }
0x18e: {  	v12 =	vmul.f32 v15, v12;
	[tilespmem:s31+$0x30] =	vst v11  }
0x18f: {  	[tilespmem:s31+$0x10] =	vst v14  }
0x190: {  	s0 =	rddreg [dreg:$0x6];
	[tilespmem:s31+$0x20] =	vst v12;
	s31 =	simm.s32 $0x0  }
0x191: {  	[spmem:s0] =	stream.indirect.scatter.add.f32 [tilespmem:s31], [sflag:$0x5], $0x80, s6, s8, $0xb8;
	[tilespmem:$0x1ED00] =	vst v63  }
0x192: {  	s28 =	simm.s32 $0x8200;
	s0 =	rddreg [dreg:$0x7]  }
0x193: {  	[spmem:s0] =	stream.indirect.scatter.add.f32 [tilespmem:s4], [sflag:$0x5], $0x80, s28, s8, $0xb8;
	[tilespmem:$0x1ED00] =	vst v63  }
0x194: {  	_ =	swait.ge [sflag:s22], $0x1000  }
0x195: {  	[sflag:s22] =	ssyncset.done $0x0  }
0x196: {  	[sflag:s22] =	ssyncadd.s32 $0xFFFFF000  }
0x197: {  	_ =	swait.ge [sflag:s22], $0x1000  }
0x198: {  	[sflag:s22] =	ssyncset.done $0x0  }
0x199: {  	[sflag:s22] =	ssyncadd.s32 $0xFFFFF000  }
0x19a: {  	v11 =	vld.idx.msk [tilespmem:v0+s15+$0x0], $0xffff  }
0x19b: {  	v12 =	vld.idx.msk [tilespmem:v2+s16+$0x0], $0xffff  }
0x19c: {  	v13 =	vld.idx.msk [tilespmem:v3+s15+$0x0], $0xffff  }
0x19d: {  	v14 =	vld.idx.msk [tilespmem:v4+s16+$0x0], $0xffff;
	_ =	sdelay $0x3  }
0x19e: {  	v11 =	vadd.f32 v12, v11  }
0x19f: {  	v12 =	vadd.f32 v14, v13  }
0x1a0: {  	v13 =	vmul.f32 $2.000000030e-01, v11  }
0x1a1: {  	v14 =	vld [tilespmem:$0x8180];
	vm0 =	vgt.f32 v11, $0.0e+00;
	v15 =	vmul.f32 $2.000000030e-01, v12  }
0x1a2: {  	vm13 =	vgt.f32 v12, $0.0e+00;
	v11 =	vsel vm0, v11, v13  }
0x1a3: {  	v12 =	vsel vm13, v12, v15;
	v11 =	vmul.f32 $1.442695020e+00, v11  }
0x1a4: {  	v12 =	vmul.f32 $1.442695020e+00, v12  }
0x1a5: {  	(erf) = vpow2.f32 v11  }
0x1a6: {  	v11 =	vshra.s32 v14, $0x1F;
	(erf) = vpow2.f32 v12  }
0x1a7: {  	v11 =	vshrl.u32 v11, $0x1D  }
0x1a8: {  	v11 =	vadd.s32 v11, v14  }
0x1a9: {  	v11 =	vshra.s32 v11, $0x3  }
0x1aa: {  	v12 =	vshll.u32 v11, $0x3  }
0x1ab: {  	v12 =	vsub.s32 v14, v12  }
0x1ac: {  	v13 =	vadd.s32 v0, v12  }
0x1ad: {  	v12 =	vadd.s32 v5, v12  }
0x1ae: {  	v14 =	vpop (erf)  }
0x1af: {  	v15 =	vpop (erf);
	[tilespmem:$0x8380] =	vst v14  }
0x1b0: {  	[tilespmem:$0x8480] =	vst v15  }
0x1b1: {  	[tilespmem:v13+s25+$0x0] =	vst.idx.msk $0xffff, v14  }
0x1b2: {  	[tilespmem:v12+s25+$0x0] =	vst.idx.msk $0xffff, v15  }
0x1b3: {  	[tilespmem:$0x8280] =	vst v11  }
0x1b4: {  	v11 =	vld.idx.msk [tilespmem:v6+s15+$0x0], $0xffff  }
0x1b5: {  	v12 =	vld.idx.msk [tilespmem:v7+s16+$0x0], $0xffff  }
0x1b6: {  	v13 =	vld.idx.msk [tilespmem:v8+s15+$0x0], $0xffff  }
0x1b7: {  	v14 =	vld.idx.msk [tilespmem:v9+s16+$0x0], $0xffff;
	_ =	sdelay $0x3  }
0x1b8: {  	v11 =	vadd.f32 v12, v11  }
0x1b9: {  	v12 =	vadd.f32 v14, v13  }
0x1ba: {  	v13 =	vmul.f32 $2.000000030e-01, v11  }
0x1bb: {  	vm14 =	vgt.f32 v11, $0.0e+00;
	v14 =	vmul.f32 $2.000000030e-01, v12  }
0x1bc: {  	v15 =	vld [tilespmem:$0x8190];
	vm15 =	vgt.f32 v12, $0.0e+00;
	v11 =	vsel vm14, v11, v13  }
0x1bd: {  	v12 =	vsel vm15, v12, v14;
	v11 =	vmul.f32 $1.442695020e+00, v11  }
0x1be: {  	v12 =	vmul.f32 $1.442695020e+00, v12  }
0x1bf: {  	(erf) = vpow2.f32 v11  }
0x1c0: {  	(erf) = vpow2.f32 v12  }
0x1c1: {  	v11 =	vshra.s32 v15, $0x1F  }
0x1c2: {  	v11 =	vshrl.u32 v11, $0x1D  }
0x1c3: {  	v11 =	vadd.s32 v11, v15  }
0x1c4: {  	v12 =	vand.u32 $0xFFFFFFF8, v11  }
0x1c5: {  	v12 =	vsub.s32 v15, v12  }
0x1c6: {  	v13 =	vadd.s32 v6, v12  }
0x1c7: {  	v12 =	vadd.s32 v10, v12  }
0x1c8: {  	v14 =	vpop (erf)  }
0x1c9: {  	v15 =	vpop (erf);
	[tilespmem:$0x8390] =	vst v14  }
0x1ca: {  	[tilespmem:$0x8490] =	vst v15  }
0x1cb: {  	[tilespmem:v13+s25+$0x0] =	vst.idx.msk $0xffff, v14  }
0x1cc: {  	v11 =	vshra.s32 v11, $0x3;
	[tilespmem:v12+s25+$0x0] =	vst.idx.msk $0xffff, v15  }
0x1cd: {  	[tilespmem:$0x8290] =	vst v11  }
0x1ce: {  	_ =	swait.ge [sflag:s30], $0x1000  }
0x1cf: {  	[sflag:s30] =	ssyncset.done $0x0  }
0x1d0: {  	[sflag:s30] =	ssyncadd.s32 $0xFFFFF000  }
0x1d1: {  	_ =	swait.ge [sflag:s30], $0x1000  }
0x1d2: {  	[sflag:s30] =	ssyncset.done $0x0  }
0x1d3: {  	[sflag:s30] =	ssyncadd.s32 $0xFFFFF000  }
0x1d4: {  	v11 =	vld [tilespmem:$0x8100];
	_ =	sdelay $0x4  }
0x1d5: {  	v12 =	vshra.s32 v11, $0x1F  }
0x1d6: {  	v12 =	vshrl.u32 v12, $0x1D  }
0x1d7: {  	v12 =	vadd.s32 v12, v11  }
0x1d8: {  	v12 =	vand.u32 $0xFFFFFFF8, v12  }
0x1d9: {  	v11 =	vsub.s32 v11, v12  }
0x1da: {  	v12 =	vadd.s32 v0, v11  }
0x1db: {  	v11 =	vadd.s32 v5, v11;
	_ =	sdelay $0x3  }
0x1dc: {  	[tilespmem:v12+s4+$0x0] =	vst.idx.msk $0xffff, v1  }
0x1dd: {  	[tilespmem:v11+s4+$0x0] =	vst.idx.msk $0xffff, v1  }
0x1de: {  	v11 =	vld [tilespmem:$0x8110];
	_ =	sdelay $0x4  }
0x1df: {  	v12 =	vshra.s32 v11, $0x1F  }
0x1e0: {  	v12 =	vshrl.u32 v12, $0x1D  }
0x1e1: {  	v12 =	vadd.s32 v12, v11  }
0x1e2: {  	s0 =	sld [smem:$0x7F8];
	v12 =	vand.u32 $0xFFFFFFF8, v12  }
0x1e3: {  	v11 =	vsub.s32 v11, v12  }
0x1e4: {  	v12 =	vadd.s32 v6, v11  }
0x1e5: {  	s0 =	sadd.s32 s21, s0;
	s21 =	sld [smem:$0x7F6];
	v11 =	vadd.s32 v10, v11;
	_ =	sdelay $0x2  }
0x1e6: {  	s0 =	smin.u32 s0, s21  }
0x1e7: {  	s21 =	rddreg [dreg:$0x2];
	s0 =	sshrl.u32 s0, $0x3;
	[tilespmem:v12+s4+$0x0] =	vst.idx.msk $0xffff, v1  }
0x1e8: {  	s21 =	sadd.s32 s21, s0;
	[tilespmem:v11+s4+$0x0] =	vst.idx.msk $0xffff, v1  }
0x1e9: {  	[tilespmem:s5], [sflag:$0x3] =	stream.linear.gather [hbm4b:s21+s31], $0x20, $0x38;
	[tilespmem:$0x1ED00] =	vst v63  }
0x1ea: {  	s0 =	sadd.s32 s2, s0  }
0x1eb: {  	[tilespmem:s6], [sflag:$0x3] =	stream.linear.gather [hbm4b:s0+s31], $0x20, $0x38;
	[tilespmem:$0x1ED00] =	vst v63  }
0x1ec: {  	_ =	swait.ge [sflag:s7], $0x20  }
0x1ed: {  	[sflag:s7] =	ssyncset.done $0x0  }
0x1ee: {  	[sflag:s7] =	ssyncadd.s32 $0xFFFFFFE0  }
0x1ef: {  	_ =	swait.ge [sflag:s7], $0x20  }
0x1f0: {  	[sflag:s7] =	ssyncset.done $0x0  }
0x1f1: {  	[sflag:s7] =	ssyncadd.s32 $0xFFFFFFE0  }
0x1f2: {  	[tilespmem:s9], [sflag:$0x1] =	stream.indirect.gather [hbm4b:s23+s8], $0x80, s5, s8, $0xb8;
	[tilespmem:$0x1ED00] =	vst v63  }
0x1f3: {  	_ = 	snop  }
0x1f4: {  	[tilespmem:s10], [sflag:$0x1] =	stream.indirect.gather [hbm4b:s23+s8], $0x80, s6, s8, $0xb8;
	[tilespmem:$0x1ED00] =	vst v63  }
0x1f5: {  	s21 =	rddreg [dreg:$0x0]  }
0x1f6: {  	[tilespmem:s31], [sflag:$0x3] =	stream.indirect.gather [hbm4b:s21+s8], $0x80, s5, s8, $0xb8;
	[tilespmem:$0x1ED00] =	vst v63  }
0x1f7: {  	_ =	swait.ge [sflag:s14], $0x1000  }
0x1f8: {  	v11 =	vmov s31;
	[sflag:s14] =	ssyncset.done $0x0  }
0x1f9: {  	s21 =	simm.s32 $0x1040;
	[sflag:s14] =	ssyncadd.s32 $0xFFFFF000  }
0x1fa: {  	v18 =	vld [tilespmem:s21+$0xFFFFFFF0]  }
0x1fb: {  	v16 =	vld [tilespmem:s21+$0xFFFFFFC0]  }
0x1fc: {  	v17 =	vld [tilespmem:s21+$0xFFFFFFD0]  }
0x1fd: {  	v14 =	vld.idx.msk [tilespmem:v11+s20+$0x0], $0xffff  }
0x1fe: {  	v12 =	vld.idx.msk [tilespmem:v11+s1+$0x0], $0xffff  }
0x1ff: {  	v21 =	vld [tilespmem:s21+$0x0]  }
0x200: {  	v13 =	vld [tilespmem:s21+$0xFFFFFFE0]  }
0x201: {  	v11 =	vld [tilespmem:s21+$0x30]  }
0x202: {  	v15 =	vld [tilespmem:s21+$0x20]  }
0x203: {  	v20 =	vmul.f32 v16, v14;
	v16 =	vld [tilespmem:s21+$0x10]  }
0x204: {  	v17 =	vmul.f32 v17, v14  }
0x205: {  	s29 =	simm.s32 $0x1040;
	s28 =	simm.s32 $0x1;
	v19 =	vmul.f32 v18, v14;
	v18 =	vmul.f32 v21, v12  }
.LBB2_11:
0x206: {  	p0 =	sne.s32 s28, $0x1F  }
0x207: {  	[tilespmem:s21+$0xFFFFFFC0] =	vst v20;
	v13 =	vmul.f32 v13, v14;
	v14 =	vmul.f32 v15, v12;
	s29 =	sadd.s32 $0x80, s29;
	s0 =	smov.u32 s28;
	s28 =	sadd.s32 $0x1, s28  }
0x208: {  	v11 =	vmul.f32 v11, v12;
	[tilespmem:s21+$0xFFFFFFF0] =	vst v19;
	v15 =	vmul.f32 v16, v12  }
0x209: {  	[tilespmem:s21+$0xFFFFFFD0] =	vst v17  }
0x20a: {  	v12 =	vmov s0;
	v19 =	vld [tilespmem:s29+$0xFFFFFFF0];
	[tilespmem:s21+$0x0] =	vst v18  }
0x20b: {  	v17 =	vld [tilespmem:s29+$0xFFFFFFC0];
	[tilespmem:s21+$0xFFFFFFE0] =	vst v13  }
0x20c: {  	v13 =	vld [tilespmem:s29+$0xFFFFFFE0];
	[tilespmem:s21+$0x30] =	vst v11  }
0x20d: {  	v11 =	vld [tilespmem:s29+$0x30];
	[tilespmem:s21+$0x10] =	vst v15  }
0x20e: {  	v18 =	vld [tilespmem:s29+$0xFFFFFFD0];
	[tilespmem:s21+$0x20] =	vst v14;
	s21 =	smov.u32 s29  }
0x20f: {  	v14 =	vld.idx.msk [tilespmem:v12+s20+$0x0], $0xffff  }
0x210: {  	v12 =	vld.idx.msk [tilespmem:v12+s1+$0x0], $0xffff  }
0x211: {  	v21 =	vld [tilespmem:s29+$0x0]  }
.Ltmp4:
0x212: {  	v15 =	vld [tilespmem:s29+$0x20];
	(pc) =	sbr.rel @p0 .LBB2_11-.Ltmp4, $3  }
0x213: {  	v16 =	vld [tilespmem:s29+$0x10];
	_ =	sdelay $0x1  }
0x214: {  	v20 =	vmul.f32 v17, v14;
	v17 =	vmul.f32 v18, v14  }
0x215: {  	v19 =	vmul.f32 v19, v14;
	v18 =	vmul.f32 v21, v12  }
0x216: {  	[tilespmem:s21+$0xFFFFFFC0] =	vst v20  }
0x217: {  	[tilespmem:s21+$0xFFFFFFD0] =	vst v17  }
0x218: {  	v13 =	vmul.f32 v13, v14;
	[tilespmem:s21+$0xFFFFFFF0] =	vst v19  }
0x219: {  	v11 =	vmul.f32 v11, v12;
	[tilespmem:s21+$0x0] =	vst v18  }
0x21a: {  	v63 =	vmul.f32 v15, v12;
	s26 =	sadd.s32 $0x1, s26;
	[tilespmem:s21+$0xFFFFFFE0] =	vst v13  }
0x21b: {  	v62 =	vmul.f32 v16, v12;
	p0 =	sne.s32 s26, $0xA2;
	[tilespmem:s21+$0x30] =	vst v11  }
.Ltmp5:
0x21c: {  	[tilespmem:s21+$0x20] =	vst v63;
	(pc) =	sbr.rel @p0 .LBB2_8-.Ltmp5, $4  }
0x21d: {  	s0 =	rddreg [dreg:$0x6];
	[tilespmem:s21+$0x10] =	vst v62  }
0x21e: {  	[spmem:s0] =	stream.indirect.scatter.add.f32 [tilespmem:s17], [sflag:$0x6], $0x80, s13, s8, $0xb8;
	[tilespmem:$0x1ED00] =	vst v63  }
0x21f: {  	s29 =	rddreg [dreg:$0x7];
	s31 =	simm.s32 $0x8280  }
0x220: {  	[spmem:s29] =	stream.indirect.scatter.add.f32 [tilespmem:s25], [sflag:$0x6], $0x80, s31, s8, $0xb8;
	[tilespmem:$0x1ED00] =	vst v63  }
0x221: {  	s0 =	simm.s32 $0x6  }
0x222: {  	_ =	swait.ge [sflag:s0], $0x1000  }
0x223: {  	[sflag:s0] =	ssyncset.done $0x0  }
0x224: {  	[sflag:s0] =	ssyncadd.s32 $0xFFFFF000  }
0x225: {  	_ =	swait.ge [sflag:s0], $0x1000  }
0x226: {  	[sflag:s0] =	ssyncset.done $0x0  }
0x227: {  	[sflag:s0] =	ssyncadd.s32 $0xFFFFF000  }
0x228: {  	v11 =	vld [tilespmem:$0x8180];
	_ =	sdelay $0x4  }
0x229: {  	v12 =	vshra.s32 v11, $0x1F  }
0x22a: {  	v12 =	vshrl.u32 v12, $0x1D  }
0x22b: {  	v12 =	vadd.s32 v12, v11  }
0x22c: {  	v12 =	vshrl.u32 v12, $0x3  }
0x22d: {  	v12 =	vshll.u32 v12, $0x3  }
0x22e: {  	v11 =	vsub.s32 v11, v12  }
0x22f: {  	v12 =	vadd.s32 v0, v11  }
0x230: {  	v11 =	vadd.s32 v5, v11;
	_ =	sdelay $0x3  }
0x231: {  	[tilespmem:v12+s25+$0x0] =	vst.idx.msk $0xffff, v1  }
0x232: {  	[tilespmem:v11+s25+$0x0] =	vst.idx.msk $0xffff, v1  }
0x233: {  	v11 =	vld [tilespmem:$0x8190];
	_ =	sdelay $0x4  }
0x234: {  	v63 =	vshra.s32 v11, $0x1F  }
0x235: {  	v12 =	vshrl.u32 v63, $0x1D  }
0x236: {  	v12 =	vadd.s32 v12, v11  }
0x237: {  	v12 =	vshrl.u32 v12, $0x3  }
0x238: {  	v12 =	vshll.u32 v12, $0x3  }
0x239: {  	v11 =	vsub.s32 v11, v12  }
0x23a: {  	v12 =	vadd.s32 v6, v11  }
0x23b: {  	v11 =	vadd.s32 v10, v11;
	_ =	sdelay $0x3  }
0x23c: {  	[tilespmem:v12+s25+$0x0] =	vst.idx.msk $0xffff, v1  }
0x23d: {  	[tilespmem:v11+s25+$0x0] =	vst.idx.msk $0xffff, v1  }
0x23e: {  	_ =	swait.ge [sflag:s11], $0x1000  }
0x23f: {  	[sflag:s11] =	ssyncset.done $0x0  }
0x240: {  	[sflag:s11] =	ssyncadd.s32 $0xFFFFF000  }
0x241: {  	_ =	swait.ge [sflag:s11], $0x1000  }
0x242: {  	[sflag:s11] =	ssyncset.done $0x0  }
0x243: {  	[sflag:s11] =	ssyncadd.s32 $0xFFFFF000  }
0x244: {  	_ =	swait.ge [sflag:s7], $0x1000  }
0x245: {  	[sflag:s7] =	ssyncset.done $0x0  }
0x246: {  	[sflag:s7] =	ssyncadd.s32 $0xFFFFF000  }
0x247: {  	[bflag:$0x0] =	sbarrier.arrive $0xFFFF  }
0x248: {  	s26 =	sld [smem:$0x7FB];
	_ =	sdelay $0x1  }
0x249: {  	s0 =	simm.s32 $0x0  }
0x24a: {  	[tilespmem:s0], [sflag:$0x7] =	stream.linear.gather [spmem:s26], $0x1000, $0x38;
	[tilespmem:$0x1ED00] =	vst v63  }
0x24b: {  	_ =	swait.ge [sflag:s3], $0x1000  }
0x24c: {  	[sflag:s3] =	ssyncset.done $0x0  }
0x24d: {  	s21 =	rddreg [dreg:$0x9];
	[sflag:s3] =	ssyncadd.s32 $0xFFFFF000  }
0x24e: {  	[hbm4b:s21+s0] =	stream.linear.scatter [tilespmem:s0], [sflag:$0x7], $0x1000, $0x38;
	[tilespmem:$0x1ED00] =	vst v63  }
0x24f: {  	_ =	swait.ge [sflag:s3], $0x1000  }
0x250: {  	s28 =	sld [smem:$0x7FC]  }
0x251: {  	[sflag:s3] =	ssyncset.done $0x0  }
0x252: {  	[sflag:s3] =	ssyncadd.s32 $0xFFFFF000  }
0x253: {  	[tilespmem:s0], [sflag:$0x7] =	stream.linear.gather [spmem:s28], $0x1000, $0x38;
	[tilespmem:$0x1ED00] =	vst v63  }
0x254: {  	_ =	swait.ge [sflag:s3], $0x1000  }
0x255: {  	[sflag:s3] =	ssyncset.done $0x0  }
0x256: {  	s24 =	rddreg [dreg:$0xa];
	[sflag:s3] =	ssyncadd.s32 $0xFFFFF000  }
0x257: {  	[hbm4b:s24+s0] =	stream.linear.scatter [tilespmem:s0], [sflag:$0x7], $0x1000, $0x38;
	[tilespmem:$0x1ED00] =	vst v63  }
0x258: {  	_ =	swait.ge [sflag:s3], $0x1000  }
0x259: {  	s31 =	sld [smem:$0x7E0]  }
0x25a: {  	[sflag:s3] =	ssyncset.done $0x0  }
0x25b: {  	[sflag:s3] =	ssyncadd.s32 $0xFFFFF000  }
0x25c: {  	[tilespmem:s0], [sflag:$0x7] =	stream.linear.gather [spmem:s31], $0x1000, $0x38;
	[tilespmem:$0x1ED00] =	vst v63  }
0x25d: {  	_ =	swait.ge [sflag:s3], $0x1000  }
0x25e: {  	[sflag:s3] =	ssyncset.done $0x0  }
0x25f: {  	s24 =	rddreg [dreg:$0xb];
	[sflag:s3] =	ssyncadd.s32 $0xFFFFF000  }
0x260: {  	[hbm4b:s24+s0] =	stream.linear.scatter [tilespmem:s0], [sflag:$0x7], $0x1000, $0x38;
	[tilespmem:$0x1ED00] =	vst v63  }
0x261: {  	_ =	swait.ge [sflag:s3], $0x1000  }
0x262: {  	s31 =	sld [smem:$0x7E1]  }
0x263: {  	[sflag:s3] =	ssyncset.done $0x0  }
0x264: {  	[sflag:s3] =	ssyncadd.s32 $0xFFFFF000  }
0x265: {  	[tilespmem:s0], [sflag:$0x7] =	stream.linear.gather [spmem:s31], $0x1000, $0x38;
	[tilespmem:$0x1ED00] =	vst v63  }
0x266: {  	_ =	swait.ge [sflag:s3], $0x1000  }
0x267: {  	[sflag:s3] =	ssyncset.done $0x0  }
0x268: {  	s24 =	rddreg [dreg:$0xc];
	[sflag:s3] =	ssyncadd.s32 $0xFFFFF000  }
0x269: {  	[hbm4b:s24+s0] =	stream.linear.scatter [tilespmem:s0], [sflag:$0x7], $0x1000, $0x38;
	[tilespmem:$0x1ED00] =	vst v63  }
0x26a: {  	_ =	swait.ge [sflag:s3], $0x1000  }
0x26b: {  	s31 =	sld [smem:$0x7E2]  }
0x26c: {  	[sflag:s3] =	ssyncset.done $0x0  }
0x26d: {  	[sflag:s3] =	ssyncadd.s32 $0xFFFFF000  }
0x26e: {  	[tilespmem:s0], [sflag:$0x7] =	stream.linear.gather [spmem:s31], $0x1000, $0x38;
	[tilespmem:$0x1ED00] =	vst v63  }
0x26f: {  	_ =	swait.ge [sflag:s3], $0x1000  }
0x270: {  	[sflag:s3] =	ssyncset.done $0x0  }
0x271: {  	s24 =	rddreg [dreg:$0xd];
	[sflag:s3] =	ssyncadd.s32 $0xFFFFF000  }
0x272: {  	[hbm4b:s24+s0] =	stream.linear.scatter [tilespmem:s0], [sflag:$0x7], $0x1000, $0x38;
	[tilespmem:$0x1ED00] =	vst v63  }
0x273: {  	_ =	swait.ge [sflag:s3], $0x1000  }
0x274: {  	s31 =	sld [smem:$0x7E3]  }
0x275: {  	[sflag:s3] =	ssyncset.done $0x0  }
0x276: {  	[sflag:s3] =	ssyncadd.s32 $0xFFFFF000  }
0x277: {  	[tilespmem:s0], [sflag:$0x7] =	stream.linear.gather [spmem:s31], $0x1000, $0x38;
	[tilespmem:$0x1ED00] =	vst v63  }
0x278: {  	_ =	swait.ge [sflag:s3], $0x1000  }
0x279: {  	[sflag:s3] =	ssyncset.done $0x0  }
0x27a: {  	s24 =	rddreg [dreg:$0xe];
	[sflag:s3] =	ssyncadd.s32 $0xFFFFF000  }
0x27b: {  	[hbm4b:s24+s0] =	stream.linear.scatter [tilespmem:s0], [sflag:$0x7], $0x1000, $0x38;
	[tilespmem:$0x1ED00] =	vst v63  }
0x27c: {  	_ =	swait.ge [sflag:s3], $0x1000  }
0x27d: {  	s31 =	sld [smem:$0x7E4]  }
0x27e: {  	[sflag:s3] =	ssyncset.done $0x0  }
0x27f: {  	[sflag:s3] =	ssyncadd.s32 $0xFFFFF000  }
0x280: {  	[tilespmem:s0], [sflag:$0x7] =	stream.linear.gather [spmem:s31], $0x1000, $0x38;
	[tilespmem:$0x1ED00] =	vst v63  }
0x281: {  	_ =	swait.ge [sflag:s3], $0x1000  }
0x282: {  	[sflag:s3] =	ssyncset.done $0x0  }
0x283: {  	s24 =	rddreg [dreg:$0xf];
	[sflag:s3] =	ssyncadd.s32 $0xFFFFF000  }
0x284: {  	[hbm4b:s24+s0] =	stream.linear.scatter [tilespmem:s0], [sflag:$0x7], $0x1000, $0x38;
	[tilespmem:$0x1ED00] =	vst v63  }
0x285: {  	_ =	swait.ge [sflag:s3], $0x1000  }
0x286: {  	s31 =	sld [smem:$0x7E5]  }
0x287: {  	[sflag:s3] =	ssyncset.done $0x0  }
0x288: {  	[sflag:s3] =	ssyncadd.s32 $0xFFFFF000  }
0x289: {  	[tilespmem:s0], [sflag:$0x7] =	stream.linear.gather [spmem:s31], $0x1000, $0x38;
	[tilespmem:$0x1ED00] =	vst v63  }
0x28a: {  	_ =	swait.ge [sflag:s3], $0x1000  }
0x28b: {  	[sflag:s3] =	ssyncset.done $0x0  }
0x28c: {  	s24 =	rddreg [dreg:$0x10];
	[sflag:s3] =	ssyncadd.s32 $0xFFFFF000  }
0x28d: {  	[hbm4b:s24+s0] =	stream.linear.scatter [tilespmem:s0], [sflag:$0x7], $0x1000, $0x38;
	[tilespmem:$0x1ED00] =	vst v63  }
0x28e: {  	_ =	swait.ge [sflag:s3], $0x1000  }
0x28f: {  	s31 =	sld [smem:$0x7E6]  }
0x290: {  	[sflag:s3] =	ssyncset.done $0x0  }
0x291: {  	[sflag:s3] =	ssyncadd.s32 $0xFFFFF000  }
0x292: {  	[tilespmem:s0], [sflag:$0x7] =	stream.linear.gather [spmem:s31], $0x1000, $0x38;
	[tilespmem:$0x1ED00] =	vst v63  }
0x293: {  	_ =	swait.ge [sflag:s3], $0x1000  }
0x294: {  	[sflag:s3] =	ssyncset.done $0x0  }
0x295: {  	s24 =	rddreg [dreg:$0x11];
	[sflag:s3] =	ssyncadd.s32 $0xFFFFF000  }
0x296: {  	[hbm4b:s24+s0] =	stream.linear.scatter [tilespmem:s0], [sflag:$0x7], $0x1000, $0x38;
	[tilespmem:$0x1ED00] =	vst v63  }
0x297: {  	_ =	swait.ge [sflag:s3], $0x1000  }
0x298: {  	s31 =	sld [smem:$0x7E7]  }
0x299: {  	[sflag:s3] =	ssyncset.done $0x0  }
0x29a: {  	[sflag:s3] =	ssyncadd.s32 $0xFFFFF000  }
0x29b: {  	[tilespmem:s0], [sflag:$0x7] =	stream.linear.gather [spmem:s31], $0x1000, $0x38;
	[tilespmem:$0x1ED00] =	vst v63  }
0x29c: {  	_ =	swait.ge [sflag:s3], $0x1000  }
0x29d: {  	[sflag:s3] =	ssyncset.done $0x0  }
0x29e: {  	s24 =	rddreg [dreg:$0x12];
	[sflag:s3] =	ssyncadd.s32 $0xFFFFF000  }
0x29f: {  	[hbm4b:s24+s0] =	stream.linear.scatter [tilespmem:s0], [sflag:$0x7], $0x1000, $0x38;
	[tilespmem:$0x1ED00] =	vst v63  }
0x2a0: {  	_ =	swait.ge [sflag:s3], $0x1000  }
0x2a1: {  	s31 =	sld [smem:$0x7E8]  }
0x2a2: {  	[sflag:s3] =	ssyncset.done $0x0  }
0x2a3: {  	[sflag:s3] =	ssyncadd.s32 $0xFFFFF000  }
0x2a4: {  	[tilespmem:s0], [sflag:$0x7] =	stream.linear.gather [spmem:s31], $0x1000, $0x38;
	[tilespmem:$0x1ED00] =	vst v63  }
0x2a5: {  	_ =	swait.ge [sflag:s3], $0x1000  }
0x2a6: {  	[sflag:s3] =	ssyncset.done $0x0  }
0x2a7: {  	s24 =	rddreg [dreg:$0x13];
	[sflag:s3] =	ssyncadd.s32 $0xFFFFF000  }
0x2a8: {  	[hbm4b:s24+s0] =	stream.linear.scatter [tilespmem:s0], [sflag:$0x7], $0x1000, $0x38;
	[tilespmem:$0x1ED00] =	vst v63  }
0x2a9: {  	_ =	swait.ge [sflag:s3], $0x1000  }
0x2aa: {  	s31 =	sld [smem:$0x7E9]  }
0x2ab: {  	[sflag:s3] =	ssyncset.done $0x0  }
0x2ac: {  	[sflag:s3] =	ssyncadd.s32 $0xFFFFF000  }
0x2ad: {  	[tilespmem:s0], [sflag:$0x7] =	stream.linear.gather [spmem:s31], $0x1000, $0x38;
	[tilespmem:$0x1ED00] =	vst v63  }
0x2ae: {  	_ =	swait.ge [sflag:s3], $0x1000  }
0x2af: {  	[sflag:s3] =	ssyncset.done $0x0  }
0x2b0: {  	s24 =	rddreg [dreg:$0x14];
	[sflag:s3] =	ssyncadd.s32 $0xFFFFF000  }
0x2b1: {  	[hbm4b:s24+s0] =	stream.linear.scatter [tilespmem:s0], [sflag:$0x7], $0x1000, $0x38;
	[tilespmem:$0x1ED00] =	vst v63  }
0x2b2: {  	_ =	swait.ge [sflag:s3], $0x1000  }
0x2b3: {  	s31 =	sld [smem:$0x7EA]  }
0x2b4: {  	[sflag:s3] =	ssyncset.done $0x0  }
0x2b5: {  	[sflag:s3] =	ssyncadd.s32 $0xFFFFF000  }
0x2b6: {  	[tilespmem:s0], [sflag:$0x7] =	stream.linear.gather [spmem:s31], $0x1000, $0x38;
	[tilespmem:$0x1ED00] =	vst v63  }
0x2b7: {  	_ =	swait.ge [sflag:s3], $0x1000  }
0x2b8: {  	[sflag:s3] =	ssyncset.done $0x0  }
0x2b9: {  	s24 =	rddreg [dreg:$0x15];
	[sflag:s3] =	ssyncadd.s32 $0xFFFFF000  }
0x2ba: {  	[hbm4b:s24+s0] =	stream.linear.scatter [tilespmem:s0], [sflag:$0x7], $0x1000, $0x38;
	[tilespmem:$0x1ED00] =	vst v63  }
0x2bb: {  	_ =	swait.ge [sflag:s3], $0x1000  }
0x2bc: {  	s31 =	sld [smem:$0x7EB]  }
0x2bd: {  	[sflag:s3] =	ssyncset.done $0x0  }
0x2be: {  	[sflag:s3] =	ssyncadd.s32 $0xFFFFF000  }
0x2bf: {  	[tilespmem:s0], [sflag:$0x7] =	stream.linear.gather [spmem:s31], $0x1000, $0x38;
	[tilespmem:$0x1ED00] =	vst v63  }
0x2c0: {  	_ =	swait.ge [sflag:s3], $0x1000  }
0x2c1: {  	[sflag:s3] =	ssyncset.done $0x0  }
0x2c2: {  	s24 =	rddreg [dreg:$0x16];
	[sflag:s3] =	ssyncadd.s32 $0xFFFFF000  }
0x2c3: {  	[hbm4b:s24+s0] =	stream.linear.scatter [tilespmem:s0], [sflag:$0x7], $0x1000, $0x38;
	[tilespmem:$0x1ED00] =	vst v63  }
0x2c4: {  	_ =	swait.ge [sflag:s3], $0x1000  }
0x2c5: {  	s31 =	sld [smem:$0x7EC]  }
0x2c6: {  	[sflag:s3] =	ssyncset.done $0x0  }
0x2c7: {  	[sflag:s3] =	ssyncadd.s32 $0xFFFFF000  }
0x2c8: {  	[tilespmem:s0], [sflag:$0x7] =	stream.linear.gather [spmem:s31], $0x1000, $0x38;
	[tilespmem:$0x1ED00] =	vst v63  }
0x2c9: {  	_ =	swait.ge [sflag:s3], $0x1000  }
0x2ca: {  	[sflag:s3] =	ssyncset.done $0x0  }
0x2cb: {  	s24 =	rddreg [dreg:$0x17];
	[sflag:s3] =	ssyncadd.s32 $0xFFFFF000  }
0x2cc: {  	[hbm4b:s24+s0] =	stream.linear.scatter [tilespmem:s0], [sflag:$0x7], $0x1000, $0x38;
	[tilespmem:$0x1ED00] =	vst v63  }
0x2cd: {  	_ =	swait.ge [sflag:s3], $0x1000  }
0x2ce: {  	s31 =	sld [smem:$0x7ED]  }
0x2cf: {  	[sflag:s3] =	ssyncset.done $0x0  }
0x2d0: {  	[sflag:s3] =	ssyncadd.s32 $0xFFFFF000  }
0x2d1: {  	[tilespmem:s0], [sflag:$0x7] =	stream.linear.gather [spmem:s31], $0x1000, $0x38;
	[tilespmem:$0x1ED00] =	vst v63  }
0x2d2: {  	_ =	swait.ge [sflag:s3], $0x1000  }
0x2d3: {  	[sflag:s3] =	ssyncset.done $0x0  }
0x2d4: {  	s24 =	rddreg [dreg:$0x18];
	[sflag:s3] =	ssyncadd.s32 $0xFFFFF000  }
0x2d5: {  	[hbm4b:s24+s0] =	stream.linear.scatter [tilespmem:s0], [sflag:$0x7], $0x1000, $0x38;
	[tilespmem:$0x1ED00] =	vst v63  }
0x2d6: {  	_ =	swait.ge [sflag:s3], $0x1000  }
0x2d7: {  	s29 =	sld [smem:$0x7FD]  }
0x2d8: {  	[sflag:s3] =	ssyncset.done $0x0  }
0x2d9: {  	[sflag:s3] =	ssyncadd.s32 $0xFFFFF000  }
0x2da: {  	[tilespmem:s0], [sflag:$0x7] =	stream.linear.gather [spmem:s29], $0x1000, $0x38;
	[tilespmem:$0x1ED00] =	vst v63  }
0x2db: {  	_ =	swait.ge [sflag:s3], $0x1000  }
0x2dc: {  	[sflag:s3] =	ssyncset.done $0x0  }
0x2dd: {  	s31 =	rddreg [dreg:$0x19];
	[sflag:s3] =	ssyncadd.s32 $0xFFFFF000  }
0x2de: {  	[hbm4b:s31+s0] =	stream.linear.scatter [tilespmem:s0], [sflag:$0x7], $0x1000, $0x38;
	[tilespmem:$0x1ED00] =	vst v63  }
0x2df: {  	_ =	swait.ge [sflag:s3], $0x1000  }
0x2e0: {  	s24 =	sld [smem:$0x7EE]  }
0x2e1: {  	[sflag:s3] =	ssyncset.done $0x0  }
0x2e2: {  	[sflag:s3] =	ssyncadd.s32 $0xFFFFF000  }
0x2e3: {  	[tilespmem:s0], [sflag:$0x7] =	stream.linear.gather [spmem:s24], $0x1000, $0x38;
	[tilespmem:$0x1ED00] =	vst v63  }
0x2e4: {  	_ =	swait.ge [sflag:s3], $0x1000  }
0x2e5: {  	[sflag:s3] =	ssyncset.done $0x0  }
0x2e6: {  	s31 =	rddreg [dreg:$0x1a];
	[sflag:s3] =	ssyncadd.s32 $0xFFFFF000  }
0x2e7: {  	[hbm4b:s31+s0] =	stream.linear.scatter [tilespmem:s0], [sflag:$0x7], $0x1000, $0x38;
	[tilespmem:$0x1ED00] =	vst v63  }
0x2e8: {  	_ =	swait.ge [sflag:s3], $0x1000  }
0x2e9: {  	s24 =	sld [smem:$0x7EF]  }
0x2ea: {  	[sflag:s3] =	ssyncset.done $0x0  }
0x2eb: {  	[sflag:s3] =	ssyncadd.s32 $0xFFFFF000  }
0x2ec: {  	[tilespmem:s0], [sflag:$0x7] =	stream.linear.gather [spmem:s24], $0x1000, $0x38;
	[tilespmem:$0x1ED00] =	vst v63  }
0x2ed: {  	_ =	swait.ge [sflag:s3], $0x1000  }
0x2ee: {  	[sflag:s3] =	ssyncset.done $0x0  }
0x2ef: {  	s31 =	rddreg [dreg:$0x1b];
	[sflag:s3] =	ssyncadd.s32 $0xFFFFF000  }
0x2f0: {  	[hbm4b:s31+s0] =	stream.linear.scatter [tilespmem:s0], [sflag:$0x7], $0x1000, $0x38;
	[tilespmem:$0x1ED00] =	vst v63  }
0x2f1: {  	_ =	swait.ge [sflag:s3], $0x1000  }
0x2f2: {  	s24 =	sld [smem:$0x7F0]  }
0x2f3: {  	[sflag:s3] =	ssyncset.done $0x0  }
0x2f4: {  	[sflag:s3] =	ssyncadd.s32 $0xFFFFF000  }
0x2f5: {  	[tilespmem:s0], [sflag:$0x7] =	stream.linear.gather [spmem:s24], $0x1000, $0x38;
	[tilespmem:$0x1ED00] =	vst v63  }
0x2f6: {  	_ =	swait.ge [sflag:s3], $0x1000  }
0x2f7: {  	[sflag:s3] =	ssyncset.done $0x0  }
0x2f8: {  	s31 =	rddreg [dreg:$0x1c];
	[sflag:s3] =	ssyncadd.s32 $0xFFFFF000  }
0x2f9: {  	[hbm4b:s31+s0] =	stream.linear.scatter [tilespmem:s0], [sflag:$0x7], $0x1000, $0x38;
	[tilespmem:$0x1ED00] =	vst v63  }
0x2fa: {  	_ =	swait.ge [sflag:s3], $0x1000  }
0x2fb: {  	s24 =	sld [smem:$0x7F1]  }
0x2fc: {  	[sflag:s3] =	ssyncset.done $0x0  }
0x2fd: {  	[sflag:s3] =	ssyncadd.s32 $0xFFFFF000  }
0x2fe: {  	[tilespmem:s4], [sflag:$0x7] =	stream.linear.gather [spmem:s24], $0x1000, $0x38;
	[tilespmem:$0x1ED00] =	vst v63  }
0x2ff: {  	_ =	swait.ge [sflag:s3], $0x1000  }
0x300: {  	[sflag:s3] =	ssyncset.done $0x0  }
0x301: {  	s31 =	rddreg [dreg:$0x1d];
	[sflag:s3] =	ssyncadd.s32 $0xFFFFF000  }
0x302: {  	[hbm4b:s31+s0] =	stream.linear.scatter [tilespmem:s4], [sflag:$0x7], $0x1000, $0x38;
	[tilespmem:$0x1ED00] =	vst v63  }
0x303: {  	_ =	swait.ge [sflag:s3], $0x1000  }
0x304: {  	s24 =	sld [smem:$0x7F2]  }
0x305: {  	[sflag:s3] =	ssyncset.done $0x0  }
0x306: {  	[sflag:s3] =	ssyncadd.s32 $0xFFFFF000  }
0x307: {  	[tilespmem:s4], [sflag:$0x7] =	stream.linear.gather [spmem:s24], $0x1000, $0x38;
	[tilespmem:$0x1ED00] =	vst v63  }
0x308: {  	_ =	swait.ge [sflag:s3], $0x1000  }
0x309: {  	[sflag:s3] =	ssyncset.done $0x0  }
0x30a: {  	s31 =	rddreg [dreg:$0x1e];
	[sflag:s3] =	ssyncadd.s32 $0xFFFFF000  }
0x30b: {  	[hbm4b:s31+s0] =	stream.linear.scatter [tilespmem:s4], [sflag:$0x7], $0x1000, $0x38;
	[tilespmem:$0x1ED00] =	vst v63  }
0x30c: {  	_ =	swait.ge [sflag:s3], $0x1000  }
0x30d: {  	s24 =	sld [smem:$0x7F3]  }
0x30e: {  	[sflag:s3] =	ssyncset.done $0x0  }
0x30f: {  	[sflag:s3] =	ssyncadd.s32 $0xFFFFF000  }
0x310: {  	[tilespmem:s4], [sflag:$0x7] =	stream.linear.gather [spmem:s24], $0x1000, $0x38;
	[tilespmem:$0x1ED00] =	vst v63  }
0x311: {  	_ =	swait.ge [sflag:s3], $0x1000  }
0x312: {  	[sflag:s3] =	ssyncset.done $0x0  }
0x313: {  	s31 =	rddreg [dreg:$0x1f];
	[sflag:s3] =	ssyncadd.s32 $0xFFFFF000  }
0x314: {  	[hbm4b:s31+s0] =	stream.linear.scatter [tilespmem:s4], [sflag:$0x7], $0x1000, $0x38;
	[tilespmem:$0x1ED00] =	vst v63  }
0x315: {  	_ =	swait.ge [sflag:s3], $0x1000  }
0x316: {  	s24 =	sld [smem:$0x7DF]  }
0x317: {  	s31 =	sld [smem:$0x7FA];
	_ =	sdelay $0x1  }
0x318: {  	s21 =	sadd.s32 $0x1, s24  }
0x319: {  	p0 =	sne.s32 s21, s31  }
.Ltmp6:
0x31a: {  	_ = 	snop;
	(pc) =	sbr.rel @p0 .LBB2_1-.Ltmp6, $3  }
0x31b: {  	_ =	sdelay $0x1  }
0x31c: {  	[sflag:s3] =	ssyncset.done $0x0  }
0x31d: {  	[sflag:s3] =	ssyncadd.s32 $0xFFFFF000  }
0x31e: {  	_ =	sfence.sel $0x180000  }
0x31f: {  	[bflag:$0x0] =	sbarrier.arrive $0xFFFF  }
0x320: {  	_ =	strace $0x90000047  }
0x321: {  	s0 =	stileid.u32;
	[bflag:$0x2] =	sbarrier.arrive $0xFFFF  }
0x322: {  	p0 =	sne.s32 s0, $0x0;
	s0 =	rddreg [dreg:$0x8]  }
0x323: {  	s0 =	sadd.s32 @!p0 $0x100000, s0  }
0x324: {  	[sflag:s0] =	ssyncadd.tile.s32 @!p0 $0x1;
	_ =	shalt  }
.Lfunc_end2:
_tile_overlayer_lowered:
.L_overlay_start_2:
0x325: {  	(tag) =	ssettag $0x2  }
0x326: {  	s0 =	rddreg [dreg:$0x0];
	s2 =	stileid.u32  }
0x327: {  	s1 =	rddreg [dreg:$0x1];
	p0 =	sne.s32 s2, $0x0  }
0x328: {  	s3 =	rddreg [dreg:$0x2];
	[bflag:$0x3] =	sbarrier.arrive $0xFFFF;
	s2 =	simm.s32 @!p0 $0x1C07  }
0x329: {  	[timem:s3], [sflag:s2] =	dma.local @!p0 [hbm:s0], s1  }
0x32a: {  	s0 =	simm.s32 @!p0 $0x7  }
0x32b: {  	_ =	swait.ge @!p0 [sflag:s0], s1  }
0x32c: {  	s1 =	ssub.s32 @!p0 $0x0, s1;
	[sflag:s0] =	ssyncset.done @!p0 $0x0  }
0x32d: {  	[sflag:s0] =	ssyncadd.s32 @!p0 s1  }
0x32e: {  	[bflag:$0x3] =	sbarrier.arrive $0xFFFF  }
0x32f: {  	_ =	shalt  }

</sc_bundles>
